<compile_context>
chip_gen: v7x
topology: tpu7x:2x2x1
jax: 0.10.2.dev20260603
libtpu: 0.0.44.dev20260713+nightly
codegen_flags: <defaults>
</compile_context>

<pallas_src>
import jax
import jax.numpy as jnp
from jax import lax
from jax.experimental import pallas as pl
from jax.experimental.pallas import tpu as pltpu
from jax.experimental.pallas import tpu_sc as plsc

_B, _C, _Z, _H, _W = 2, 4, 64, 128, 128
_ROW = _H * _W
_NELEM = _B * _C * _Z * _H * _W
_INV = 1.0 / _NELEM

_ZS = 8
_Z0 = _Z - _ZS

_LOG2E = 1.4426950408889634
_LN2 = 0.6931471805599453

_ZB = 8


def _tc_body(pred_ref, gt_ref, w_ref, out_ref):
    g = gt_ref[...]
    acc = jnp.zeros_like(g, dtype=jnp.float32)
    for c in range(_C):
        t = pred_ref[0, c][None] * _LOG2E
        l = jnp.log2(1.0 + jnp.exp2(t))
        acc += jnp.where(g == c, w_ref[c] * (l - t), l)
    part = jnp.sum(acc) * (_LN2 * _INV)

    @pl.when((pl.program_id(0) == 0) & (pl.program_id(1) == 0))
    def _init():
        out_ref[...] = jnp.zeros_like(out_ref)

    out_ref[...] += part


def _kernel_tc(pred, gt, weights, z_lo, z_hi):
    grid = (_B, (z_hi - z_lo) // _ZB)
    zb0 = z_lo // _ZB
    out = pl.pallas_call(
        _tc_body,
        grid=grid,
        in_specs=[
            pl.BlockSpec((1, _C, _ZB, _H, _W), lambda b, z: (b, 0, z + zb0, 0, 0)),
            pl.BlockSpec((1, _ZB, _H, _W), lambda b, z: (b, z + zb0, 0, 0)),
            pl.BlockSpec(memory_space=pltpu.SMEM),
        ],
        out_specs=pl.BlockSpec((1, 1), lambda b, z: (0, 0)),
        out_shape=jax.ShapeDtypeStruct((1, 1), jnp.float32),
    )(pred, gt, weights)
    return out[0, 0]


_NC, _NS = 2, 16
_NW = _NC * _NS
_NBZS = _B * _ZS
_WPB = _NW // _NBZS
_CPW = _C // _WPB

_P0 = 2.2132784e-05
_P1 = 0.999010209
_P2 = -0.489155782
_P3 = 0.283302384
_P4 = -0.13011793
_P5 = 0.0301022476


def _sc_body(pred_hbm, gt_hbm, w_hbm, out_hbm, pbuf, gbuf, wbuf, obuf,
             psem0, psem1, gsem):
    wid = lax.axis_index("c") * _NS + lax.axis_index("s")
    pltpu.sync_copy(w_hbm, wbuf)
    wvec = wbuf[...]
    psem = (psem0, psem1)

    bz = wid // _WPB
    cb0 = (wid % _WPB) * _CPW
    b = bz // _ZS
    z = _Z0 + (bz - b * _ZS)

    gcopy = pltpu.async_copy(gt_hbm.at[b, z], gbuf, gsem)
    pcopy = [None] * _CPW
    pcopy[0] = pltpu.async_copy(pred_hbm.at[b, cb0, z], pbuf.at[0], psem[0])

    acc = jnp.zeros((16,), jnp.float32)
    for ci in range(_CPW):
        if ci + 1 < _CPW:
            pcopy[ci + 1] = pltpu.async_copy(
                pred_hbm.at[b, cb0 + ci + 1, z], pbuf.at[(ci + 1) % 2],
                psem[(ci + 1) % 2])
        pcopy[ci].wait()
        if ci == 0:
            gcopy.wait()
        c = cb0 + ci
        w_sel = wvec[3]
        for cc in (2, 1, 0):
            w_sel = jnp.where(c == cc, wvec[cc], w_sel)
        pb = pbuf.at[ci % 2]

        def body(i, a, c=c, pwc=w_sel, pb=pb):
            r = i // 8
            col = (i - r * 8) * 16
            x = pb[r, pl.ds(col, 16)]
            g = gbuf[r, pl.ds(col, 16)]
            e = jnp.exp(-jnp.abs(x))
            l = _P0 + e * (_P1 + e * (_P2 + e * (_P3 + e * (_P4 + e * _P5))))
            sp = jnp.maximum(x, 0.0) + l
            return a + jnp.where(g == c, pwc * (sp - x), sp)

        acc = lax.fori_loop(0, _ROW // 16, body, acc, unroll=16)
    obuf[...] = acc * _INV
    pltpu.sync_copy(obuf, out_hbm.at[wid])


def _kernel_sc(pred, gt, weights):
    wpad = jnp.pad(weights, (0, 16 - _C))
    mesh = plsc.VectorSubcoreMesh(core_axis_name="c", subcore_axis_name="s")
    call = pl.kernel(
        _sc_body,
        out_type=jax.ShapeDtypeStruct((_NW, 16), jnp.float32),
        mesh=mesh,
        scratch_types=[
            pltpu.VMEM((2, _H, _W), jnp.float32),
            pltpu.VMEM((_H, _W), jnp.int32),
            pltpu.VMEM((16,), jnp.float32),
            pltpu.VMEM((16,), jnp.float32),
            pltpu.SemaphoreType.DMA,
            pltpu.SemaphoreType.DMA,
            pltpu.SemaphoreType.DMA,
        ],
    )
    return jnp.sum(call(pred, gt, wpad))


def kernel(pred, gt, weights):
    sc_part = _kernel_sc(pred, gt, weights)
    tc_part = _kernel_tc(pred, gt, weights, 0, _Z0)
    return tc_part + sc_part

# --- scband reference (transcript-rebuilt; emitter-appended) ---
"""Pipeline reference for scband-bcewith-logits-loss-18545668784848 (READ-ONLY COPY).

The authoritative reference and input builder live on the scoring server;
editing this copy changes nothing except your own understanding.
"""

import jax, jax.numpy as jnp
import numpy as np


def setup_inputs(seed: int = 0) -> dict:
    key = jax.random.key(seed)
    k1, k2 = jax.random.split(key)
    pred = jax.random.normal(k1, (2, 4, 64, 128, 128), dtype=jnp.float32)
    gt = jax.random.randint(k2, (2, 64, 128, 128), 0, 4, dtype=jnp.int32)
    # pos_weight vector (one per class), from init_kwargs `weights`
    weights = jnp.array([1.0, 2.0, 0.5, 1.5], dtype=jnp.float32)
    return {"pred": pred, "gt": gt, "weights": weights}


def reference(pred, gt, weights):
    # Multi-class branch of BCEWithLogitsLoss.forward (pred.shape[1] > 1)
    B, C, Z, H, W = pred.shape
    gt_flat = gt.reshape(-1)
    N = gt_flat.shape[0]
    # gt_onehot.scatter_(1, gt_flat, 1) -> scatter-overwrite into zeros
    gt_onehot = jnp.zeros((N, C), dtype=jnp.float32).at[jnp.arange(N), gt_flat].set(1.0)
    z = gt_onehot.reshape(B, Z, H, W, C)
    # pred.permute(0, 2, 3, 4, 1)
    x = jnp.transpose(pred, (0, 2, 3, 4, 1))
    # BCEWithLogitsLoss with pos_weight pw (broadcast over last dim), reduction='mean':
    # l = pw * z * softplus(-x) + (1 - z) * softplus(x)
    pw = weights  # shape [C]
    loss = pw * z * jax.nn.softplus(-x) + (1.0 - z) * jax.nn.softplus(x)
    return jnp.mean(loss)

if __name__ == "__main__":
    import jax
    _d = setup_inputs()
    print(jax.jit(kernel)(*tuple(_d.values())))

</pallas_src>

<mosaic_0001>
#map = affine_map<(d0, d1) -> (0, 0, 0, 0, 0)>
#map1 = affine_map<(d0, d1) -> (0, 0, 0, 0)>
#map2 = affine_map<(d0, d1) -> (0)>
#map3 = affine_map<(d0, d1) -> (0, 0)>
module attributes {stable_mosaic.version = 14 : i64} {
  func.func @_sc_body(%arg0: i32, %arg1: i32, %arg2: memref<2x4x64x128x128xf32, #tpu.memory_space<hbm>>, %arg3: memref<2x64x128x128xi32, #tpu.memory_space<hbm>>, %arg4: memref<16xf32, #tpu.memory_space<hbm>>, %arg5: memref<32x16xf32, #tpu.memory_space<hbm>>, %arg6: memref<2x128x128xf32, #tpu.memory_space<vmem>>, %arg7: memref<128x128xi32, #tpu.memory_space<vmem>>, %arg8: memref<16xf32, #tpu.memory_space<vmem>>, %arg9: memref<16xf32, #tpu.memory_space<vmem>>, %arg10: memref<!tpu.dma_semaphore, #tpu.memory_space<semaphore_mem>>, %arg11: memref<!tpu.dma_semaphore, #tpu.memory_space<semaphore_mem>>, %arg12: memref<!tpu.dma_semaphore, #tpu.memory_space<semaphore_mem>>) attributes {dimension_semantics = [#tpu.dimension_semantics<core_parallel>, #tpu.dimension_semantics<subcore_parallel>], iteration_bounds = array<i64: 2, 16>, scalar_prefetch = 0 : i64, scratch_operands = 7 : i64, tpu.core_type = #tpu.core_type<sc_vector_subcore>, window_params = [{transform_indices = #map}, {transform_indices = #map1}, {transform_indices = #map2}, {transform_indices = #map3}]} {
    %mul3A = arith.constant 16 : i32
    %mul3A_0 = arith.muli %arg0, %mul3A : i32
    %add3A = arith.addi %mul3A_0, %arg1 : i32
    "tpu.region"() ({
      %run_scoped3A = tpu.sem_alloc : memref<!tpu.dma_semaphore, #tpu.memory_space<semaphore_mem>>
      tpu.enqueue_dma source(%arg4 : memref<16xf32, #tpu.memory_space<hbm>>) target(%arg8 : memref<16xf32, #tpu.memory_space<vmem>>) target_semaphore(%run_scoped3A : memref<!tpu.dma_semaphore, #tpu.memory_space<semaphore_mem>>)
      tpu.wait_dma2 semaphore(%run_scoped3A : memref<!tpu.dma_semaphore, #tpu.memory_space<semaphore_mem>>) src(%arg4 : memref<16xf32, #tpu.memory_space<hbm>>) dst(%arg8 : memref<16xf32, #tpu.memory_space<vmem>>)
      tpu.yield
    }) : () -> ()
    %get3A = arith.constant 0 : index
    %get3A_1 = tpu.vector_load %arg8[%get3A] {strides = array<i32>} : memref<16xf32, #tpu.memory_space<vmem>>, vector<16xf32>,
    %get3A_2 = vector.shape_cast %get3A_1 : vector<16xf32> to vector<16xf32>
    %jit3A = arith.constant 2 : i32
    %div3A = arith.divsi %add3A, %jit3A : i32
    %sign3A = arith.constant 0 : i32
    %sign3A_3 = arith.cmpi sgt, %add3A, %sign3A : i32
    %sign3A_4 = arith.extui %sign3A_3 : i1 to i32
    %sign3A_5 = arith.constant 0 : i32
    %sign3A_6 = arith.cmpi slt, %add3A, %sign3A_5 : i32
    %sign3A_7 = arith.extui %sign3A_6 : i1 to i32
    %sign3A_8 = arith.subi %sign3A_4, %sign3A_7 : i32
    %sign3A_9 = arith.constant 0 : i32
    %sign3A_10 = arith.cmpi sgt, %jit3A, %sign3A_9 : i32
    %sign3A_11 = arith.extui %sign3A_10 : i1 to i32
    %sign3A_12 = arith.constant 0 : i32
    %sign3A_13 = arith.cmpi slt, %jit3A, %sign3A_12 : i32
    %sign3A_14 = arith.extui %sign3A_13 : i1 to i32
    %sign3A_15 = arith.subi %sign3A_11, %sign3A_14 : i32
    %ne3A = arith.cmpi ne, %sign3A_8, %sign3A_15 : i32
    %rem3A = arith.remsi %add3A, %jit3A : i32
    %ne3A_16 = arith.constant 0 : i32
    %ne3A_17 = arith.cmpi ne, %rem3A, %ne3A_16 : i32
    %and3A = arith.andi %ne3A, %ne3A_17 : i1
    %sub3A = arith.constant 1 : i32
    %sub3A_18 = arith.subi %div3A, %sub3A : i32
    %select_n3A = arith.select %and3A, %sub3A_18, %div3A : i32
    %jit3A_19 = arith.constant 2 : i32
    %eq3A = arith.constant 0 : i32
    %eq3A_20 = arith.cmpi eq, %jit3A_19, %eq3A : i32
    %jit3A_21 = arith.constant 1 : i32
    %select_n3A_22 = arith.select %eq3A_20, %jit3A_21, %jit3A_19 : i32
    %rem3A_23 = arith.remsi %add3A, %select_n3A_22 : i32
    %ne3A_24 = arith.constant 0 : i32
    %ne3A_25 = arith.cmpi ne, %rem3A_23, %ne3A_24 : i32
    %lt3A = arith.constant 0 : i32
    %lt3A_26 = arith.cmpi slt, %rem3A_23, %lt3A : i32
    %lt3A_27 = arith.constant 0 : i32
    %lt3A_28 = arith.cmpi slt, %select_n3A_22, %lt3A_27 : i32
    %ne3A_29 = arith.xori %lt3A_26, %lt3A_28 : i1
    %and3A_30 = arith.andi %ne3A_29, %ne3A_25 : i1
    %add3A_31 = arith.addi %rem3A_23, %select_n3A_22 : i32
    %select_n3A_32 = arith.select %and3A_30, %add3A_31, %rem3A_23 : i32
    %mul3A_33 = arith.constant 2 : i32
    %mul3A_34 = arith.muli %select_n3A_32, %mul3A_33 : i32
    %jit3A_35 = arith.constant 8 : i32
    %div3A_36 = arith.divsi %select_n3A, %jit3A_35 : i32
    %sign3A_37 = arith.constant 0 : i32
    %sign3A_38 = arith.cmpi sgt, %select_n3A, %sign3A_37 : i32
    %sign3A_39 = arith.extui %sign3A_38 : i1 to i32
    %sign3A_40 = arith.constant 0 : i32
    %sign3A_41 = arith.cmpi slt, %select_n3A, %sign3A_40 : i32
    %sign3A_42 = arith.extui %sign3A_41 : i1 to i32
    %sign3A_43 = arith.subi %sign3A_39, %sign3A_42 : i32
    %sign3A_44 = arith.constant 0 : i32
    %sign3A_45 = arith.cmpi sgt, %jit3A_35, %sign3A_44 : i32
    %sign3A_46 = arith.extui %sign3A_45 : i1 to i32
    %sign3A_47 = arith.constant 0 : i32
    %sign3A_48 = arith.cmpi slt, %jit3A_35, %sign3A_47 : i32
    %sign3A_49 = arith.extui %sign3A_48 : i1 to i32
    %sign3A_50 = arith.subi %sign3A_46, %sign3A_49 : i32
    %ne3A_51 = arith.cmpi ne, %sign3A_43, %sign3A_50 : i32
    %rem3A_52 = arith.remsi %select_n3A, %jit3A_35 : i32
    %ne3A_53 = arith.constant 0 : i32
    %ne3A_54 = arith.cmpi ne, %rem3A_52, %ne3A_53 : i32
    %and3A_55 = arith.andi %ne3A_51, %ne3A_54 : i1
    %sub3A_56 = arith.constant 1 : i32
    %sub3A_57 = arith.subi %div3A_36, %sub3A_56 : i32
    %select_n3A_58 = arith.select %and3A_55, %sub3A_57, %div3A_36 : i32
    %mul3A_59 = arith.constant 8 : i32
    %mul3A_60 = arith.muli %select_n3A_58, %mul3A_59 : i32
    %sub3A_61 = arith.subi %select_n3A, %mul3A_60 : i32
    %add3A_62 = arith.constant 56 : i32
    %add3A_63 = arith.addi %add3A_62, %sub3A_61 : i32
    %dma_start3A = arith.constant 0 : i32
    %dma_start3A_64 = arith.constant 0 : i32
    %dma_start3A_65 = tpu.memref_slice %arg3[%select_n3A_58, %add3A_63, %dma_start3A, %dma_start3A_64] : memref<2x64x128x128xi32, #tpu.memory_space<hbm>> -> memref<1x1x128x128xi32, #tpu.memory_space<hbm>>
    %dma_start3A_66 = tpu.memref_squeeze %dma_start3A_65 : memref<1x1x128x128xi32, #tpu.memory_space<hbm>> -> memref<128x128xi32, #tpu.memory_space<hbm>>
    %dma_start3A_67 = arith.constant 0 : i32
    %dma_start3A_68 = arith.constant 0 : i32
    %dma_start3A_69 = tpu.memref_slice %arg3[%select_n3A_58, %add3A_63, %dma_start3A_67, %dma_start3A_68] : memref<2x64x128x128xi32, #tpu.memory_space<hbm>> -> memref<1x1x128x128xi32, #tpu.memory_space<hbm>>
    %dma_start3A_70 = tpu.memref_squeeze %dma_start3A_69 : memref<1x1x128x128xi32, #tpu.memory_space<hbm>> -> memref<128x128xi32, #tpu.memory_space<hbm>>
    tpu.enqueue_dma source(%dma_start3A_70 : memref<128x128xi32, #tpu.memory_space<hbm>>) target(%arg7 : memref<128x128xi32, #tpu.memory_space<vmem>>) target_semaphore(%arg12 : memref<!tpu.dma_semaphore, #tpu.memory_space<semaphore_mem>>)
    %dma_start3A_71 = arith.constant 0 : i32
    %dma_start3A_72 = arith.constant 0 : i32
    %dma_start3A_73 = arith.constant 0 : i32
    %dma_start3A_74 = tpu.memref_slice %arg6[%dma_start3A_71, %dma_start3A_72, %dma_start3A_73] : memref<2x128x128xf32, #tpu.memory_space<vmem>> -> memref<1x128x128xf32, #tpu.memory_space<vmem>>
    %dma_start3A_75 = tpu.memref_squeeze %dma_start3A_74 : memref<1x128x128xf32, #tpu.memory_space<vmem>> -> memref<128x128xf32, #tpu.memory_space<vmem>>
    %dma_start3A_76 = arith.constant 0 : i32
    %dma_start3A_77 = arith.constant 0 : i32
    %dma_start3A_78 = tpu.memref_slice %arg2[%select_n3A_58, %mul3A_34, %add3A_63, %dma_start3A_76, %dma_start3A_77] : memref<2x4x64x128x128xf32, #tpu.memory_space<hbm>> -> memref<1x1x1x128x128xf32, #tpu.memory_space<hbm>>
    %dma_start3A_79 = tpu.memref_squeeze %dma_start3A_78 : memref<1x1x1x128x128xf32, #tpu.memory_space<hbm>> -> memref<128x128xf32, #tpu.memory_space<hbm>>
    %dma_start3A_80 = arith.constant 0 : i32
    %dma_start3A_81 = arith.constant 0 : i32
    %dma_start3A_82 = tpu.memref_slice %arg6[%dma_start3A_71, %dma_start3A_80, %dma_start3A_81] : memref<2x128x128xf32, #tpu.memory_space<vmem>> -> memref<1x128x128xf32, #tpu.memory_space<vmem>>
    %dma_start3A_83 = tpu.memref_squeeze %dma_start3A_82 : memref<1x128x128xf32, #tpu.memory_space<vmem>> -> memref<128x128xf32, #tpu.memory_space<vmem>>
    %dma_start3A_84 = arith.constant 0 : i32
    %dma_start3A_85 = arith.constant 0 : i32
    %dma_start3A_86 = tpu.memref_slice %arg2[%select_n3A_58, %mul3A_34, %add3A_63, %dma_start3A_84, %dma_start3A_85] : memref<2x4x64x128x128xf32, #tpu.memory_space<hbm>> -> memref<1x1x1x128x128xf32, #tpu.memory_space<hbm>>
    %dma_start3A_87 = tpu.memref_squeeze %dma_start3A_86 : memref<1x1x1x128x128xf32, #tpu.memory_space<hbm>> -> memref<128x128xf32, #tpu.memory_space<hbm>>
    tpu.enqueue_dma source(%dma_start3A_87 : memref<128x128xf32, #tpu.memory_space<hbm>>) target(%dma_start3A_83 : memref<128x128xf32, #tpu.memory_space<vmem>>) target_semaphore(%arg10 : memref<!tpu.dma_semaphore, #tpu.memory_space<semaphore_mem>>)
    %broadcast_in_dim3A = arith.constant 0.000000e+00 : f32
    %broadcast_in_dim3A_88 = vector.broadcast %broadcast_in_dim3A : f32 to vector<16xf32>
    %add3A_89 = arith.constant 0 : i32
    %add3A_90 = arith.addi %mul3A_34, %add3A_89 : i32
    %add3A_91 = arith.constant 1 : i32
    %add3A_92 = arith.addi %add3A_90, %add3A_91 : i32
    %dma_start3A_93 = arith.constant 1 : i32
    %dma_start3A_94 = arith.constant 0 : i32
    %dma_start3A_95 = arith.constant 0 : i32
    %dma_start3A_96 = tpu.memref_slice %arg6[%dma_start3A_93, %dma_start3A_94, %dma_start3A_95] : memref<2x128x128xf32, #tpu.memory_space<vmem>> -> memref<1x128x128xf32, #tpu.memory_space<vmem>>
    %dma_start3A_97 = tpu.memref_squeeze %dma_start3A_96 : memref<1x128x128xf32, #tpu.memory_space<vmem>> -> memref<128x128xf32, #tpu.memory_space<vmem>>
    %dma_start3A_98 = arith.constant 0 : i32
    %dma_start3A_99 = arith.constant 0 : i32
    %dma_start3A_100 = tpu.memref_slice %arg2[%select_n3A_58, %add3A_92, %add3A_63, %dma_start3A_98, %dma_start3A_99] : memref<2x4x64x128x128xf32, #tpu.memory_space<hbm>> -> memref<1x1x1x128x128xf32, #tpu.memory_space<hbm>>
    %dma_start3A_101 = tpu.memref_squeeze %dma_start3A_100 : memref<1x1x1x128x128xf32, #tpu.memory_space<hbm>> -> memref<128x128xf32, #tpu.memory_space<hbm>>
    %dma_start3A_102 = arith.constant 0 : i32
    %dma_start3A_103 = arith.constant 0 : i32
    %dma_start3A_104 = tpu.memref_slice %arg6[%dma_start3A_93, %dma_start3A_102, %dma_start3A_103] : memref<2x128x128xf32, #tpu.memory_space<vmem>> -> memref<1x128x128xf32, #tpu.memory_space<vmem>>
    %dma_start3A_105 = tpu.memref_squeeze %dma_start3A_104 : memref<1x128x128xf32, #tpu.memory_space<vmem>> -> memref<128x128xf32, #tpu.memory_space<vmem>>
    %dma_start3A_106 = arith.constant 0 : i32
    %dma_start3A_107 = arith.constant 0 : i32
    %dma_start3A_108 = tpu.memref_slice %arg2[%select_n3A_58, %add3A_92, %add3A_63, %dma_start3A_106, %dma_start3A_107] : memref<2x4x64x128x128xf32, #tpu.memory_space<hbm>> -> memref<1x1x1x128x128xf32, #tpu.memory_space<hbm>>
    %dma_start3A_109 = tpu.memref_squeeze %dma_start3A_108 : memref<1x1x1x128x128xf32, #tpu.memory_space<hbm>> -> memref<128x128xf32, #tpu.memory_space<hbm>>
    tpu.enqueue_dma source(%dma_start3A_109 : memref<128x128xf32, #tpu.memory_space<hbm>>) target(%dma_start3A_105 : memref<128x128xf32, #tpu.memory_space<vmem>>) target_semaphore(%arg11 : memref<!tpu.dma_semaphore, #tpu.memory_space<semaphore_mem>>)
    %dma_wait3A = arith.constant 0 : i32
    %dma_wait3A_110 = arith.constant 0 : i32
    %dma_wait3A_111 = arith.constant 0 : i32
    %dma_wait3A_112 = tpu.memref_slice %arg6[%dma_wait3A, %dma_wait3A_110, %dma_wait3A_111] : memref<2x128x128xf32, #tpu.memory_space<vmem>> -> memref<1x128x128xf32, #tpu.memory_space<vmem>>
    %dma_wait3A_113 = tpu.memref_squeeze %dma_wait3A_112 : memref<1x128x128xf32, #tpu.memory_space<vmem>> -> memref<128x128xf32, #tpu.memory_space<vmem>>
    %dma_wait3A_114 = arith.constant 0 : i32
    %dma_wait3A_115 = arith.constant 0 : i32
    %dma_wait3A_116 = tpu.memref_slice %arg2[%select_n3A_58, %mul3A_34, %add3A_63, %dma_wait3A_114, %dma_wait3A_115] : memref<2x4x64x128x128xf32, #tpu.memory_space<hbm>> -> memref<1x1x1x128x128xf32, #tpu.memory_space<hbm>>
    %dma_wait3A_117 = tpu.memref_squeeze %dma_wait3A_116 : memref<1x1x1x128x128xf32, #tpu.memory_space<hbm>> -> memref<128x128xf32, #tpu.memory_space<hbm>>
    %dma_wait3A_118 = arith.constant 0 : i32
    %dma_wait3A_119 = arith.constant 0 : i32
    %dma_wait3A_120 = tpu.memref_slice %arg6[%dma_wait3A, %dma_wait3A_118, %dma_wait3A_119] : memref<2x128x128xf32, #tpu.memory_space<vmem>> -> memref<1x128x128xf32, #tpu.memory_space<vmem>>
    %dma_wait3A_121 = tpu.memref_squeeze %dma_wait3A_120 : memref<1x128x128xf32, #tpu.memory_space<vmem>> -> memref<128x128xf32, #tpu.memory_space<vmem>>
    %dma_wait3A_122 = arith.constant 0 : i32
    %dma_wait3A_123 = arith.constant 0 : i32
    %dma_wait3A_124 = tpu.memref_slice %arg2[%select_n3A_58, %mul3A_34, %add3A_63, %dma_wait3A_122, %dma_wait3A_123] : memref<2x4x64x128x128xf32, #tpu.memory_space<hbm>> -> memref<1x1x1x128x128xf32, #tpu.memory_space<hbm>>
    %dma_wait3A_125 = tpu.memref_squeeze %dma_wait3A_124 : memref<1x1x1x128x128xf32, #tpu.memory_space<hbm>> -> memref<128x128xf32, #tpu.memory_space<hbm>>
    tpu.wait_dma2 semaphore(%arg10 : memref<!tpu.dma_semaphore, #tpu.memory_space<semaphore_mem>>) src(%dma_wait3A_125 : memref<128x128xf32, #tpu.memory_space<hbm>>) dst(%dma_wait3A_121 : memref<128x128xf32, #tpu.memory_space<vmem>>)
    %dma_wait3A_126 = arith.constant 0 : i32
    %dma_wait3A_127 = arith.constant 0 : i32
    %dma_wait3A_128 = tpu.memref_slice %arg3[%select_n3A_58, %add3A_63, %dma_wait3A_126, %dma_wait3A_127] : memref<2x64x128x128xi32, #tpu.memory_space<hbm>> -> memref<1x1x128x128xi32, #tpu.memory_space<hbm>>
    %dma_wait3A_129 = tpu.memref_squeeze %dma_wait3A_128 : memref<1x1x128x128xi32, #tpu.memory_space<hbm>> -> memref<128x128xi32, #tpu.memory_space<hbm>>
    %dma_wait3A_130 = arith.constant 0 : i32
    %dma_wait3A_131 = arith.constant 0 : i32
    %dma_wait3A_132 = tpu.memref_slice %arg3[%select_n3A_58, %add3A_63, %dma_wait3A_130, %dma_wait3A_131] : memref<2x64x128x128xi32, #tpu.memory_space<hbm>> -> memref<1x1x128x128xi32, #tpu.memory_space<hbm>>
    %dma_wait3A_133 = tpu.memref_squeeze %dma_wait3A_132 : memref<1x1x128x128xi32, #tpu.memory_space<hbm>> -> memref<128x128xi32, #tpu.memory_space<hbm>>
    tpu.wait_dma2 semaphore(%arg12 : memref<!tpu.dma_semaphore, #tpu.memory_space<semaphore_mem>>) src(%dma_wait3A_133 : memref<128x128xi32, #tpu.memory_space<hbm>>) dst(%arg7 : memref<128x128xi32, #tpu.memory_space<vmem>>)
    %add3A_134 = arith.constant 0 : i32
    %add3A_135 = arith.addi %mul3A_34, %add3A_134 : i32
    %slice3A = vector.extract_strided_slice %get3A_2 {offsets = [3], sizes = [1], strides = [1]} : vector<16xf32> to vector<1xf32>
    %squeeze3A = vector.extract %slice3A[0] : f32 from vector<1xf32>
    %eq3A_136 = arith.constant 2 : i32
    %eq3A_137 = arith.cmpi eq, %add3A_135, %eq3A_136 : i32
    %slice3A_138 = vector.extract_strided_slice %get3A_2 {offsets = [2], sizes = [1], strides = [1]} : vector<16xf32> to vector<1xf32>
    %squeeze3A_139 = vector.extract %slice3A_138[0] : f32 from vector<1xf32>
    %select_n3A_140 = arith.select %eq3A_137, %squeeze3A_139, %squeeze3A : f32
    %eq3A_141 = arith.constant 1 : i32
    %eq3A_142 = arith.cmpi eq, %add3A_135, %eq3A_141 : i32
    %slice3A_143 = vector.extract_strided_slice %get3A_2 {offsets = [1], sizes = [1], strides = [1]} : vector<16xf32> to vector<1xf32>
    %squeeze3A_144 = vector.extract %slice3A_143[0] : f32 from vector<1xf32>
    %select_n3A_145 = arith.select %eq3A_142, %squeeze3A_144, %select_n3A_140 : f32
    %eq3A_146 = arith.constant 0 : i32
    %eq3A_147 = arith.cmpi eq, %add3A_135, %eq3A_146 : i32
    %slice3A_148 = vector.extract_strided_slice %get3A_2 {offsets = [0], sizes = [1], strides = [1]} : vector<16xf32> to vector<1xf32>
    %squeeze3A_149 = vector.extract %slice3A_148[0] : f32 from vector<1xf32>
    %select_n3A_150 = arith.select %eq3A_147, %squeeze3A_149, %select_n3A_145 : f32
    %scan3A = arith.constant 0 : i32
    %scan3A_151 = arith.constant 0 : i32
    %scan3A_152 = arith.constant 1024 : i32
    %scan3A_153 = arith.addi %scan3A_151, %scan3A_152 : i32
    %scan3A_154 = arith.constant 16 : i32
    %scan3A_155 = scf.for %scan3A_206 = %scan3A_151 to %scan3A_153 step %scan3A_154 iter_args(%scan3A_207 = %broadcast_in_dim3A_88) -> (vector<16xf32>)  : i32 {
      %jit3A_208 = arith.constant 8 : i32
      %div3A_209 = arith.divsi %scan3A_206, %jit3A_208 : i32
      %sign3A_210 = arith.constant 0 : i32
      %sign3A_211 = arith.cmpi sgt, %scan3A_206, %sign3A_210 : i32
      %sign3A_212 = arith.extui %sign3A_211 : i1 to i32
      %sign3A_213 = arith.constant 0 : i32
      %sign3A_214 = arith.cmpi slt, %scan3A_206, %sign3A_213 : i32
      %sign3A_215 = arith.extui %sign3A_214 : i1 to i32
      %sign3A_216 = arith.subi %sign3A_212, %sign3A_215 : i32
      %sign3A_217 = arith.constant 0 : i32
      %sign3A_218 = arith.cmpi sgt, %jit3A_208, %sign3A_217 : i32
      %sign3A_219 = arith.extui %sign3A_218 : i1 to i32
      %sign3A_220 = arith.constant 0 : i32
      %sign3A_221 = arith.cmpi slt, %jit3A_208, %sign3A_220 : i32
      %sign3A_222 = arith.extui %sign3A_221 : i1 to i32
      %sign3A_223 = arith.subi %sign3A_219, %sign3A_222 : i32
      %ne3A_224 = arith.cmpi ne, %sign3A_216, %sign3A_223 : i32
      %rem3A_225 = arith.remsi %scan3A_206, %jit3A_208 : i32
      %ne3A_226 = arith.constant 0 : i32
      %ne3A_227 = arith.cmpi ne, %rem3A_225, %ne3A_226 : i32
      %and3A_228 = arith.andi %ne3A_224, %ne3A_227 : i1
      %sub3A_229 = arith.constant 1 : i32
      %sub3A_230 = arith.subi %div3A_209, %sub3A_229 : i32
      %select_n3A_231 = arith.select %and3A_228, %sub3A_230, %div3A_209 : i32
      %mul3A_232 = arith.constant 8 : i32
      %mul3A_233 = arith.muli %select_n3A_231, %mul3A_232 : i32
      %sub3A_234 = arith.subi %scan3A_206, %mul3A_233 : i32
      %mul3A_235 = arith.constant 16 : i32
      %mul3A_236 = arith.muli %sub3A_234, %mul3A_235 : i32
      %get3A_237 = arith.constant 0 : i32
      %get3A_238 = arith.constant 0 : i32
      %get3A_239 = tpu.memref_slice %arg6[%scan3A, %get3A_237, %get3A_238] : memref<2x128x128xf32, #tpu.memory_space<vmem>> -> memref<1x128x128xf32, #tpu.memory_space<vmem>>
      %get3A_240 = tpu.memref_squeeze %get3A_239 : memref<1x128x128xf32, #tpu.memory_space<vmem>> -> memref<128x128xf32, #tpu.memory_space<vmem>>
      %get3A_241 = arith.index_cast %select_n3A_231 : i32 to index
      %get3A_242 = arith.index_cast %mul3A_236 : i32 to index
      %get3A_243 = tpu.vector_load %get3A_240[%get3A_241, %get3A_242] {strides = array<i32>} : memref<128x128xf32, #tpu.memory_space<vmem>>, vector<1x16xf32>,
      %get3A_244 = vector.shape_cast %get3A_243 : vector<1x16xf32> to vector<16xf32>
      %get3A_245 = arith.index_cast %select_n3A_231 : i32 to index
      %get3A_246 = arith.index_cast %mul3A_236 : i32 to index
      %get3A_247 = tpu.vector_load %arg7[%get3A_245, %get3A_246] {strides = array<i32>} : memref<128x128xi32, #tpu.memory_space<vmem>>, vector<1x16xi32>,
      %get3A_248 = vector.shape_cast %get3A_247 : vector<1x16xi32> to vector<16xi32>
      %abs3A = math.absf %get3A_244 : vector<16xf32>
      %neg3A = arith.constant 0.000000e+00 : f32
      %neg3A_249 = vector.broadcast %neg3A : f32 to vector<16xf32>
      %neg3A_250 = arith.subf %neg3A_249, %abs3A : vector<16xf32>
      %exp3A = math.exp %neg3A_250 : vector<16xf32>
      %mul3A_251 = arith.constant 0.0301022474 : f32
      %mul3A_252 = vector.broadcast %mul3A_251 : f32 to vector<16xf32>
      %mul3A_253 = arith.mulf %exp3A, %mul3A_252 : vector<16xf32>
      %add3A_254 = arith.constant -0.130117923 : f32
      %add3A_255 = vector.broadcast %add3A_254 : f32 to vector<16xf32>
      %add3A_256 = arith.addf %add3A_255, %mul3A_253 : vector<16xf32>
      %mul3A_257 = arith.mulf %exp3A, %add3A_256 : vector<16xf32>
      %add3A_258 = arith.constant 0.283302397 : f32
      %add3A_259 = vector.broadcast %add3A_258 : f32 to vector<16xf32>
      %add3A_260 = arith.addf %add3A_259, %mul3A_257 : vector<16xf32>
      %mul3A_261 = arith.mulf %exp3A, %add3A_260 : vector<16xf32>
      %add3A_262 = arith.constant -0.489155769 : f32
      %add3A_263 = vector.broadcast %add3A_262 : f32 to vector<16xf32>
      %add3A_264 = arith.addf %add3A_263, %mul3A_261 : vector<16xf32>
      %mul3A_265 = arith.mulf %exp3A, %add3A_264 : vector<16xf32>
      %add3A_266 = arith.constant 0.999010205 : f32
      %add3A_267 = vector.broadcast %add3A_266 : f32 to vector<16xf32>
      %add3A_268 = arith.addf %add3A_267, %mul3A_265 : vector<16xf32>
      %mul3A_269 = arith.mulf %exp3A, %add3A_268 : vector<16xf32>
      %add3A_270 = arith.constant 2.21327846E-5 : f32
      %add3A_271 = vector.broadcast %add3A_270 : f32 to vector<16xf32>
      %add3A_272 = arith.addf %add3A_271, %mul3A_269 : vector<16xf32>
      %max3A = arith.constant 0.000000e+00 : f32
      %max3A_273 = vector.broadcast %max3A : f32 to vector<16xf32>
      %max3A_274 = arith.maximumf %get3A_244, %max3A_273 : vector<16xf32>
      %add3A_275 = arith.addf %max3A_274, %add3A_272 : vector<16xf32>
      %eq3A_276 = vector.broadcast %add3A_135 : i32 to vector<16xi32>
      %eq3A_277 = arith.cmpi eq, %get3A_248, %eq3A_276 : vector<16xi32>
      %sub3A_278 = arith.subf %add3A_275, %get3A_244 : vector<16xf32>
      %mul3A_279 = vector.broadcast %select_n3A_150 : f32 to vector<16xf32>
      %mul3A_280 = arith.mulf %mul3A_279, %sub3A_278 : vector<16xf32>
      %select_n3A_281 = arith.select %eq3A_277, %mul3A_280, %add3A_275 : vector<16xi1>, vector<16xf32>
      %add3A_282 = arith.addf %scan3A_207, %select_n3A_281 : vector<16xf32>
      %scan3A_283 = arith.constant 1 : i32
      %scan3A_284 = arith.addi %scan3A_206, %scan3A_283 : i32
      %jit3A_285 = arith.constant 8 : i32
      %div3A_286 = arith.divsi %scan3A_284, %jit3A_285 : i32
      %sign3A_287 = arith.constant 0 : i32
      %sign3A_288 = arith.cmpi sgt, %scan3A_284, %sign3A_287 : i32
      %sign3A_289 = arith.extui %sign3A_288 : i1 to i32
      %sign3A_290 = arith.constant 0 : i32
      %sign3A_291 = arith.cmpi slt, %scan3A_284, %sign3A_290 : i32
      %sign3A_292 = arith.extui %sign3A_291 : i1 to i32
      %sign3A_293 = arith.subi %sign3A_289, %sign3A_292 : i32
      %sign3A_294 = arith.constant 0 : i32
      %sign3A_295 = arith.cmpi sgt, %jit3A_285, %sign3A_294 : i32
      %sign3A_296 = arith.extui %sign3A_295 : i1 to i32
      %sign3A_297 = arith.constant 0 : i32
      %sign3A_298 = arith.cmpi slt, %jit3A_285, %sign3A_297 : i32
      %sign3A_299 = arith.extui %sign3A_298 : i1 to i32
      %sign3A_300 = arith.subi %sign3A_296, %sign3A_299 : i32
      %ne3A_301 = arith.cmpi ne, %sign3A_293, %sign3A_300 : i32
      %rem3A_302 = arith.remsi %scan3A_284, %jit3A_285 : i32
      %ne3A_303 = arith.constant 0 : i32
      %ne3A_304 = arith.cmpi ne, %rem3A_302, %ne3A_303 : i32
      %and3A_305 = arith.andi %ne3A_301, %ne3A_304 : i1
      %sub3A_306 = arith.constant 1 : i32
      %sub3A_307 = arith.subi %div3A_286, %sub3A_306 : i32
      %select_n3A_308 = arith.select %and3A_305, %sub3A_307, %div3A_286 : i32
      %mul3A_309 = arith.constant 8 : i32
      %mul3A_310 = arith.muli %select_n3A_308, %mul3A_309 : i32
      %sub3A_311 = arith.subi %scan3A_284, %mul3A_310 : i32
      %mul3A_312 = arith.constant 16 : i32
      %mul3A_313 = arith.muli %sub3A_311, %mul3A_312 : i32
      %get3A_314 = arith.constant 0 : i32
      %get3A_315 = arith.constant 0 : i32
      %get3A_316 = tpu.memref_slice %arg6[%scan3A, %get3A_314, %get3A_315] : memref<2x128x128xf32, #tpu.memory_space<vmem>> -> memref<1x128x128xf32, #tpu.memory_space<vmem>>
      %get3A_317 = tpu.memref_squeeze %get3A_316 : memref<1x128x128xf32, #tpu.memory_space<vmem>> -> memref<128x128xf32, #tpu.memory_space<vmem>>
      %get3A_318 = arith.index_cast %select_n3A_308 : i32 to index
      %get3A_319 = arith.index_cast %mul3A_313 : i32 to index
      %get3A_320 = tpu.vector_load %get3A_317[%get3A_318, %get3A_319] {strides = array<i32>} : memref<128x128xf32, #tpu.memory_space<vmem>>, vector<1x16xf32>,
      %get3A_321 = vector.shape_cast %get3A_320 : vector<1x16xf32> to vector<16xf32>
      %get3A_322 = arith.index_cast %select_n3A_308 : i32 to index
      %get3A_323 = arith.index_cast %mul3A_313 : i32 to index
      %get3A_324 = tpu.vector_load %arg7[%get3A_322, %get3A_323] {strides = array<i32>} : memref<128x128xi32, #tpu.memory_space<vmem>>, vector<1x16xi32>,
      %get3A_325 = vector.shape_cast %get3A_324 : vector<1x16xi32> to vector<16xi32>
      %abs3A_326 = math.absf %get3A_321 : vector<16xf32>
      %neg3A_327 = arith.constant 0.000000e+00 : f32
      %neg3A_328 = vector.broadcast %neg3A_327 : f32 to vector<16xf32>
      %neg3A_329 = arith.subf %neg3A_328, %abs3A_326 : vector<16xf32>
      %exp3A_330 = math.exp %neg3A_329 : vector<16xf32>
      %mul3A_331 = arith.constant 0.0301022474 : f32
      %mul3A_332 = vector.broadcast %mul3A_331 : f32 to vector<16xf32>
      %mul3A_333 = arith.mulf %exp3A_330, %mul3A_332 : vector<16xf32>
      %add3A_334 = arith.constant -0.130117923 : f32
      %add3A_335 = vector.broadcast %add3A_334 : f32 to vector<16xf32>
      %add3A_336 = arith.addf %add3A_335, %mul3A_333 : vector<16xf32>
      %mul3A_337 = arith.mulf %exp3A_330, %add3A_336 : vector<16xf32>
      %add3A_338 = arith.constant 0.283302397 : f32
      %add3A_339 = vector.broadcast %add3A_338 : f32 to vector<16xf32>
      %add3A_340 = arith.addf %add3A_339, %mul3A_337 : vector<16xf32>
      %mul3A_341 = arith.mulf %exp3A_330, %add3A_340 : vector<16xf32>
      %add3A_342 = arith.constant -0.489155769 : f32
      %add3A_343 = vector.broadcast %add3A_342 : f32 to vector<16xf32>
      %add3A_344 = arith.addf %add3A_343, %mul3A_341 : vector<16xf32>
      %mul3A_345 = arith.mulf %exp3A_330, %add3A_344 : vector<16xf32>
      %add3A_346 = arith.constant 0.999010205 : f32
      %add3A_347 = vector.broadcast %add3A_346 : f32 to vector<16xf32>
      %add3A_348 = arith.addf %add3A_347, %mul3A_345 : vector<16xf32>
      %mul3A_349 = arith.mulf %exp3A_330, %add3A_348 : vector<16xf32>
      %add3A_350 = arith.constant 2.21327846E-5 : f32
      %add3A_351 = vector.broadcast %add3A_350 : f32 to vector<16xf32>
      %add3A_352 = arith.addf %add3A_351, %mul3A_349 : vector<16xf32>
      %max3A_353 = arith.constant 0.000000e+00 : f32
      %max3A_354 = vector.broadcast %max3A_353 : f32 to vector<16xf32>
      %max3A_355 = arith.maximumf %get3A_321, %max3A_354 : vector<16xf32>
      %add3A_356 = arith.addf %max3A_355, %add3A_352 : vector<16xf32>
      %eq3A_357 = vector.broadcast %add3A_135 : i32 to vector<16xi32>
      %eq3A_358 = arith.cmpi eq, %get3A_325, %eq3A_357 : vector<16xi32>
      %sub3A_359 = arith.subf %add3A_356, %get3A_321 : vector<16xf32>
      %mul3A_360 = vector.broadcast %select_n3A_150 : f32 to vector<16xf32>
      %mul3A_361 = arith.mulf %mul3A_360, %sub3A_359 : vector<16xf32>
      %select_n3A_362 = arith.select %eq3A_358, %mul3A_361, %add3A_356 : vector<16xi1>, vector<16xf32>
      %add3A_363 = arith.addf %add3A_282, %select_n3A_362 : vector<16xf32>
      %scan3A_364 = arith.constant 2 : i32
      %scan3A_365 = arith.addi %scan3A_206, %scan3A_364 : i32
      %jit3A_366 = arith.constant 8 : i32
      %div3A_367 = arith.divsi %scan3A_365, %jit3A_366 : i32
      %sign3A_368 = arith.constant 0 : i32
      %sign3A_369 = arith.cmpi sgt, %scan3A_365, %sign3A_368 : i32
      %sign3A_370 = arith.extui %sign3A_369 : i1 to i32
      %sign3A_371 = arith.constant 0 : i32
      %sign3A_372 = arith.cmpi slt, %scan3A_365, %sign3A_371 : i32
      %sign3A_373 = arith.extui %sign3A_372 : i1 to i32
      %sign3A_374 = arith.subi %sign3A_370, %sign3A_373 : i32
      %sign3A_375 = arith.constant 0 : i32
      %sign3A_376 = arith.cmpi sgt, %jit3A_366, %sign3A_375 : i32
      %sign3A_377 = arith.extui %sign3A_376 : i1 to i32
      %sign3A_378 = arith.constant 0 : i32
      %sign3A_379 = arith.cmpi slt, %jit3A_366, %sign3A_378 : i32
      %sign3A_380 = arith.extui %sign3A_379 : i1 to i32
      %sign3A_381 = arith.subi %sign3A_377, %sign3A_380 : i32
      %ne3A_382 = arith.cmpi ne, %sign3A_374, %sign3A_381 : i32
      %rem3A_383 = arith.remsi %scan3A_365, %jit3A_366 : i32
      %ne3A_384 = arith.constant 0 : i32
      %ne3A_385 = arith.cmpi ne, %rem3A_383, %ne3A_384 : i32
      %and3A_386 = arith.andi %ne3A_382, %ne3A_385 : i1
      %sub3A_387 = arith.constant 1 : i32
      %sub3A_388 = arith.subi %div3A_367, %sub3A_387 : i32
      %select_n3A_389 = arith.select %and3A_386, %sub3A_388, %div3A_367 : i32
      %mul3A_390 = arith.constant 8 : i32
      %mul3A_391 = arith.muli %select_n3A_389, %mul3A_390 : i32
      %sub3A_392 = arith.subi %scan3A_365, %mul3A_391 : i32
      %mul3A_393 = arith.constant 16 : i32
      %mul3A_394 = arith.muli %sub3A_392, %mul3A_393 : i32
      %get3A_395 = arith.constant 0 : i32
      %get3A_396 = arith.constant 0 : i32
      %get3A_397 = tpu.memref_slice %arg6[%scan3A, %get3A_395, %get3A_396] : memref<2x128x128xf32, #tpu.memory_space<vmem>> -> memref<1x128x128xf32, #tpu.memory_space<vmem>>
      %get3A_398 = tpu.memref_squeeze %get3A_397 : memref<1x128x128xf32, #tpu.memory_space<vmem>> -> memref<128x128xf32, #tpu.memory_space<vmem>>
      %get3A_399 = arith.index_cast %select_n3A_389 : i32 to index
      %get3A_400 = arith.index_cast %mul3A_394 : i32 to index
      %get3A_401 = tpu.vector_load %get3A_398[%get3A_399, %get3A_400] {strides = array<i32>} : memref<128x128xf32, #tpu.memory_space<vmem>>, vector<1x16xf32>,
      %get3A_402 = vector.shape_cast %get3A_401 : vector<1x16xf32> to vector<16xf32>
      %get3A_403 = arith.index_cast %select_n3A_389 : i32 to index
      %get3A_404 = arith.index_cast %mul3A_394 : i32 to index
      %get3A_405 = tpu.vector_load %arg7[%get3A_403, %get3A_404] {strides = array<i32>} : memref<128x128xi32, #tpu.memory_space<vmem>>, vector<1x16xi32>,
      %get3A_406 = vector.shape_cast %get3A_405 : vector<1x16xi32> to vector<16xi32>
      %abs3A_407 = math.absf %get3A_402 : vector<16xf32>
      %neg3A_408 = arith.constant 0.000000e+00 : f32
      %neg3A_409 = vector.broadcast %neg3A_408 : f32 to vector<16xf32>
      %neg3A_410 = arith.subf %neg3A_409, %abs3A_407 : vector<16xf32>
      %exp3A_411 = math.exp %neg3A_410 : vector<16xf32>
      %mul3A_412 = arith.constant 0.0301022474 : f32
      %mul3A_413 = vector.broadcast %mul3A_412 : f32 to vector<16xf32>
      %mul3A_414 = arith.mulf %exp3A_411, %mul3A_413 : vector<16xf32>
      %add3A_415 = arith.constant -0.130117923 : f32
      %add3A_416 = vector.broadcast %add3A_415 : f32 to vector<16xf32>
      %add3A_417 = arith.addf %add3A_416, %mul3A_414 : vector<16xf32>
      %mul3A_418 = arith.mulf %exp3A_411, %add3A_417 : vector<16xf32>
      %add3A_419 = arith.constant 0.283302397 : f32
      %add3A_420 = vector.broadcast %add3A_419 : f32 to vector<16xf32>
      %add3A_421 = arith.addf %add3A_420, %mul3A_418 : vector<16xf32>
      %mul3A_422 = arith.mulf %exp3A_411, %add3A_421 : vector<16xf32>
      %add3A_423 = arith.constant -0.489155769 : f32
      %add3A_424 = vector.broadcast %add3A_423 : f32 to vector<16xf32>
      %add3A_425 = arith.addf %add3A_424, %mul3A_422 : vector<16xf32>
      %mul3A_426 = arith.mulf %exp3A_411, %add3A_425 : vector<16xf32>
      %add3A_427 = arith.constant 0.999010205 : f32
      %add3A_428 = vector.broadcast %add3A_427 : f32 to vector<16xf32>
      %add3A_429 = arith.addf %add3A_428, %mul3A_426 : vector<16xf32>
      %mul3A_430 = arith.mulf %exp3A_411, %add3A_429 : vector<16xf32>
      %add3A_431 = arith.constant 2.21327846E-5 : f32
      %add3A_432 = vector.broadcast %add3A_431 : f32 to vector<16xf32>
      %add3A_433 = arith.addf %add3A_432, %mul3A_430 : vector<16xf32>
      %max3A_434 = arith.constant 0.000000e+00 : f32
      %max3A_435 = vector.broadcast %max3A_434 : f32 to vector<16xf32>
      %max3A_436 = arith.maximumf %get3A_402, %max3A_435 : vector<16xf32>
      %add3A_437 = arith.addf %max3A_436, %add3A_433 : vector<16xf32>
      %eq3A_438 = vector.broadcast %add3A_135 : i32 to vector<16xi32>
      %eq3A_439 = arith.cmpi eq, %get3A_406, %eq3A_438 : vector<16xi32>
      %sub3A_440 = arith.subf %add3A_437, %get3A_402 : vector<16xf32>
      %mul3A_441 = vector.broadcast %select_n3A_150 : f32 to vector<16xf32>
      %mul3A_442 = arith.mulf %mul3A_441, %sub3A_440 : vector<16xf32>
      %select_n3A_443 = arith.select %eq3A_439, %mul3A_442, %add3A_437 : vector<16xi1>, vector<16xf32>
      %add3A_444 = arith.addf %add3A_363, %select_n3A_443 : vector<16xf32>
      %scan3A_445 = arith.constant 3 : i32
      %scan3A_446 = arith.addi %scan3A_206, %scan3A_445 : i32
      %jit3A_447 = arith.constant 8 : i32
      %div3A_448 = arith.divsi %scan3A_446, %jit3A_447 : i32
      %sign3A_449 = arith.constant 0 : i32
      %sign3A_450 = arith.cmpi sgt, %scan3A_446, %sign3A_449 : i32
      %sign3A_451 = arith.extui %sign3A_450 : i1 to i32
      %sign3A_452 = arith.constant 0 : i32
      %sign3A_453 = arith.cmpi slt, %scan3A_446, %sign3A_452 : i32
      %sign3A_454 = arith.extui %sign3A_453 : i1 to i32
      %sign3A_455 = arith.subi %sign3A_451, %sign3A_454 : i32
      %sign3A_456 = arith.constant 0 : i32
      %sign3A_457 = arith.cmpi sgt, %jit3A_447, %sign3A_456 : i32
      %sign3A_458 = arith.extui %sign3A_457 : i1 to i32
      %sign3A_459 = arith.constant 0 : i32
      %sign3A_460 = arith.cmpi slt, %jit3A_447, %sign3A_459 : i32
      %sign3A_461 = arith.extui %sign3A_460 : i1 to i32
      %sign3A_462 = arith.subi %sign3A_458, %sign3A_461 : i32
      %ne3A_463 = arith.cmpi ne, %sign3A_455, %sign3A_462 : i32
      %rem3A_464 = arith.remsi %scan3A_446, %jit3A_447 : i32
      %ne3A_465 = arith.constant 0 : i32
      %ne3A_466 = arith.cmpi ne, %rem3A_464, %ne3A_465 : i32
      %and3A_467 = arith.andi %ne3A_463, %ne3A_466 : i1
      %sub3A_468 = arith.constant 1 : i32
      %sub3A_469 = arith.subi %div3A_448, %sub3A_468 : i32
      %select_n3A_470 = arith.select %and3A_467, %sub3A_469, %div3A_448 : i32
      %mul3A_471 = arith.constant 8 : i32
      %mul3A_472 = arith.muli %select_n3A_470, %mul3A_471 : i32
      %sub3A_473 = arith.subi %scan3A_446, %mul3A_472 : i32
      %mul3A_474 = arith.constant 16 : i32
      %mul3A_475 = arith.muli %sub3A_473, %mul3A_474 : i32
      %get3A_476 = arith.constant 0 : i32
      %get3A_477 = arith.constant 0 : i32
      %get3A_478 = tpu.memref_slice %arg6[%scan3A, %get3A_476, %get3A_477] : memref<2x128x128xf32, #tpu.memory_space<vmem>> -> memref<1x128x128xf32, #tpu.memory_space<vmem>>
      %get3A_479 = tpu.memref_squeeze %get3A_478 : memref<1x128x128xf32, #tpu.memory_space<vmem>> -> memref<128x128xf32, #tpu.memory_space<vmem>>
      %get3A_480 = arith.index_cast %select_n3A_470 : i32 to index
      %get3A_481 = arith.index_cast %mul3A_475 : i32 to index
      %get3A_482 = tpu.vector_load %get3A_479[%get3A_480, %get3A_481] {strides = array<i32>} : memref<128x128xf32, #tpu.memory_space<vmem>>, vector<1x16xf32>,
      %get3A_483 = vector.shape_cast %get3A_482 : vector<1x16xf32> to vector<16xf32>
      %get3A_484 = arith.index_cast %select_n3A_470 : i32 to index
      %get3A_485 = arith.index_cast %mul3A_475 : i32 to index
      %get3A_486 = tpu.vector_load %arg7[%get3A_484, %get3A_485] {strides = array<i32>} : memref<128x128xi32, #tpu.memory_space<vmem>>, vector<1x16xi32>,
      %get3A_487 = vector.shape_cast %get3A_486 : vector<1x16xi32> to vector<16xi32>
      %abs3A_488 = math.absf %get3A_483 : vector<16xf32>
      %neg3A_489 = arith.constant 0.000000e+00 : f32
      %neg3A_490 = vector.broadcast %neg3A_489 : f32 to vector<16xf32>
      %neg3A_491 = arith.subf %neg3A_490, %abs3A_488 : vector<16xf32>
      %exp3A_492 = math.exp %neg3A_491 : vector<16xf32>
      %mul3A_493 = arith.constant 0.0301022474 : f32
      %mul3A_494 = vector.broadcast %mul3A_493 : f32 to vector<16xf32>
      %mul3A_495 = arith.mulf %exp3A_492, %mul3A_494 : vector<16xf32>
      %add3A_496 = arith.constant -0.130117923 : f32
      %add3A_497 = vector.broadcast %add3A_496 : f32 to vector<16xf32>
      %add3A_498 = arith.addf %add3A_497, %mul3A_495 : vector<16xf32>
      %mul3A_499 = arith.mulf %exp3A_492, %add3A_498 : vector<16xf32>
      %add3A_500 = arith.constant 0.283302397 : f32
      %add3A_501 = vector.broadcast %add3A_500 : f32 to vector<16xf32>
      %add3A_502 = arith.addf %add3A_501, %mul3A_499 : vector<16xf32>
      %mul3A_503 = arith.mulf %exp3A_492, %add3A_502 : vector<16xf32>
      %add3A_504 = arith.constant -0.489155769 : f32
      %add3A_505 = vector.broadcast %add3A_504 : f32 to vector<16xf32>
      %add3A_506 = arith.addf %add3A_505, %mul3A_503 : vector<16xf32>
      %mul3A_507 = arith.mulf %exp3A_492, %add3A_506 : vector<16xf32>
      %add3A_508 = arith.constant 0.999010205 : f32
      %add3A_509 = vector.broadcast %add3A_508 : f32 to vector<16xf32>
      %add3A_510 = arith.addf %add3A_509, %mul3A_507 : vector<16xf32>
      %mul3A_511 = arith.mulf %exp3A_492, %add3A_510 : vector<16xf32>
      %add3A_512 = arith.constant 2.21327846E-5 : f32
      %add3A_513 = vector.broadcast %add3A_512 : f32 to vector<16xf32>
      %add3A_514 = arith.addf %add3A_513, %mul3A_511 : vector<16xf32>
      %max3A_515 = arith.constant 0.000000e+00 : f32
      %max3A_516 = vector.broadcast %max3A_515 : f32 to vector<16xf32>
      %max3A_517 = arith.maximumf %get3A_483, %max3A_516 : vector<16xf32>
      %add3A_518 = arith.addf %max3A_517, %add3A_514 : vector<16xf32>
      %eq3A_519 = vector.broadcast %add3A_135 : i32 to vector<16xi32>
      %eq3A_520 = arith.cmpi eq, %get3A_487, %eq3A_519 : vector<16xi32>
      %sub3A_521 = arith.subf %add3A_518, %get3A_483 : vector<16xf32>
      %mul3A_522 = vector.broadcast %select_n3A_150 : f32 to vector<16xf32>
      %mul3A_523 = arith.mulf %mul3A_522, %sub3A_521 : vector<16xf32>
      %select_n3A_524 = arith.select %eq3A_520, %mul3A_523, %add3A_518 : vector<16xi1>, vector<16xf32>
      %add3A_525 = arith.addf %add3A_444, %select_n3A_524 : vector<16xf32>
      %scan3A_526 = arith.constant 4 : i32
      %scan3A_527 = arith.addi %scan3A_206, %scan3A_526 : i32
      %jit3A_528 = arith.constant 8 : i32
      %div3A_529 = arith.divsi %scan3A_527, %jit3A_528 : i32
      %sign3A_530 = arith.constant 0 : i32
      %sign3A_531 = arith.cmpi sgt, %scan3A_527, %sign3A_530 : i32
      %sign3A_532 = arith.extui %sign3A_531 : i1 to i32
      %sign3A_533 = arith.constant 0 : i32
      %sign3A_534 = arith.cmpi slt, %scan3A_527, %sign3A_533 : i32
      %sign3A_535 = arith.extui %sign3A_534 : i1 to i32
      %sign3A_536 = arith.subi %sign3A_532, %sign3A_535 : i32
      %sign3A_537 = arith.constant 0 : i32
      %sign3A_538 = arith.cmpi sgt, %jit3A_528, %sign3A_537 : i32
      %sign3A_539 = arith.extui %sign3A_538 : i1 to i32
      %sign3A_540 = arith.constant 0 : i32
      %sign3A_541 = arith.cmpi slt, %jit3A_528, %sign3A_540 : i32
      %sign3A_542 = arith.extui %sign3A_541 : i1 to i32
      %sign3A_543 = arith.subi %sign3A_539, %sign3A_542 : i32
      %ne3A_544 = arith.cmpi ne, %sign3A_536, %sign3A_543 : i32
      %rem3A_545 = arith.remsi %scan3A_527, %jit3A_528 : i32
      %ne3A_546 = arith.constant 0 : i32
      %ne3A_547 = arith.cmpi ne, %rem3A_545, %ne3A_546 : i32
      %and3A_548 = arith.andi %ne3A_544, %ne3A_547 : i1
      %sub3A_549 = arith.constant 1 : i32
      %sub3A_550 = arith.subi %div3A_529, %sub3A_549 : i32
      %select_n3A_551 = arith.select %and3A_548, %sub3A_550, %div3A_529 : i32
      %mul3A_552 = arith.constant 8 : i32
      %mul3A_553 = arith.muli %select_n3A_551, %mul3A_552 : i32
      %sub3A_554 = arith.subi %scan3A_527, %mul3A_553 : i32
      %mul3A_555 = arith.constant 16 : i32
      %mul3A_556 = arith.muli %sub3A_554, %mul3A_555 : i32
      %get3A_557 = arith.constant 0 : i32
      %get3A_558 = arith.constant 0 : i32
      %get3A_559 = tpu.memref_slice %arg6[%scan3A, %get3A_557, %get3A_558] : memref<2x128x128xf32, #tpu.memory_space<vmem>> -> memref<1x128x128xf32, #tpu.memory_space<vmem>>
      %get3A_560 = tpu.memref_squeeze %get3A_559 : memref<1x128x128xf32, #tpu.memory_space<vmem>> -> memref<128x128xf32, #tpu.memory_space<vmem>>
      %get3A_561 = arith.index_cast %select_n3A_551 : i32 to index
      %get3A_562 = arith.index_cast %mul3A_556 : i32 to index
      %get3A_563 = tpu.vector_load %get3A_560[%get3A_561, %get3A_562] {strides = array<i32>} : memref<128x128xf32, #tpu.memory_space<vmem>>, vector<1x16xf32>,
      %get3A_564 = vector.shape_cast %get3A_563 : vector<1x16xf32> to vector<16xf32>
      %get3A_565 = arith.index_cast %select_n3A_551 : i32 to index
      %get3A_566 = arith.index_cast %mul3A_556 : i32 to index
      %get3A_567 = tpu.vector_load %arg7[%get3A_565, %get3A_566] {strides = array<i32>} : memref<128x128xi32, #tpu.memory_space<vmem>>, vector<1x16xi32>,
      %get3A_568 = vector.shape_cast %get3A_567 : vector<1x16xi32> to vector<16xi32>
      %abs3A_569 = math.absf %get3A_564 : vector<16xf32>
      %neg3A_570 = arith.constant 0.000000e+00 : f32
      %neg3A_571 = vector.broadcast %neg3A_570 : f32 to vector<16xf32>
      %neg3A_572 = arith.subf %neg3A_571, %abs3A_569 : vector<16xf32>
      %exp3A_573 = math.exp %neg3A_572 : vector<16xf32>
      %mul3A_574 = arith.constant 0.0301022474 : f32
      %mul3A_575 = vector.broadcast %mul3A_574 : f32 to vector<16xf32>
      %mul3A_576 = arith.mulf %exp3A_573, %mul3A_575 : vector<16xf32>
      %add3A_577 = arith.constant -0.130117923 : f32
      %add3A_578 = vector.broadcast %add3A_577 : f32 to vector<16xf32>
      %add3A_579 = arith.addf %add3A_578, %mul3A_576 : vector<16xf32>
      %mul3A_580 = arith.mulf %exp3A_573, %add3A_579 : vector<16xf32>
      %add3A_581 = arith.constant 0.283302397 : f32
      %add3A_582 = vector.broadcast %add3A_581 : f32 to vector<16xf32>
      %add3A_583 = arith.addf %add3A_582, %mul3A_580 : vector<16xf32>
      %mul3A_584 = arith.mulf %exp3A_573, %add3A_583 : vector<16xf32>
      %add3A_585 = arith.constant -0.489155769 : f32
      %add3A_586 = vector.broadcast %add3A_585 : f32 to vector<16xf32>
      %add3A_587 = arith.addf %add3A_586, %mul3A_584 : vector<16xf32>
      %mul3A_588 = arith.mulf %exp3A_573, %add3A_587 : vector<16xf32>
      %add3A_589 = arith.constant 0.999010205 : f32
      %add3A_590 = vector.broadcast %add3A_589 : f32 to vector<16xf32>
      %add3A_591 = arith.addf %add3A_590, %mul3A_588 : vector<16xf32>
      %mul3A_592 = arith.mulf %exp3A_573, %add3A_591 : vector<16xf32>
      %add3A_593 = arith.constant 2.21327846E-5 : f32
      %add3A_594 = vector.broadcast %add3A_593 : f32 to vector<16xf32>
      %add3A_595 = arith.addf %add3A_594, %mul3A_592 : vector<16xf32>
      %max3A_596 = arith.constant 0.000000e+00 : f32
      %max3A_597 = vector.broadcast %max3A_596 : f32 to vector<16xf32>
      %max3A_598 = arith.maximumf %get3A_564, %max3A_597 : vector<16xf32>
      %add3A_599 = arith.addf %max3A_598, %add3A_595 : vector<16xf32>
      %eq3A_600 = vector.broadcast %add3A_135 : i32 to vector<16xi32>
      %eq3A_601 = arith.cmpi eq, %get3A_568, %eq3A_600 : vector<16xi32>
      %sub3A_602 = arith.subf %add3A_599, %get3A_564 : vector<16xf32>
      %mul3A_603 = vector.broadcast %select_n3A_150 : f32 to vector<16xf32>
      %mul3A_604 = arith.mulf %mul3A_603, %sub3A_602 : vector<16xf32>
      %select_n3A_605 = arith.select %eq3A_601, %mul3A_604, %add3A_599 : vector<16xi1>, vector<16xf32>
      %add3A_606 = arith.addf %add3A_525, %select_n3A_605 : vector<16xf32>
      %scan3A_607 = arith.constant 5 : i32
      %scan3A_608 = arith.addi %scan3A_206, %scan3A_607 : i32
      %jit3A_609 = arith.constant 8 : i32
      %div3A_610 = arith.divsi %scan3A_608, %jit3A_609 : i32
      %sign3A_611 = arith.constant 0 : i32
      %sign3A_612 = arith.cmpi sgt, %scan3A_608, %sign3A_611 : i32
      %sign3A_613 = arith.extui %sign3A_612 : i1 to i32
      %sign3A_614 = arith.constant 0 : i32
      %sign3A_615 = arith.cmpi slt, %scan3A_608, %sign3A_614 : i32
      %sign3A_616 = arith.extui %sign3A_615 : i1 to i32
      %sign3A_617 = arith.subi %sign3A_613, %sign3A_616 : i32
      %sign3A_618 = arith.constant 0 : i32
      %sign3A_619 = arith.cmpi sgt, %jit3A_609, %sign3A_618 : i32
      %sign3A_620 = arith.extui %sign3A_619 : i1 to i32
      %sign3A_621 = arith.constant 0 : i32
      %sign3A_622 = arith.cmpi slt, %jit3A_609, %sign3A_621 : i32
      %sign3A_623 = arith.extui %sign3A_622 : i1 to i32
      %sign3A_624 = arith.subi %sign3A_620, %sign3A_623 : i32
      %ne3A_625 = arith.cmpi ne, %sign3A_617, %sign3A_624 : i32
      %rem3A_626 = arith.remsi %scan3A_608, %jit3A_609 : i32
      %ne3A_627 = arith.constant 0 : i32
      %ne3A_628 = arith.cmpi ne, %rem3A_626, %ne3A_627 : i32
      %and3A_629 = arith.andi %ne3A_625, %ne3A_628 : i1
      %sub3A_630 = arith.constant 1 : i32
      %sub3A_631 = arith.subi %div3A_610, %sub3A_630 : i32
      %select_n3A_632 = arith.select %and3A_629, %sub3A_631, %div3A_610 : i32
      %mul3A_633 = arith.constant 8 : i32
      %mul3A_634 = arith.muli %select_n3A_632, %mul3A_633 : i32
      %sub3A_635 = arith.subi %scan3A_608, %mul3A_634 : i32
      %mul3A_636 = arith.constant 16 : i32
      %mul3A_637 = arith.muli %sub3A_635, %mul3A_636 : i32
      %get3A_638 = arith.constant 0 : i32
      %get3A_639 = arith.constant 0 : i32
      %get3A_640 = tpu.memref_slice %arg6[%scan3A, %get3A_638, %get3A_639] : memref<2x128x128xf32, #tpu.memory_space<vmem>> -> memref<1x128x128xf32, #tpu.memory_space<vmem>>
      %get3A_641 = tpu.memref_squeeze %get3A_640 : memref<1x128x128xf32, #tpu.memory_space<vmem>> -> memref<128x128xf32, #tpu.memory_space<vmem>>
      %get3A_642 = arith.index_cast %select_n3A_632 : i32 to index
      %get3A_643 = arith.index_cast %mul3A_637 : i32 to index
      %get3A_644 = tpu.vector_load %get3A_641[%get3A_642, %get3A_643] {strides = array<i32>} : memref<128x128xf32, #tpu.memory_space<vmem>>, vector<1x16xf32>,
      %get3A_645 = vector.shape_cast %get3A_644 : vector<1x16xf32> to vector<16xf32>
      %get3A_646 = arith.index_cast %select_n3A_632 : i32 to index
      %get3A_647 = arith.index_cast %mul3A_637 : i32 to index
      %get3A_648 = tpu.vector_load %arg7[%get3A_646, %get3A_647] {strides = array<i32>} : memref<128x128xi32, #tpu.memory_space<vmem>>, vector<1x16xi32>,
      %get3A_649 = vector.shape_cast %get3A_648 : vector<1x16xi32> to vector<16xi32>
      %abs3A_650 = math.absf %get3A_645 : vector<16xf32>
      %neg3A_651 = arith.constant 0.000000e+00 : f32
      %neg3A_652 = vector.broadcast %neg3A_651 : f32 to vector<16xf32>
      %neg3A_653 = arith.subf %neg3A_652, %abs3A_650 : vector<16xf32>
      %exp3A_654 = math.exp %neg3A_653 : vector<16xf32>
      %mul3A_655 = arith.constant 0.0301022474 : f32
      %mul3A_656 = vector.broadcast %mul3A_655 : f32 to vector<16xf32>
      %mul3A_657 = arith.mulf %exp3A_654, %mul3A_656 : vector<16xf32>
      %add3A_658 = arith.constant -0.130117923 : f32
      %add3A_659 = vector.broadcast %add3A_658 : f32 to vector<16xf32>
      %add3A_660 = arith.addf %add3A_659, %mul3A_657 : vector<16xf32>
      %mul3A_661 = arith.mulf %exp3A_654, %add3A_660 : vector<16xf32>
      %add3A_662 = arith.constant 0.283302397 : f32
      %add3A_663 = vector.broadcast %add3A_662 : f32 to vector<16xf32>
      %add3A_664 = arith.addf %add3A_663, %mul3A_661 : vector<16xf32>
      %mul3A_665 = arith.mulf %exp3A_654, %add3A_664 : vector<16xf32>
      %add3A_666 = arith.constant -0.489155769 : f32
      %add3A_667 = vector.broadcast %add3A_666 : f32 to vector<16xf32>
      %add3A_668 = arith.addf %add3A_667, %mul3A_665 : vector<16xf32>
      %mul3A_669 = arith.mulf %exp3A_654, %add3A_668 : vector<16xf32>
      %add3A_670 = arith.constant 0.999010205 : f32
      %add3A_671 = vector.broadcast %add3A_670 : f32 to vector<16xf32>
      %add3A_672 = arith.addf %add3A_671, %mul3A_669 : vector<16xf32>
      %mul3A_673 = arith.mulf %exp3A_654, %add3A_672 : vector<16xf32>
      %add3A_674 = arith.constant 2.21327846E-5 : f32
      %add3A_675 = vector.broadcast %add3A_674 : f32 to vector<16xf32>
      %add3A_676 = arith.addf %add3A_675, %mul3A_673 : vector<16xf32>
      %max3A_677 = arith.constant 0.000000e+00 : f32
      %max3A_678 = vector.broadcast %max3A_677 : f32 to vector<16xf32>
      %max3A_679 = arith.maximumf %get3A_645, %max3A_678 : vector<16xf32>
      %add3A_680 = arith.addf %max3A_679, %add3A_676 : vector<16xf32>
      %eq3A_681 = vector.broadcast %add3A_135 : i32 to vector<16xi32>
      %eq3A_682 = arith.cmpi eq, %get3A_649, %eq3A_681 : vector<16xi32>
      %sub3A_683 = arith.subf %add3A_680, %get3A_645 : vector<16xf32>
      %mul3A_684 = vector.broadcast %select_n3A_150 : f32 to vector<16xf32>
      %mul3A_685 = arith.mulf %mul3A_684, %sub3A_683 : vector<16xf32>
      %select_n3A_686 = arith.select %eq3A_682, %mul3A_685, %add3A_680 : vector<16xi1>, vector<16xf32>
      %add3A_687 = arith.addf %add3A_606, %select_n3A_686 : vector<16xf32>
      %scan3A_688 = arith.constant 6 : i32
      %scan3A_689 = arith.addi %scan3A_206, %scan3A_688 : i32
      %jit3A_690 = arith.constant 8 : i32
      %div3A_691 = arith.divsi %scan3A_689, %jit3A_690 : i32
      %sign3A_692 = arith.constant 0 : i32
      %sign3A_693 = arith.cmpi sgt, %scan3A_689, %sign3A_692 : i32
      %sign3A_694 = arith.extui %sign3A_693 : i1 to i32
      %sign3A_695 = arith.constant 0 : i32
      %sign3A_696 = arith.cmpi slt, %scan3A_689, %sign3A_695 : i32
      %sign3A_697 = arith.extui %sign3A_696 : i1 to i32
      %sign3A_698 = arith.subi %sign3A_694, %sign3A_697 : i32
      %sign3A_699 = arith.constant 0 : i32
      %sign3A_700 = arith.cmpi sgt, %jit3A_690, %sign3A_699 : i32
      %sign3A_701 = arith.extui %sign3A_700 : i1 to i32
      %sign3A_702 = arith.constant 0 : i32
      %sign3A_703 = arith.cmpi slt, %jit3A_690, %sign3A_702 : i32
      %sign3A_704 = arith.extui %sign3A_703 : i1 to i32
      %sign3A_705 = arith.subi %sign3A_701, %sign3A_704 : i32
      %ne3A_706 = arith.cmpi ne, %sign3A_698, %sign3A_705 : i32
      %rem3A_707 = arith.remsi %scan3A_689, %jit3A_690 : i32
      %ne3A_708 = arith.constant 0 : i32
      %ne3A_709 = arith.cmpi ne, %rem3A_707, %ne3A_708 : i32
      %and3A_710 = arith.andi %ne3A_706, %ne3A_709 : i1
      %sub3A_711 = arith.constant 1 : i32
      %sub3A_712 = arith.subi %div3A_691, %sub3A_711 : i32
      %select_n3A_713 = arith.select %and3A_710, %sub3A_712, %div3A_691 : i32
      %mul3A_714 = arith.constant 8 : i32
      %mul3A_715 = arith.muli %select_n3A_713, %mul3A_714 : i32
      %sub3A_716 = arith.subi %scan3A_689, %mul3A_715 : i32
      %mul3A_717 = arith.constant 16 : i32
      %mul3A_718 = arith.muli %sub3A_716, %mul3A_717 : i32
      %get3A_719 = arith.constant 0 : i32
      %get3A_720 = arith.constant 0 : i32
      %get3A_721 = tpu.memref_slice %arg6[%scan3A, %get3A_719, %get3A_720] : memref<2x128x128xf32, #tpu.memory_space<vmem>> -> memref<1x128x128xf32, #tpu.memory_space<vmem>>
      %get3A_722 = tpu.memref_squeeze %get3A_721 : memref<1x128x128xf32, #tpu.memory_space<vmem>> -> memref<128x128xf32, #tpu.memory_space<vmem>>
      %get3A_723 = arith.index_cast %select_n3A_713 : i32 to index
      %get3A_724 = arith.index_cast %mul3A_718 : i32 to index
      %get3A_725 = tpu.vector_load %get3A_722[%get3A_723, %get3A_724] {strides = array<i32>} : memref<128x128xf32, #tpu.memory_space<vmem>>, vector<1x16xf32>,
      %get3A_726 = vector.shape_cast %get3A_725 : vector<1x16xf32> to vector<16xf32>
      %get3A_727 = arith.index_cast %select_n3A_713 : i32 to index
      %get3A_728 = arith.index_cast %mul3A_718 : i32 to index
      %get3A_729 = tpu.vector_load %arg7[%get3A_727, %get3A_728] {strides = array<i32>} : memref<128x128xi32, #tpu.memory_space<vmem>>, vector<1x16xi32>,
      %get3A_730 = vector.shape_cast %get3A_729 : vector<1x16xi32> to vector<16xi32>
      %abs3A_731 = math.absf %get3A_726 : vector<16xf32>
      %neg3A_732 = arith.constant 0.000000e+00 : f32
      %neg3A_733 = vector.broadcast %neg3A_732 : f32 to vector<16xf32>
      %neg3A_734 = arith.subf %neg3A_733, %abs3A_731 : vector<16xf32>
      %exp3A_735 = math.exp %neg3A_734 : vector<16xf32>
      %mul3A_736 = arith.constant 0.0301022474 : f32
      %mul3A_737 = vector.broadcast %mul3A_736 : f32 to vector<16xf32>
      %mul3A_738 = arith.mulf %exp3A_735, %mul3A_737 : vector<16xf32>
      %add3A_739 = arith.constant -0.130117923 : f32
      %add3A_740 = vector.broadcast %add3A_739 : f32 to vector<16xf32>
      %add3A_741 = arith.addf %add3A_740, %mul3A_738 : vector<16xf32>
      %mul3A_742 = arith.mulf %exp3A_735, %add3A_741 : vector<16xf32>
      %add3A_743 = arith.constant 0.283302397 : f32
      %add3A_744 = vector.broadcast %add3A_743 : f32 to vector<16xf32>
      %add3A_745 = arith.addf %add3A_744, %mul3A_742 : vector<16xf32>
      %mul3A_746 = arith.mulf %exp3A_735, %add3A_745 : vector<16xf32>
      %add3A_747 = arith.constant -0.489155769 : f32
      %add3A_748 = vector.broadcast %add3A_747 : f32 to vector<16xf32>
      %add3A_749 = arith.addf %add3A_748, %mul3A_746 : vector<16xf32>
      %mul3A_750 = arith.mulf %exp3A_735, %add3A_749 : vector<16xf32>
      %add3A_751 = arith.constant 0.999010205 : f32
      %add3A_752 = vector.broadcast %add3A_751 : f32 to vector<16xf32>
      %add3A_753 = arith.addf %add3A_752, %mul3A_750 : vector<16xf32>
      %mul3A_754 = arith.mulf %exp3A_735, %add3A_753 : vector<16xf32>
      %add3A_755 = arith.constant 2.21327846E-5 : f32
      %add3A_756 = vector.broadcast %add3A_755 : f32 to vector<16xf32>
      %add3A_757 = arith.addf %add3A_756, %mul3A_754 : vector<16xf32>
      %max3A_758 = arith.constant 0.000000e+00 : f32
      %max3A_759 = vector.broadcast %max3A_758 : f32 to vector<16xf32>
      %max3A_760 = arith.maximumf %get3A_726, %max3A_759 : vector<16xf32>
      %add3A_761 = arith.addf %max3A_760, %add3A_757 : vector<16xf32>
      %eq3A_762 = vector.broadcast %add3A_135 : i32 to vector<16xi32>
      %eq3A_763 = arith.cmpi eq, %get3A_730, %eq3A_762 : vector<16xi32>
      %sub3A_764 = arith.subf %add3A_761, %get3A_726 : vector<16xf32>
      %mul3A_765 = vector.broadcast %select_n3A_150 : f32 to vector<16xf32>
      %mul3A_766 = arith.mulf %mul3A_765, %sub3A_764 : vector<16xf32>
      %select_n3A_767 = arith.select %eq3A_763, %mul3A_766, %add3A_761 : vector<16xi1>, vector<16xf32>
      %add3A_768 = arith.addf %add3A_687, %select_n3A_767 : vector<16xf32>
      %scan3A_769 = arith.constant 7 : i32
      %scan3A_770 = arith.addi %scan3A_206, %scan3A_769 : i32
      %jit3A_771 = arith.constant 8 : i32
      %div3A_772 = arith.divsi %scan3A_770, %jit3A_771 : i32
      %sign3A_773 = arith.constant 0 : i32
      %sign3A_774 = arith.cmpi sgt, %scan3A_770, %sign3A_773 : i32
      %sign3A_775 = arith.extui %sign3A_774 : i1 to i32
      %sign3A_776 = arith.constant 0 : i32
      %sign3A_777 = arith.cmpi slt, %scan3A_770, %sign3A_776 : i32
      %sign3A_778 = arith.extui %sign3A_777 : i1 to i32
      %sign3A_779 = arith.subi %sign3A_775, %sign3A_778 : i32
      %sign3A_780 = arith.constant 0 : i32
      %sign3A_781 = arith.cmpi sgt, %jit3A_771, %sign3A_780 : i32
      %sign3A_782 = arith.extui %sign3A_781 : i1 to i32
      %sign3A_783 = arith.constant 0 : i32
      %sign3A_784 = arith.cmpi slt, %jit3A_771, %sign3A_783 : i32
      %sign3A_785 = arith.extui %sign3A_784 : i1 to i32
      %sign3A_786 = arith.subi %sign3A_782, %sign3A_785 : i32
      %ne3A_787 = arith.cmpi ne, %sign3A_779, %sign3A_786 : i32
      %rem3A_788 = arith.remsi %scan3A_770, %jit3A_771 : i32
      %ne3A_789 = arith.constant 0 : i32
      %ne3A_790 = arith.cmpi ne, %rem3A_788, %ne3A_789 : i32
      %and3A_791 = arith.andi %ne3A_787, %ne3A_790 : i1
      %sub3A_792 = arith.constant 1 : i32
      %sub3A_793 = arith.subi %div3A_772, %sub3A_792 : i32
      %select_n3A_794 = arith.select %and3A_791, %sub3A_793, %div3A_772 : i32
      %mul3A_795 = arith.constant 8 : i32
      %mul3A_796 = arith.muli %select_n3A_794, %mul3A_795 : i32
      %sub3A_797 = arith.subi %scan3A_770, %mul3A_796 : i32
      %mul3A_798 = arith.constant 16 : i32
      %mul3A_799 = arith.muli %sub3A_797, %mul3A_798 : i32
      %get3A_800 = arith.constant 0 : i32
      %get3A_801 = arith.constant 0 : i32
      %get3A_802 = tpu.memref_slice %arg6[%scan3A, %get3A_800, %get3A_801] : memref<2x128x128xf32, #tpu.memory_space<vmem>> -> memref<1x128x128xf32, #tpu.memory_space<vmem>>
      %get3A_803 = tpu.memref_squeeze %get3A_802 : memref<1x128x128xf32, #tpu.memory_space<vmem>> -> memref<128x128xf32, #tpu.memory_space<vmem>>
      %get3A_804 = arith.index_cast %select_n3A_794 : i32 to index
      %get3A_805 = arith.index_cast %mul3A_799 : i32 to index
      %get3A_806 = tpu.vector_load %get3A_803[%get3A_804, %get3A_805] {strides = array<i32>} : memref<128x128xf32, #tpu.memory_space<vmem>>, vector<1x16xf32>,
      %get3A_807 = vector.shape_cast %get3A_806 : vector<1x16xf32> to vector<16xf32>
      %get3A_808 = arith.index_cast %select_n3A_794 : i32 to index
      %get3A_809 = arith.index_cast %mul3A_799 : i32 to index
      %get3A_810 = tpu.vector_load %arg7[%get3A_808, %get3A_809] {strides = array<i32>} : memref<128x128xi32, #tpu.memory_space<vmem>>, vector<1x16xi32>,
      %get3A_811 = vector.shape_cast %get3A_810 : vector<1x16xi32> to vector<16xi32>
      %abs3A_812 = math.absf %get3A_807 : vector<16xf32>
      %neg3A_813 = arith.constant 0.000000e+00 : f32
      %neg3A_814 = vector.broadcast %neg3A_813 : f32 to vector<16xf32>
      %neg3A_815 = arith.subf %neg3A_814, %abs3A_812 : vector<16xf32>
      %exp3A_816 = math.exp %neg3A_815 : vector<16xf32>
      %mul3A_817 = arith.constant 0.0301022474 : f32
      %mul3A_818 = vector.broadcast %mul3A_817 : f32 to vector<16xf32>
      %mul3A_819 = arith.mulf %exp3A_816, %mul3A_818 : vector<16xf32>
      %add3A_820 = arith.constant -0.130117923 : f32
      %add3A_821 = vector.broadcast %add3A_820 : f32 to vector<16xf32>
      %add3A_822 = arith.addf %add3A_821, %mul3A_819 : vector<16xf32>
      %mul3A_823 = arith.mulf %exp3A_816, %add3A_822 : vector<16xf32>
      %add3A_824 = arith.constant 0.283302397 : f32
      %add3A_825 = vector.broadcast %add3A_824 : f32 to vector<16xf32>
      %add3A_826 = arith.addf %add3A_825, %mul3A_823 : vector<16xf32>
      %mul3A_827 = arith.mulf %exp3A_816, %add3A_826 : vector<16xf32>
      %add3A_828 = arith.constant -0.489155769 : f32
      %add3A_829 = vector.broadcast %add3A_828 : f32 to vector<16xf32>
      %add3A_830 = arith.addf %add3A_829, %mul3A_827 : vector<16xf32>
      %mul3A_831 = arith.mulf %exp3A_816, %add3A_830 : vector<16xf32>
      %add3A_832 = arith.constant 0.999010205 : f32
      %add3A_833 = vector.broadcast %add3A_832 : f32 to vector<16xf32>
      %add3A_834 = arith.addf %add3A_833, %mul3A_831 : vector<16xf32>
      %mul3A_835 = arith.mulf %exp3A_816, %add3A_834 : vector<16xf32>
      %add3A_836 = arith.constant 2.21327846E-5 : f32
      %add3A_837 = vector.broadcast %add3A_836 : f32 to vector<16xf32>
      %add3A_838 = arith.addf %add3A_837, %mul3A_835 : vector<16xf32>
      %max3A_839 = arith.constant 0.000000e+00 : f32
      %max3A_840 = vector.broadcast %max3A_839 : f32 to vector<16xf32>
      %max3A_841 = arith.maximumf %get3A_807, %max3A_840 : vector<16xf32>
      %add3A_842 = arith.addf %max3A_841, %add3A_838 : vector<16xf32>
      %eq3A_843 = vector.broadcast %add3A_135 : i32 to vector<16xi32>
      %eq3A_844 = arith.cmpi eq, %get3A_811, %eq3A_843 : vector<16xi32>
      %sub3A_845 = arith.subf %add3A_842, %get3A_807 : vector<16xf32>
      %mul3A_846 = vector.broadcast %select_n3A_150 : f32 to vector<16xf32>
      %mul3A_847 = arith.mulf %mul3A_846, %sub3A_845 : vector<16xf32>
      %select_n3A_848 = arith.select %eq3A_844, %mul3A_847, %add3A_842 : vector<16xi1>, vector<16xf32>
      %add3A_849 = arith.addf %add3A_768, %select_n3A_848 : vector<16xf32>
      %scan3A_850 = arith.constant 8 : i32
      %scan3A_851 = arith.addi %scan3A_206, %scan3A_850 : i32
      %jit3A_852 = arith.constant 8 : i32
      %div3A_853 = arith.divsi %scan3A_851, %jit3A_852 : i32
      %sign3A_854 = arith.constant 0 : i32
      %sign3A_855 = arith.cmpi sgt, %scan3A_851, %sign3A_854 : i32
      %sign3A_856 = arith.extui %sign3A_855 : i1 to i32
      %sign3A_857 = arith.constant 0 : i32
      %sign3A_858 = arith.cmpi slt, %scan3A_851, %sign3A_857 : i32
      %sign3A_859 = arith.extui %sign3A_858 : i1 to i32
      %sign3A_860 = arith.subi %sign3A_856, %sign3A_859 : i32
      %sign3A_861 = arith.constant 0 : i32
      %sign3A_862 = arith.cmpi sgt, %jit3A_852, %sign3A_861 : i32
      %sign3A_863 = arith.extui %sign3A_862 : i1 to i32
      %sign3A_864 = arith.constant 0 : i32
      %sign3A_865 = arith.cmpi slt, %jit3A_852, %sign3A_864 : i32
      %sign3A_866 = arith.extui %sign3A_865 : i1 to i32
      %sign3A_867 = arith.subi %sign3A_863, %sign3A_866 : i32
      %ne3A_868 = arith.cmpi ne, %sign3A_860, %sign3A_867 : i32
      %rem3A_869 = arith.remsi %scan3A_851, %jit3A_852 : i32
      %ne3A_870 = arith.constant 0 : i32
      %ne3A_871 = arith.cmpi ne, %rem3A_869, %ne3A_870 : i32
      %and3A_872 = arith.andi %ne3A_868, %ne3A_871 : i1
      %sub3A_873 = arith.constant 1 : i32
      %sub3A_874 = arith.subi %div3A_853, %sub3A_873 : i32
      %select_n3A_875 = arith.select %and3A_872, %sub3A_874, %div3A_853 : i32
      %mul3A_876 = arith.constant 8 : i32
      %mul3A_877 = arith.muli %select_n3A_875, %mul3A_876 : i32
      %sub3A_878 = arith.subi %scan3A_851, %mul3A_877 : i32
      %mul3A_879 = arith.constant 16 : i32
      %mul3A_880 = arith.muli %sub3A_878, %mul3A_879 : i32
      %get3A_881 = arith.constant 0 : i32
      %get3A_882 = arith.constant 0 : i32
      %get3A_883 = tpu.memref_slice %arg6[%scan3A, %get3A_881, %get3A_882] : memref<2x128x128xf32, #tpu.memory_space<vmem>> -> memref<1x128x128xf32, #tpu.memory_space<vmem>>
      %get3A_884 = tpu.memref_squeeze %get3A_883 : memref<1x128x128xf32, #tpu.memory_space<vmem>> -> memref<128x128xf32, #tpu.memory_space<vmem>>
      %get3A_885 = arith.index_cast %select_n3A_875 : i32 to index
      %get3A_886 = arith.index_cast %mul3A_880 : i32 to index
      %get3A_887 = tpu.vector_load %get3A_884[%get3A_885, %get3A_886] {strides = array<i32>} : memref<128x128xf32, #tpu.memory_space<vmem>>, vector<1x16xf32>,
      %get3A_888 = vector.shape_cast %get3A_887 : vector<1x16xf32> to vector<16xf32>
      %get3A_889 = arith.index_cast %select_n3A_875 : i32 to index
      %get3A_890 = arith.index_cast %mul3A_880 : i32 to index
      %get3A_891 = tpu.vector_load %arg7[%get3A_889, %get3A_890] {strides = array<i32>} : memref<128x128xi32, #tpu.memory_space<vmem>>, vector<1x16xi32>,
      %get3A_892 = vector.shape_cast %get3A_891 : vector<1x16xi32> to vector<16xi32>
      %abs3A_893 = math.absf %get3A_888 : vector<16xf32>
      %neg3A_894 = arith.constant 0.000000e+00 : f32
      %neg3A_895 = vector.broadcast %neg3A_894 : f32 to vector<16xf32>
      %neg3A_896 = arith.subf %neg3A_895, %abs3A_893 : vector<16xf32>
      %exp3A_897 = math.exp %neg3A_896 : vector<16xf32>
      %mul3A_898 = arith.constant 0.0301022474 : f32
      %mul3A_899 = vector.broadcast %mul3A_898 : f32 to vector<16xf32>
      %mul3A_900 = arith.mulf %exp3A_897, %mul3A_899 : vector<16xf32>
      %add3A_901 = arith.constant -0.130117923 : f32
      %add3A_902 = vector.broadcast %add3A_901 : f32 to vector<16xf32>
      %add3A_903 = arith.addf %add3A_902, %mul3A_900 : vector<16xf32>
      %mul3A_904 = arith.mulf %exp3A_897, %add3A_903 : vector<16xf32>
      %add3A_905 = arith.constant 0.283302397 : f32
      %add3A_906 = vector.broadcast %add3A_905 : f32 to vector<16xf32>
      %add3A_907 = arith.addf %add3A_906, %mul3A_904 : vector<16xf32>
      %mul3A_908 = arith.mulf %exp3A_897, %add3A_907 : vector<16xf32>
      %add3A_909 = arith.constant -0.489155769 : f32
      %add3A_910 = vector.broadcast %add3A_909 : f32 to vector<16xf32>
      %add3A_911 = arith.addf %add3A_910, %mul3A_908 : vector<16xf32>
      %mul3A_912 = arith.mulf %exp3A_897, %add3A_911 : vector<16xf32>
      %add3A_913 = arith.constant 0.999010205 : f32
      %add3A_914 = vector.broadcast %add3A_913 : f32 to vector<16xf32>
      %add3A_915 = arith.addf %add3A_914, %mul3A_912 : vector<16xf32>
      %mul3A_916 = arith.mulf %exp3A_897, %add3A_915 : vector<16xf32>
      %add3A_917 = arith.constant 2.21327846E-5 : f32
      %add3A_918 = vector.broadcast %add3A_917 : f32 to vector<16xf32>
      %add3A_919 = arith.addf %add3A_918, %mul3A_916 : vector<16xf32>
      %max3A_920 = arith.constant 0.000000e+00 : f32
      %max3A_921 = vector.broadcast %max3A_920 : f32 to vector<16xf32>
      %max3A_922 = arith.maximumf %get3A_888, %max3A_921 : vector<16xf32>
      %add3A_923 = arith.addf %max3A_922, %add3A_919 : vector<16xf32>
      %eq3A_924 = vector.broadcast %add3A_135 : i32 to vector<16xi32>
      %eq3A_925 = arith.cmpi eq, %get3A_892, %eq3A_924 : vector<16xi32>
      %sub3A_926 = arith.subf %add3A_923, %get3A_888 : vector<16xf32>
      %mul3A_927 = vector.broadcast %select_n3A_150 : f32 to vector<16xf32>
      %mul3A_928 = arith.mulf %mul3A_927, %sub3A_926 : vector<16xf32>
      %select_n3A_929 = arith.select %eq3A_925, %mul3A_928, %add3A_923 : vector<16xi1>, vector<16xf32>
      %add3A_930 = arith.addf %add3A_849, %select_n3A_929 : vector<16xf32>
      %scan3A_931 = arith.constant 9 : i32
      %scan3A_932 = arith.addi %scan3A_206, %scan3A_931 : i32
      %jit3A_933 = arith.constant 8 : i32
      %div3A_934 = arith.divsi %scan3A_932, %jit3A_933 : i32
      %sign3A_935 = arith.constant 0 : i32
      %sign3A_936 = arith.cmpi sgt, %scan3A_932, %sign3A_935 : i32
      %sign3A_937 = arith.extui %sign3A_936 : i1 to i32
      %sign3A_938 = arith.constant 0 : i32
      %sign3A_939 = arith.cmpi slt, %scan3A_932, %sign3A_938 : i32
      %sign3A_940 = arith.extui %sign3A_939 : i1 to i32
      %sign3A_941 = arith.subi %sign3A_937, %sign3A_940 : i32
      %sign3A_942 = arith.constant 0 : i32
      %sign3A_943 = arith.cmpi sgt, %jit3A_933, %sign3A_942 : i32
      %sign3A_944 = arith.extui %sign3A_943 : i1 to i32
      %sign3A_945 = arith.constant 0 : i32
      %sign3A_946 = arith.cmpi slt, %jit3A_933, %sign3A_945 : i32
      %sign3A_947 = arith.extui %sign3A_946 : i1 to i32
      %sign3A_948 = arith.subi %sign3A_944, %sign3A_947 : i32
      %ne3A_949 = arith.cmpi ne, %sign3A_941, %sign3A_948 : i32
      %rem3A_950 = arith.remsi %scan3A_932, %jit3A_933 : i32
      %ne3A_951 = arith.constant 0 : i32
      %ne3A_952 = arith.cmpi ne, %rem3A_950, %ne3A_951 : i32
      %and3A_953 = arith.andi %ne3A_949, %ne3A_952 : i1
      %sub3A_954 = arith.constant 1 : i32
      %sub3A_955 = arith.subi %div3A_934, %sub3A_954 : i32
      %select_n3A_956 = arith.select %and3A_953, %sub3A_955, %div3A_934 : i32
      %mul3A_957 = arith.constant 8 : i32
      %mul3A_958 = arith.muli %select_n3A_956, %mul3A_957 : i32
      %sub3A_959 = arith.subi %scan3A_932, %mul3A_958 : i32
      %mul3A_960 = arith.constant 16 : i32
      %mul3A_961 = arith.muli %sub3A_959, %mul3A_960 : i32
      %get3A_962 = arith.constant 0 : i32
      %get3A_963 = arith.constant 0 : i32
      %get3A_964 = tpu.memref_slice %arg6[%scan3A, %get3A_962, %get3A_963] : memref<2x128x128xf32, #tpu.memory_space<vmem>> -> memref<1x128x128xf32, #tpu.memory_space<vmem>>
      %get3A_965 = tpu.memref_squeeze %get3A_964 : memref<1x128x128xf32, #tpu.memory_space<vmem>> -> memref<128x128xf32, #tpu.memory_space<vmem>>
      %get3A_966 = arith.index_cast %select_n3A_956 : i32 to index
      %get3A_967 = arith.index_cast %mul3A_961 : i32 to index
      %get3A_968 = tpu.vector_load %get3A_965[%get3A_966, %get3A_967] {strides = array<i32>} : memref<128x128xf32, #tpu.memory_space<vmem>>, vector<1x16xf32>,
      %get3A_969 = vector.shape_cast %get3A_968 : vector<1x16xf32> to vector<16xf32>
      %get3A_970 = arith.index_cast %select_n3A_956 : i32 to index
      %get3A_971 = arith.index_cast %mul3A_961 : i32 to index
      %get3A_972 = tpu.vector_load %arg7[%get3A_970, %get3A_971] {strides = array<i32>} : memref<128x128xi32, #tpu.memory_space<vmem>>, vector<1x16xi32>,
      %get3A_973 = vector.shape_cast %get3A_972 : vector<1x16xi32> to vector<16xi32>
      %abs3A_974 = math.absf %get3A_969 : vector<16xf32>
      %neg3A_975 = arith.constant 0.000000e+00 : f32
      %neg3A_976 = vector.broadcast %neg3A_975 : f32 to vector<16xf32>
      %neg3A_977 = arith.subf %neg3A_976, %abs3A_974 : vector<16xf32>
      %exp3A_978 = math.exp %neg3A_977 : vector<16xf32>
      %mul3A_979 = arith.constant 0.0301022474 : f32
      %mul3A_980 = vector.broadcast %mul3A_979 : f32 to vector<16xf32>
      %mul3A_981 = arith.mulf %exp3A_978, %mul3A_980 : vector<16xf32>
      %add3A_982 = arith.constant -0.130117923 : f32
      %add3A_983 = vector.broadcast %add3A_982 : f32 to vector<16xf32>
      %add3A_984 = arith.addf %add3A_983, %mul3A_981 : vector<16xf32>
      %mul3A_985 = arith.mulf %exp3A_978, %add3A_984 : vector<16xf32>
      %add3A_986 = arith.constant 0.283302397 : f32
      %add3A_987 = vector.broadcast %add3A_986 : f32 to vector<16xf32>
      %add3A_988 = arith.addf %add3A_987, %mul3A_985 : vector<16xf32>
      %mul3A_989 = arith.mulf %exp3A_978, %add3A_988 : vector<16xf32>
      %add3A_990 = arith.constant -0.489155769 : f32
      %add3A_991 = vector.broadcast %add3A_990 : f32 to vector<16xf32>
      %add3A_992 = arith.addf %add3A_991, %mul3A_989 : vector<16xf32>
      %mul3A_993 = arith.mulf %exp3A_978, %add3A_992 : vector<16xf32>
      %add3A_994 = arith.constant 0.999010205 : f32
      %add3A_995 = vector.broadcast %add3A_994 : f32 to vector<16xf32>
      %add3A_996 = arith.addf %add3A_995, %mul3A_993 : vector<16xf32>
      %mul3A_997 = arith.mulf %exp3A_978, %add3A_996 : vector<16xf32>
      %add3A_998 = arith.constant 2.21327846E-5 : f32
      %add3A_999 = vector.broadcast %add3A_998 : f32 to vector<16xf32>
      %add3A_1000 = arith.addf %add3A_999, %mul3A_997 : vector<16xf32>
      %max3A_1001 = arith.constant 0.000000e+00 : f32
      %max3A_1002 = vector.broadcast %max3A_1001 : f32 to vector<16xf32>
      %max3A_1003 = arith.maximumf %get3A_969, %max3A_1002 : vector<16xf32>
      %add3A_1004 = arith.addf %max3A_1003, %add3A_1000 : vector<16xf32>
      %eq3A_1005 = vector.broadcast %add3A_135 : i32 to vector<16xi32>
      %eq3A_1006 = arith.cmpi eq, %get3A_973, %eq3A_1005 : vector<16xi32>
      %sub3A_1007 = arith.subf %add3A_1004, %get3A_969 : vector<16xf32>
      %mul3A_1008 = vector.broadcast %select_n3A_150 : f32 to vector<16xf32>
      %mul3A_1009 = arith.mulf %mul3A_1008, %sub3A_1007 : vector<16xf32>
      %select_n3A_1010 = arith.select %eq3A_1006, %mul3A_1009, %add3A_1004 : vector<16xi1>, vector<16xf32>
      %add3A_1011 = arith.addf %add3A_930, %select_n3A_1010 : vector<16xf32>
      %scan3A_1012 = arith.constant 10 : i32
      %scan3A_1013 = arith.addi %scan3A_206, %scan3A_1012 : i32
      %jit3A_1014 = arith.constant 8 : i32
      %div3A_1015 = arith.divsi %scan3A_1013, %jit3A_1014 : i32
      %sign3A_1016 = arith.constant 0 : i32
      %sign3A_1017 = arith.cmpi sgt, %scan3A_1013, %sign3A_1016 : i32
      %sign3A_1018 = arith.extui %sign3A_1017 : i1 to i32
      %sign3A_1019 = arith.constant 0 : i32
      %sign3A_1020 = arith.cmpi slt, %scan3A_1013, %sign3A_1019 : i32
      %sign3A_1021 = arith.extui %sign3A_1020 : i1 to i32
      %sign3A_1022 = arith.subi %sign3A_1018, %sign3A_1021 : i32
      %sign3A_1023 = arith.constant 0 : i32
      %sign3A_1024 = arith.cmpi sgt, %jit3A_1014, %sign3A_1023 : i32
      %sign3A_1025 = arith.extui %sign3A_1024 : i1 to i32
      %sign3A_1026 = arith.constant 0 : i32
      %sign3A_1027 = arith.cmpi slt, %jit3A_1014, %sign3A_1026 : i32
      %sign3A_1028 = arith.extui %sign3A_1027 : i1 to i32
      %sign3A_1029 = arith.subi %sign3A_1025, %sign3A_1028 : i32
      %ne3A_1030 = arith.cmpi ne, %sign3A_1022, %sign3A_1029 : i32
      %rem3A_1031 = arith.remsi %scan3A_1013, %jit3A_1014 : i32
      %ne3A_1032 = arith.constant 0 : i32
      %ne3A_1033 = arith.cmpi ne, %rem3A_1031, %ne3A_1032 : i32
      %and3A_1034 = arith.andi %ne3A_1030, %ne3A_1033 : i1
      %sub3A_1035 = arith.constant 1 : i32
      %sub3A_1036 = arith.subi %div3A_1015, %sub3A_1035 : i32
      %select_n3A_1037 = arith.select %and3A_1034, %sub3A_1036, %div3A_1015 : i32
      %mul3A_1038 = arith.constant 8 : i32
      %mul3A_1039 = arith.muli %select_n3A_1037, %mul3A_1038 : i32
      %sub3A_1040 = arith.subi %scan3A_1013, %mul3A_1039 : i32
      %mul3A_1041 = arith.constant 16 : i32
      %mul3A_1042 = arith.muli %sub3A_1040, %mul3A_1041 : i32
      %get3A_1043 = arith.constant 0 : i32
      %get3A_1044 = arith.constant 0 : i32
      %get3A_1045 = tpu.memref_slice %arg6[%scan3A, %get3A_1043, %get3A_1044] : memref<2x128x128xf32, #tpu.memory_space<vmem>> -> memref<1x128x128xf32, #tpu.memory_space<vmem>>
      %get3A_1046 = tpu.memref_squeeze %get3A_1045 : memref<1x128x128xf32, #tpu.memory_space<vmem>> -> memref<128x128xf32, #tpu.memory_space<vmem>>
      %get3A_1047 = arith.index_cast %select_n3A_1037 : i32 to index
      %get3A_1048 = arith.index_cast %mul3A_1042 : i32 to index
      %get3A_1049 = tpu.vector_load %get3A_1046[%get3A_1047, %get3A_1048] {strides = array<i32>} : memref<128x128xf32, #tpu.memory_space<vmem>>, vector<1x16xf32>,
      %get3A_1050 = vector.shape_cast %get3A_1049 : vector<1x16xf32> to vector<16xf32>
      %get3A_1051 = arith.index_cast %select_n3A_1037 : i32 to index
      %get3A_1052 = arith.index_cast %mul3A_1042 : i32 to index
      %get3A_1053 = tpu.vector_load %arg7[%get3A_1051, %get3A_1052] {strides = array<i32>} : memref<128x128xi32, #tpu.memory_space<vmem>>, vector<1x16xi32>,
      %get3A_1054 = vector.shape_cast %get3A_1053 : vector<1x16xi32> to vector<16xi32>
      %abs3A_1055 = math.absf %get3A_1050 : vector<16xf32>
      %neg3A_1056 = arith.constant 0.000000e+00 : f32
      %neg3A_1057 = vector.broadcast %neg3A_1056 : f32 to vector<16xf32>
      %neg3A_1058 = arith.subf %neg3A_1057, %abs3A_1055 : vector<16xf32>
      %exp3A_1059 = math.exp %neg3A_1058 : vector<16xf32>
      %mul3A_1060 = arith.constant 0.0301022474 : f32
      %mul3A_1061 = vector.broadcast %mul3A_1060 : f32 to vector<16xf32>
      %mul3A_1062 = arith.mulf %exp3A_1059, %mul3A_1061 : vector<16xf32>
      %add3A_1063 = arith.constant -0.130117923 : f32
      %add3A_1064 = vector.broadcast %add3A_1063 : f32 to vector<16xf32>
      %add3A_1065 = arith.addf %add3A_1064, %mul3A_1062 : vector<16xf32>
      %mul3A_1066 = arith.mulf %exp3A_1059, %add3A_1065 : vector<16xf32>
      %add3A_1067 = arith.constant 0.283302397 : f32
      %add3A_1068 = vector.broadcast %add3A_1067 : f32 to vector<16xf32>
      %add3A_1069 = arith.addf %add3A_1068, %mul3A_1066 : vector<16xf32>
      %mul3A_1070 = arith.mulf %exp3A_1059, %add3A_1069 : vector<16xf32>
      %add3A_1071 = arith.constant -0.489155769 : f32
      %add3A_1072 = vector.broadcast %add3A_1071 : f32 to vector<16xf32>
      %add3A_1073 = arith.addf %add3A_1072, %mul3A_1070 : vector<16xf32>
      %mul3A_1074 = arith.mulf %exp3A_1059, %add3A_1073 : vector<16xf32>
      %add3A_1075 = arith.constant 0.999010205 : f32
      %add3A_1076 = vector.broadcast %add3A_1075 : f32 to vector<16xf32>
      %add3A_1077 = arith.addf %add3A_1076, %mul3A_1074 : vector<16xf32>
      %mul3A_1078 = arith.mulf %exp3A_1059, %add3A_1077 : vector<16xf32>
      %add3A_1079 = arith.constant 2.21327846E-5 : f32
      %add3A_1080 = vector.broadcast %add3A_1079 : f32 to vector<16xf32>
      %add3A_1081 = arith.addf %add3A_1080, %mul3A_1078 : vector<16xf32>
      %max3A_1082 = arith.constant 0.000000e+00 : f32
      %max3A_1083 = vector.broadcast %max3A_1082 : f32 to vector<16xf32>
      %max3A_1084 = arith.maximumf %get3A_1050, %max3A_1083 : vector<16xf32>
      %add3A_1085 = arith.addf %max3A_1084, %add3A_1081 : vector<16xf32>
      %eq3A_1086 = vector.broadcast %add3A_135 : i32 to vector<16xi32>
      %eq3A_1087 = arith.cmpi eq, %get3A_1054, %eq3A_1086 : vector<16xi32>
      %sub3A_1088 = arith.subf %add3A_1085, %get3A_1050 : vector<16xf32>
      %mul3A_1089 = vector.broadcast %select_n3A_150 : f32 to vector<16xf32>
      %mul3A_1090 = arith.mulf %mul3A_1089, %sub3A_1088 : vector<16xf32>
      %select_n3A_1091 = arith.select %eq3A_1087, %mul3A_1090, %add3A_1085 : vector<16xi1>, vector<16xf32>
      %add3A_1092 = arith.addf %add3A_1011, %select_n3A_1091 : vector<16xf32>
      %scan3A_1093 = arith.constant 11 : i32
      %scan3A_1094 = arith.addi %scan3A_206, %scan3A_1093 : i32
      %jit3A_1095 = arith.constant 8 : i32
      %div3A_1096 = arith.divsi %scan3A_1094, %jit3A_1095 : i32
      %sign3A_1097 = arith.constant 0 : i32
      %sign3A_1098 = arith.cmpi sgt, %scan3A_1094, %sign3A_1097 : i32
      %sign3A_1099 = arith.extui %sign3A_1098 : i1 to i32
      %sign3A_1100 = arith.constant 0 : i32
      %sign3A_1101 = arith.cmpi slt, %scan3A_1094, %sign3A_1100 : i32
      %sign3A_1102 = arith.extui %sign3A_1101 : i1 to i32
      %sign3A_1103 = arith.subi %sign3A_1099, %sign3A_1102 : i32
      %sign3A_1104 = arith.constant 0 : i32
      %sign3A_1105 = arith.cmpi sgt, %jit3A_1095, %sign3A_1104 : i32
      %sign3A_1106 = arith.extui %sign3A_1105 : i1 to i32
      %sign3A_1107 = arith.constant 0 : i32
      %sign3A_1108 = arith.cmpi slt, %jit3A_1095, %sign3A_1107 : i32
      %sign3A_1109 = arith.extui %sign3A_1108 : i1 to i32
      %sign3A_1110 = arith.subi %sign3A_1106, %sign3A_1109 : i32
      %ne3A_1111 = arith.cmpi ne, %sign3A_1103, %sign3A_1110 : i32
      %rem3A_1112 = arith.remsi %scan3A_1094, %jit3A_1095 : i32
      %ne3A_1113 = arith.constant 0 : i32
      %ne3A_1114 = arith.cmpi ne, %rem3A_1112, %ne3A_1113 : i32
      %and3A_1115 = arith.andi %ne3A_1111, %ne3A_1114 : i1
      %sub3A_1116 = arith.constant 1 : i32
      %sub3A_1117 = arith.subi %div3A_1096, %sub3A_1116 : i32
      %select_n3A_1118 = arith.select %and3A_1115, %sub3A_1117, %div3A_1096 : i32
      %mul3A_1119 = arith.constant 8 : i32
      %mul3A_1120 = arith.muli %select_n3A_1118, %mul3A_1119 : i32
      %sub3A_1121 = arith.subi %scan3A_1094, %mul3A_1120 : i32
      %mul3A_1122 = arith.constant 16 : i32
      %mul3A_1123 = arith.muli %sub3A_1121, %mul3A_1122 : i32
      %get3A_1124 = arith.constant 0 : i32
      %get3A_1125 = arith.constant 0 : i32
      %get3A_1126 = tpu.memref_slice %arg6[%scan3A, %get3A_1124, %get3A_1125] : memref<2x128x128xf32, #tpu.memory_space<vmem>> -> memref<1x128x128xf32, #tpu.memory_space<vmem>>
      %get3A_1127 = tpu.memref_squeeze %get3A_1126 : memref<1x128x128xf32, #tpu.memory_space<vmem>> -> memref<128x128xf32, #tpu.memory_space<vmem>>
      %get3A_1128 = arith.index_cast %select_n3A_1118 : i32 to index
      %get3A_1129 = arith.index_cast %mul3A_1123 : i32 to index
      %get3A_1130 = tpu.vector_load %get3A_1127[%get3A_1128, %get3A_1129] {strides = array<i32>} : memref<128x128xf32, #tpu.memory_space<vmem>>, vector<1x16xf32>,
      %get3A_1131 = vector.shape_cast %get3A_1130 : vector<1x16xf32> to vector<16xf32>
      %get3A_1132 = arith.index_cast %select_n3A_1118 : i32 to index
      %get3A_1133 = arith.index_cast %mul3A_1123 : i32 to index
      %get3A_1134 = tpu.vector_load %arg7[%get3A_1132, %get3A_1133] {strides = array<i32>} : memref<128x128xi32, #tpu.memory_space<vmem>>, vector<1x16xi32>,
      %get3A_1135 = vector.shape_cast %get3A_1134 : vector<1x16xi32> to vector<16xi32>
      %abs3A_1136 = math.absf %get3A_1131 : vector<16xf32>
      %neg3A_1137 = arith.constant 0.000000e+00 : f32
      %neg3A_1138 = vector.broadcast %neg3A_1137 : f32 to vector<16xf32>
      %neg3A_1139 = arith.subf %neg3A_1138, %abs3A_1136 : vector<16xf32>
      %exp3A_1140 = math.exp %neg3A_1139 : vector<16xf32>
      %mul3A_1141 = arith.constant 0.0301022474 : f32
      %mul3A_1142 = vector.broadcast %mul3A_1141 : f32 to vector<16xf32>
      %mul3A_1143 = arith.mulf %exp3A_1140, %mul3A_1142 : vector<16xf32>
      %add3A_1144 = arith.constant -0.130117923 : f32
      %add3A_1145 = vector.broadcast %add3A_1144 : f32 to vector<16xf32>
      %add3A_1146 = arith.addf %add3A_1145, %mul3A_1143 : vector<16xf32>
      %mul3A_1147 = arith.mulf %exp3A_1140, %add3A_1146 : vector<16xf32>
      %add3A_1148 = arith.constant 0.283302397 : f32
      %add3A_1149 = vector.broadcast %add3A_1148 : f32 to vector<16xf32>
      %add3A_1150 = arith.addf %add3A_1149, %mul3A_1147 : vector<16xf32>
      %mul3A_1151 = arith.mulf %exp3A_1140, %add3A_1150 : vector<16xf32>
      %add3A_1152 = arith.constant -0.489155769 : f32
      %add3A_1153 = vector.broadcast %add3A_1152 : f32 to vector<16xf32>
      %add3A_1154 = arith.addf %add3A_1153, %mul3A_1151 : vector<16xf32>
      %mul3A_1155 = arith.mulf %exp3A_1140, %add3A_1154 : vector<16xf32>
      %add3A_1156 = arith.constant 0.999010205 : f32
      %add3A_1157 = vector.broadcast %add3A_1156 : f32 to vector<16xf32>
      %add3A_1158 = arith.addf %add3A_1157, %mul3A_1155 : vector<16xf32>
      %mul3A_1159 = arith.mulf %exp3A_1140, %add3A_1158 : vector<16xf32>
      %add3A_1160 = arith.constant 2.21327846E-5 : f32
      %add3A_1161 = vector.broadcast %add3A_1160 : f32 to vector<16xf32>
      %add3A_1162 = arith.addf %add3A_1161, %mul3A_1159 : vector<16xf32>
      %max3A_1163 = arith.constant 0.000000e+00 : f32
      %max3A_1164 = vector.broadcast %max3A_1163 : f32 to vector<16xf32>
      %max3A_1165 = arith.maximumf %get3A_1131, %max3A_1164 : vector<16xf32>
      %add3A_1166 = arith.addf %max3A_1165, %add3A_1162 : vector<16xf32>
      %eq3A_1167 = vector.broadcast %add3A_135 : i32 to vector<16xi32>
      %eq3A_1168 = arith.cmpi eq, %get3A_1135, %eq3A_1167 : vector<16xi32>
      %sub3A_1169 = arith.subf %add3A_1166, %get3A_1131 : vector<16xf32>
      %mul3A_1170 = vector.broadcast %select_n3A_150 : f32 to vector<16xf32>
      %mul3A_1171 = arith.mulf %mul3A_1170, %sub3A_1169 : vector<16xf32>
      %select_n3A_1172 = arith.select %eq3A_1168, %mul3A_1171, %add3A_1166 : vector<16xi1>, vector<16xf32>
      %add3A_1173 = arith.addf %add3A_1092, %select_n3A_1172 : vector<16xf32>
      %scan3A_1174 = arith.constant 12 : i32
      %scan3A_1175 = arith.addi %scan3A_206, %scan3A_1174 : i32
      %jit3A_1176 = arith.constant 8 : i32
      %div3A_1177 = arith.divsi %scan3A_1175, %jit3A_1176 : i32
      %sign3A_1178 = arith.constant 0 : i32
      %sign3A_1179 = arith.cmpi sgt, %scan3A_1175, %sign3A_1178 : i32
      %sign3A_1180 = arith.extui %sign3A_1179 : i1 to i32
      %sign3A_1181 = arith.constant 0 : i32
      %sign3A_1182 = arith.cmpi slt, %scan3A_1175, %sign3A_1181 : i32
      %sign3A_1183 = arith.extui %sign3A_1182 : i1 to i32
      %sign3A_1184 = arith.subi %sign3A_1180, %sign3A_1183 : i32
      %sign3A_1185 = arith.constant 0 : i32
      %sign3A_1186 = arith.cmpi sgt, %jit3A_1176, %sign3A_1185 : i32
      %sign3A_1187 = arith.extui %sign3A_1186 : i1 to i32
      %sign3A_1188 = arith.constant 0 : i32
      %sign3A_1189 = arith.cmpi slt, %jit3A_1176, %sign3A_1188 : i32
      %sign3A_1190 = arith.extui %sign3A_1189 : i1 to i32
      %sign3A_1191 = arith.subi %sign3A_1187, %sign3A_1190 : i32
      %ne3A_1192 = arith.cmpi ne, %sign3A_1184, %sign3A_1191 : i32
      %rem3A_1193 = arith.remsi %scan3A_1175, %jit3A_1176 : i32
      %ne3A_1194 = arith.constant 0 : i32
      %ne3A_1195 = arith.cmpi ne, %rem3A_1193, %ne3A_1194 : i32
      %and3A_1196 = arith.andi %ne3A_1192, %ne3A_1195 : i1
      %sub3A_1197 = arith.constant 1 : i32
      %sub3A_1198 = arith.subi %div3A_1177, %sub3A_1197 : i32
      %select_n3A_1199 = arith.select %and3A_1196, %sub3A_1198, %div3A_1177 : i32
      %mul3A_1200 = arith.constant 8 : i32
      %mul3A_1201 = arith.muli %select_n3A_1199, %mul3A_1200 : i32
      %sub3A_1202 = arith.subi %scan3A_1175, %mul3A_1201 : i32
      %mul3A_1203 = arith.constant 16 : i32
      %mul3A_1204 = arith.muli %sub3A_1202, %mul3A_1203 : i32
      %get3A_1205 = arith.constant 0 : i32
      %get3A_1206 = arith.constant 0 : i32
      %get3A_1207 = tpu.memref_slice %arg6[%scan3A, %get3A_1205, %get3A_1206] : memref<2x128x128xf32, #tpu.memory_space<vmem>> -> memref<1x128x128xf32, #tpu.memory_space<vmem>>
      %get3A_1208 = tpu.memref_squeeze %get3A_1207 : memref<1x128x128xf32, #tpu.memory_space<vmem>> -> memref<128x128xf32, #tpu.memory_space<vmem>>
      %get3A_1209 = arith.index_cast %select_n3A_1199 : i32 to index
      %get3A_1210 = arith.index_cast %mul3A_1204 : i32 to index
      %get3A_1211 = tpu.vector_load %get3A_1208[%get3A_1209, %get3A_1210] {strides = array<i32>} : memref<128x128xf32, #tpu.memory_space<vmem>>, vector<1x16xf32>,
      %get3A_1212 = vector.shape_cast %get3A_1211 : vector<1x16xf32> to vector<16xf32>
      %get3A_1213 = arith.index_cast %select_n3A_1199 : i32 to index
      %get3A_1214 = arith.index_cast %mul3A_1204 : i32 to index
      %get3A_1215 = tpu.vector_load %arg7[%get3A_1213, %get3A_1214] {strides = array<i32>} : memref<128x128xi32, #tpu.memory_space<vmem>>, vector<1x16xi32>,
      %get3A_1216 = vector.shape_cast %get3A_1215 : vector<1x16xi32> to vector<16xi32>
      %abs3A_1217 = math.absf %get3A_1212 : vector<16xf32>
      %neg3A_1218 = arith.constant 0.000000e+00 : f32
      %neg3A_1219 = vector.broadcast %neg3A_1218 : f32 to vector<16xf32>
      %neg3A_1220 = arith.subf %neg3A_1219, %abs3A_1217 : vector<16xf32>
      %exp3A_1221 = math.exp %neg3A_1220 : vector<16xf32>
      %mul3A_1222 = arith.constant 0.0301022474 : f32
      %mul3A_1223 = vector.broadcast %mul3A_1222 : f32 to vector<16xf32>
      %mul3A_1224 = arith.mulf %exp3A_1221, %mul3A_1223 : vector<16xf32>
      %add3A_1225 = arith.constant -0.130117923 : f32
      %add3A_1226 = vector.broadcast %add3A_1225 : f32 to vector<16xf32>
      %add3A_1227 = arith.addf %add3A_1226, %mul3A_1224 : vector<16xf32>
      %mul3A_1228 = arith.mulf %exp3A_1221, %add3A_1227 : vector<16xf32>
      %add3A_1229 = arith.constant 0.283302397 : f32
      %add3A_1230 = vector.broadcast %add3A_1229 : f32 to vector<16xf32>
      %add3A_1231 = arith.addf %add3A_1230, %mul3A_1228 : vector<16xf32>
      %mul3A_1232 = arith.mulf %exp3A_1221, %add3A_1231 : vector<16xf32>
      %add3A_1233 = arith.constant -0.489155769 : f32
      %add3A_1234 = vector.broadcast %add3A_1233 : f32 to vector<16xf32>
      %add3A_1235 = arith.addf %add3A_1234, %mul3A_1232 : vector<16xf32>
      %mul3A_1236 = arith.mulf %exp3A_1221, %add3A_1235 : vector<16xf32>
      %add3A_1237 = arith.constant 0.999010205 : f32
      %add3A_1238 = vector.broadcast %add3A_1237 : f32 to vector<16xf32>
      %add3A_1239 = arith.addf %add3A_1238, %mul3A_1236 : vector<16xf32>
      %mul3A_1240 = arith.mulf %exp3A_1221, %add3A_1239 : vector<16xf32>
      %add3A_1241 = arith.constant 2.21327846E-5 : f32
      %add3A_1242 = vector.broadcast %add3A_1241 : f32 to vector<16xf32>
      %add3A_1243 = arith.addf %add3A_1242, %mul3A_1240 : vector<16xf32>
      %max3A_1244 = arith.constant 0.000000e+00 : f32
      %max3A_1245 = vector.broadcast %max3A_1244 : f32 to vector<16xf32>
      %max3A_1246 = arith.maximumf %get3A_1212, %max3A_1245 : vector<16xf32>
      %add3A_1247 = arith.addf %max3A_1246, %add3A_1243 : vector<16xf32>
      %eq3A_1248 = vector.broadcast %add3A_135 : i32 to vector<16xi32>
      %eq3A_1249 = arith.cmpi eq, %get3A_1216, %eq3A_1248 : vector<16xi32>
      %sub3A_1250 = arith.subf %add3A_1247, %get3A_1212 : vector<16xf32>
      %mul3A_1251 = vector.broadcast %select_n3A_150 : f32 to vector<16xf32>
      %mul3A_1252 = arith.mulf %mul3A_1251, %sub3A_1250 : vector<16xf32>
      %select_n3A_1253 = arith.select %eq3A_1249, %mul3A_1252, %add3A_1247 : vector<16xi1>, vector<16xf32>
      %add3A_1254 = arith.addf %add3A_1173, %select_n3A_1253 : vector<16xf32>
      %scan3A_1255 = arith.constant 13 : i32
      %scan3A_1256 = arith.addi %scan3A_206, %scan3A_1255 : i32
      %jit3A_1257 = arith.constant 8 : i32
      %div3A_1258 = arith.divsi %scan3A_1256, %jit3A_1257 : i32
      %sign3A_1259 = arith.constant 0 : i32
      %sign3A_1260 = arith.cmpi sgt, %scan3A_1256, %sign3A_1259 : i32
      %sign3A_1261 = arith.extui %sign3A_1260 : i1 to i32
      %sign3A_1262 = arith.constant 0 : i32
      %sign3A_1263 = arith.cmpi slt, %scan3A_1256, %sign3A_1262 : i32
      %sign3A_1264 = arith.extui %sign3A_1263 : i1 to i32
      %sign3A_1265 = arith.subi %sign3A_1261, %sign3A_1264 : i32
      %sign3A_1266 = arith.constant 0 : i32
      %sign3A_1267 = arith.cmpi sgt, %jit3A_1257, %sign3A_1266 : i32
      %sign3A_1268 = arith.extui %sign3A_1267 : i1 to i32
      %sign3A_1269 = arith.constant 0 : i32
      %sign3A_1270 = arith.cmpi slt, %jit3A_1257, %sign3A_1269 : i32
      %sign3A_1271 = arith.extui %sign3A_1270 : i1 to i32
      %sign3A_1272 = arith.subi %sign3A_1268, %sign3A_1271 : i32
      %ne3A_1273 = arith.cmpi ne, %sign3A_1265, %sign3A_1272 : i32
      %rem3A_1274 = arith.remsi %scan3A_1256, %jit3A_1257 : i32
      %ne3A_1275 = arith.constant 0 : i32
      %ne3A_1276 = arith.cmpi ne, %rem3A_1274, %ne3A_1275 : i32
      %and3A_1277 = arith.andi %ne3A_1273, %ne3A_1276 : i1
      %sub3A_1278 = arith.constant 1 : i32
      %sub3A_1279 = arith.subi %div3A_1258, %sub3A_1278 : i32
      %select_n3A_1280 = arith.select %and3A_1277, %sub3A_1279, %div3A_1258 : i32
      %mul3A_1281 = arith.constant 8 : i32
      %mul3A_1282 = arith.muli %select_n3A_1280, %mul3A_1281 : i32
      %sub3A_1283 = arith.subi %scan3A_1256, %mul3A_1282 : i32
      %mul3A_1284 = arith.constant 16 : i32
      %mul3A_1285 = arith.muli %sub3A_1283, %mul3A_1284 : i32
      %get3A_1286 = arith.constant 0 : i32
      %get3A_1287 = arith.constant 0 : i32
      %get3A_1288 = tpu.memref_slice %arg6[%scan3A, %get3A_1286, %get3A_1287] : memref<2x128x128xf32, #tpu.memory_space<vmem>> -> memref<1x128x128xf32, #tpu.memory_space<vmem>>
      %get3A_1289 = tpu.memref_squeeze %get3A_1288 : memref<1x128x128xf32, #tpu.memory_space<vmem>> -> memref<128x128xf32, #tpu.memory_space<vmem>>
      %get3A_1290 = arith.index_cast %select_n3A_1280 : i32 to index
      %get3A_1291 = arith.index_cast %mul3A_1285 : i32 to index
      %get3A_1292 = tpu.vector_load %get3A_1289[%get3A_1290, %get3A_1291] {strides = array<i32>} : memref<128x128xf32, #tpu.memory_space<vmem>>, vector<1x16xf32>,
      %get3A_1293 = vector.shape_cast %get3A_1292 : vector<1x16xf32> to vector<16xf32>
      %get3A_1294 = arith.index_cast %select_n3A_1280 : i32 to index
      %get3A_1295 = arith.index_cast %mul3A_1285 : i32 to index
      %get3A_1296 = tpu.vector_load %arg7[%get3A_1294, %get3A_1295] {strides = array<i32>} : memref<128x128xi32, #tpu.memory_space<vmem>>, vector<1x16xi32>,
      %get3A_1297 = vector.shape_cast %get3A_1296 : vector<1x16xi32> to vector<16xi32>
      %abs3A_1298 = math.absf %get3A_1293 : vector<16xf32>
      %neg3A_1299 = arith.constant 0.000000e+00 : f32
      %neg3A_1300 = vector.broadcast %neg3A_1299 : f32 to vector<16xf32>
      %neg3A_1301 = arith.subf %neg3A_1300, %abs3A_1298 : vector<16xf32>
      %exp3A_1302 = math.exp %neg3A_1301 : vector<16xf32>
      %mul3A_1303 = arith.constant 0.0301022474 : f32
      %mul3A_1304 = vector.broadcast %mul3A_1303 : f32 to vector<16xf32>
      %mul3A_1305 = arith.mulf %exp3A_1302, %mul3A_1304 : vector<16xf32>
      %add3A_1306 = arith.constant -0.130117923 : f32
      %add3A_1307 = vector.broadcast %add3A_1306 : f32 to vector<16xf32>
      %add3A_1308 = arith.addf %add3A_1307, %mul3A_1305 : vector<16xf32>
      %mul3A_1309 = arith.mulf %exp3A_1302, %add3A_1308 : vector<16xf32>
      %add3A_1310 = arith.constant 0.283302397 : f32
      %add3A_1311 = vector.broadcast %add3A_1310 : f32 to vector<16xf32>
      %add3A_1312 = arith.addf %add3A_1311, %mul3A_1309 : vector<16xf32>
      %mul3A_1313 = arith.mulf %exp3A_1302, %add3A_1312 : vector<16xf32>
      %add3A_1314 = arith.constant -0.489155769 : f32
      %add3A_1315 = vector.broadcast %add3A_1314 : f32 to vector<16xf32>
      %add3A_1316 = arith.addf %add3A_1315, %mul3A_1313 : vector<16xf32>
      %mul3A_1317 = arith.mulf %exp3A_1302, %add3A_1316 : vector<16xf32>
      %add3A_1318 = arith.constant 0.999010205 : f32
      %add3A_1319 = vector.broadcast %add3A_1318 : f32 to vector<16xf32>
      %add3A_1320 = arith.addf %add3A_1319, %mul3A_1317 : vector<16xf32>
      %mul3A_1321 = arith.mulf %exp3A_1302, %add3A_1320 : vector<16xf32>
      %add3A_1322 = arith.constant 2.21327846E-5 : f32
      %add3A_1323 = vector.broadcast %add3A_1322 : f32 to vector<16xf32>
      %add3A_1324 = arith.addf %add3A_1323, %mul3A_1321 : vector<16xf32>
      %max3A_1325 = arith.constant 0.000000e+00 : f32
      %max3A_1326 = vector.broadcast %max3A_1325 : f32 to vector<16xf32>
      %max3A_1327 = arith.maximumf %get3A_1293, %max3A_1326 : vector<16xf32>
      %add3A_1328 = arith.addf %max3A_1327, %add3A_1324 : vector<16xf32>
      %eq3A_1329 = vector.broadcast %add3A_135 : i32 to vector<16xi32>
      %eq3A_1330 = arith.cmpi eq, %get3A_1297, %eq3A_1329 : vector<16xi32>
      %sub3A_1331 = arith.subf %add3A_1328, %get3A_1293 : vector<16xf32>
      %mul3A_1332 = vector.broadcast %select_n3A_150 : f32 to vector<16xf32>
      %mul3A_1333 = arith.mulf %mul3A_1332, %sub3A_1331 : vector<16xf32>
      %select_n3A_1334 = arith.select %eq3A_1330, %mul3A_1333, %add3A_1328 : vector<16xi1>, vector<16xf32>
      %add3A_1335 = arith.addf %add3A_1254, %select_n3A_1334 : vector<16xf32>
      %scan3A_1336 = arith.constant 14 : i32
      %scan3A_1337 = arith.addi %scan3A_206, %scan3A_1336 : i32
      %jit3A_1338 = arith.constant 8 : i32
      %div3A_1339 = arith.divsi %scan3A_1337, %jit3A_1338 : i32
      %sign3A_1340 = arith.constant 0 : i32
      %sign3A_1341 = arith.cmpi sgt, %scan3A_1337, %sign3A_1340 : i32
      %sign3A_1342 = arith.extui %sign3A_1341 : i1 to i32
      %sign3A_1343 = arith.constant 0 : i32
      %sign3A_1344 = arith.cmpi slt, %scan3A_1337, %sign3A_1343 : i32
      %sign3A_1345 = arith.extui %sign3A_1344 : i1 to i32
      %sign3A_1346 = arith.subi %sign3A_1342, %sign3A_1345 : i32
      %sign3A_1347 = arith.constant 0 : i32
      %sign3A_1348 = arith.cmpi sgt, %jit3A_1338, %sign3A_1347 : i32
      %sign3A_1349 = arith.extui %sign3A_1348 : i1 to i32
      %sign3A_1350 = arith.constant 0 : i32
      %sign3A_1351 = arith.cmpi slt, %jit3A_1338, %sign3A_1350 : i32
      %sign3A_1352 = arith.extui %sign3A_1351 : i1 to i32
      %sign3A_1353 = arith.subi %sign3A_1349, %sign3A_1352 : i32
      %ne3A_1354 = arith.cmpi ne, %sign3A_1346, %sign3A_1353 : i32
      %rem3A_1355 = arith.remsi %scan3A_1337, %jit3A_1338 : i32
      %ne3A_1356 = arith.constant 0 : i32
      %ne3A_1357 = arith.cmpi ne, %rem3A_1355, %ne3A_1356 : i32
      %and3A_1358 = arith.andi %ne3A_1354, %ne3A_1357 : i1
      %sub3A_1359 = arith.constant 1 : i32
      %sub3A_1360 = arith.subi %div3A_1339, %sub3A_1359 : i32
      %select_n3A_1361 = arith.select %and3A_1358, %sub3A_1360, %div3A_1339 : i32
      %mul3A_1362 = arith.constant 8 : i32
      %mul3A_1363 = arith.muli %select_n3A_1361, %mul3A_1362 : i32
      %sub3A_1364 = arith.subi %scan3A_1337, %mul3A_1363 : i32
      %mul3A_1365 = arith.constant 16 : i32
      %mul3A_1366 = arith.muli %sub3A_1364, %mul3A_1365 : i32
      %get3A_1367 = arith.constant 0 : i32
      %get3A_1368 = arith.constant 0 : i32
      %get3A_1369 = tpu.memref_slice %arg6[%scan3A, %get3A_1367, %get3A_1368] : memref<2x128x128xf32, #tpu.memory_space<vmem>> -> memref<1x128x128xf32, #tpu.memory_space<vmem>>
      %get3A_1370 = tpu.memref_squeeze %get3A_1369 : memref<1x128x128xf32, #tpu.memory_space<vmem>> -> memref<128x128xf32, #tpu.memory_space<vmem>>
      %get3A_1371 = arith.index_cast %select_n3A_1361 : i32 to index
      %get3A_1372 = arith.index_cast %mul3A_1366 : i32 to index
      %get3A_1373 = tpu.vector_load %get3A_1370[%get3A_1371, %get3A_1372] {strides = array<i32>} : memref<128x128xf32, #tpu.memory_space<vmem>>, vector<1x16xf32>,
      %get3A_1374 = vector.shape_cast %get3A_1373 : vector<1x16xf32> to vector<16xf32>
      %get3A_1375 = arith.index_cast %select_n3A_1361 : i32 to index
      %get3A_1376 = arith.index_cast %mul3A_1366 : i32 to index
      %get3A_1377 = tpu.vector_load %arg7[%get3A_1375, %get3A_1376] {strides = array<i32>} : memref<128x128xi32, #tpu.memory_space<vmem>>, vector<1x16xi32>,
      %get3A_1378 = vector.shape_cast %get3A_1377 : vector<1x16xi32> to vector<16xi32>
      %abs3A_1379 = math.absf %get3A_1374 : vector<16xf32>
      %neg3A_1380 = arith.constant 0.000000e+00 : f32
      %neg3A_1381 = vector.broadcast %neg3A_1380 : f32 to vector<16xf32>
      %neg3A_1382 = arith.subf %neg3A_1381, %abs3A_1379 : vector<16xf32>
      %exp3A_1383 = math.exp %neg3A_1382 : vector<16xf32>
      %mul3A_1384 = arith.constant 0.0301022474 : f32
      %mul3A_1385 = vector.broadcast %mul3A_1384 : f32 to vector<16xf32>
      %mul3A_1386 = arith.mulf %exp3A_1383, %mul3A_1385 : vector<16xf32>
      %add3A_1387 = arith.constant -0.130117923 : f32
      %add3A_1388 = vector.broadcast %add3A_1387 : f32 to vector<16xf32>
      %add3A_1389 = arith.addf %add3A_1388, %mul3A_1386 : vector<16xf32>
      %mul3A_1390 = arith.mulf %exp3A_1383, %add3A_1389 : vector<16xf32>
      %add3A_1391 = arith.constant 0.283302397 : f32
      %add3A_1392 = vector.broadcast %add3A_1391 : f32 to vector<16xf32>
      %add3A_1393 = arith.addf %add3A_1392, %mul3A_1390 : vector<16xf32>
      %mul3A_1394 = arith.mulf %exp3A_1383, %add3A_1393 : vector<16xf32>
      %add3A_1395 = arith.constant -0.489155769 : f32
      %add3A_1396 = vector.broadcast %add3A_1395 : f32 to vector<16xf32>
      %add3A_1397 = arith.addf %add3A_1396, %mul3A_1394 : vector<16xf32>
      %mul3A_1398 = arith.mulf %exp3A_1383, %add3A_1397 : vector<16xf32>
      %add3A_1399 = arith.constant 0.999010205 : f32
      %add3A_1400 = vector.broadcast %add3A_1399 : f32 to vector<16xf32>
      %add3A_1401 = arith.addf %add3A_1400, %mul3A_1398 : vector<16xf32>
      %mul3A_1402 = arith.mulf %exp3A_1383, %add3A_1401 : vector<16xf32>
      %add3A_1403 = arith.constant 2.21327846E-5 : f32
      %add3A_1404 = vector.broadcast %add3A_1403 : f32 to vector<16xf32>
      %add3A_1405 = arith.addf %add3A_1404, %mul3A_1402 : vector<16xf32>
      %max3A_1406 = arith.constant 0.000000e+00 : f32
      %max3A_1407 = vector.broadcast %max3A_1406 : f32 to vector<16xf32>
      %max3A_1408 = arith.maximumf %get3A_1374, %max3A_1407 : vector<16xf32>
      %add3A_1409 = arith.addf %max3A_1408, %add3A_1405 : vector<16xf32>
      %eq3A_1410 = vector.broadcast %add3A_135 : i32 to vector<16xi32>
      %eq3A_1411 = arith.cmpi eq, %get3A_1378, %eq3A_1410 : vector<16xi32>
      %sub3A_1412 = arith.subf %add3A_1409, %get3A_1374 : vector<16xf32>
      %mul3A_1413 = vector.broadcast %select_n3A_150 : f32 to vector<16xf32>
      %mul3A_1414 = arith.mulf %mul3A_1413, %sub3A_1412 : vector<16xf32>
      %select_n3A_1415 = arith.select %eq3A_1411, %mul3A_1414, %add3A_1409 : vector<16xi1>, vector<16xf32>
      %add3A_1416 = arith.addf %add3A_1335, %select_n3A_1415 : vector<16xf32>
      %scan3A_1417 = arith.constant 15 : i32
      %scan3A_1418 = arith.addi %scan3A_206, %scan3A_1417 : i32
      %jit3A_1419 = arith.constant 8 : i32
      %div3A_1420 = arith.divsi %scan3A_1418, %jit3A_1419 : i32
      %sign3A_1421 = arith.constant 0 : i32
      %sign3A_1422 = arith.cmpi sgt, %scan3A_1418, %sign3A_1421 : i32
      %sign3A_1423 = arith.extui %sign3A_1422 : i1 to i32
      %sign3A_1424 = arith.constant 0 : i32
      %sign3A_1425 = arith.cmpi slt, %scan3A_1418, %sign3A_1424 : i32
      %sign3A_1426 = arith.extui %sign3A_1425 : i1 to i32
      %sign3A_1427 = arith.subi %sign3A_1423, %sign3A_1426 : i32
      %sign3A_1428 = arith.constant 0 : i32
      %sign3A_1429 = arith.cmpi sgt, %jit3A_1419, %sign3A_1428 : i32
      %sign3A_1430 = arith.extui %sign3A_1429 : i1 to i32
      %sign3A_1431 = arith.constant 0 : i32
      %sign3A_1432 = arith.cmpi slt, %jit3A_1419, %sign3A_1431 : i32
      %sign3A_1433 = arith.extui %sign3A_1432 : i1 to i32
      %sign3A_1434 = arith.subi %sign3A_1430, %sign3A_1433 : i32
      %ne3A_1435 = arith.cmpi ne, %sign3A_1427, %sign3A_1434 : i32
      %rem3A_1436 = arith.remsi %scan3A_1418, %jit3A_1419 : i32
      %ne3A_1437 = arith.constant 0 : i32
      %ne3A_1438 = arith.cmpi ne, %rem3A_1436, %ne3A_1437 : i32
      %and3A_1439 = arith.andi %ne3A_1435, %ne3A_1438 : i1
      %sub3A_1440 = arith.constant 1 : i32
      %sub3A_1441 = arith.subi %div3A_1420, %sub3A_1440 : i32
      %select_n3A_1442 = arith.select %and3A_1439, %sub3A_1441, %div3A_1420 : i32
      %mul3A_1443 = arith.constant 8 : i32
      %mul3A_1444 = arith.muli %select_n3A_1442, %mul3A_1443 : i32
      %sub3A_1445 = arith.subi %scan3A_1418, %mul3A_1444 : i32
      %mul3A_1446 = arith.constant 16 : i32
      %mul3A_1447 = arith.muli %sub3A_1445, %mul3A_1446 : i32
      %get3A_1448 = arith.constant 0 : i32
      %get3A_1449 = arith.constant 0 : i32
      %get3A_1450 = tpu.memref_slice %arg6[%scan3A, %get3A_1448, %get3A_1449] : memref<2x128x128xf32, #tpu.memory_space<vmem>> -> memref<1x128x128xf32, #tpu.memory_space<vmem>>
      %get3A_1451 = tpu.memref_squeeze %get3A_1450 : memref<1x128x128xf32, #tpu.memory_space<vmem>> -> memref<128x128xf32, #tpu.memory_space<vmem>>
      %get3A_1452 = arith.index_cast %select_n3A_1442 : i32 to index
      %get3A_1453 = arith.index_cast %mul3A_1447 : i32 to index
      %get3A_1454 = tpu.vector_load %get3A_1451[%get3A_1452, %get3A_1453] {strides = array<i32>} : memref<128x128xf32, #tpu.memory_space<vmem>>, vector<1x16xf32>,
      %get3A_1455 = vector.shape_cast %get3A_1454 : vector<1x16xf32> to vector<16xf32>
      %get3A_1456 = arith.index_cast %select_n3A_1442 : i32 to index
      %get3A_1457 = arith.index_cast %mul3A_1447 : i32 to index
      %get3A_1458 = tpu.vector_load %arg7[%get3A_1456, %get3A_1457] {strides = array<i32>} : memref<128x128xi32, #tpu.memory_space<vmem>>, vector<1x16xi32>,
      %get3A_1459 = vector.shape_cast %get3A_1458 : vector<1x16xi32> to vector<16xi32>
      %abs3A_1460 = math.absf %get3A_1455 : vector<16xf32>
      %neg3A_1461 = arith.constant 0.000000e+00 : f32
      %neg3A_1462 = vector.broadcast %neg3A_1461 : f32 to vector<16xf32>
      %neg3A_1463 = arith.subf %neg3A_1462, %abs3A_1460 : vector<16xf32>
      %exp3A_1464 = math.exp %neg3A_1463 : vector<16xf32>
      %mul3A_1465 = arith.constant 0.0301022474 : f32
      %mul3A_1466 = vector.broadcast %mul3A_1465 : f32 to vector<16xf32>
      %mul3A_1467 = arith.mulf %exp3A_1464, %mul3A_1466 : vector<16xf32>
      %add3A_1468 = arith.constant -0.130117923 : f32
      %add3A_1469 = vector.broadcast %add3A_1468 : f32 to vector<16xf32>
      %add3A_1470 = arith.addf %add3A_1469, %mul3A_1467 : vector<16xf32>
      %mul3A_1471 = arith.mulf %exp3A_1464, %add3A_1470 : vector<16xf32>
      %add3A_1472 = arith.constant 0.283302397 : f32
      %add3A_1473 = vector.broadcast %add3A_1472 : f32 to vector<16xf32>
      %add3A_1474 = arith.addf %add3A_1473, %mul3A_1471 : vector<16xf32>
      %mul3A_1475 = arith.mulf %exp3A_1464, %add3A_1474 : vector<16xf32>
      %add3A_1476 = arith.constant -0.489155769 : f32
      %add3A_1477 = vector.broadcast %add3A_1476 : f32 to vector<16xf32>
      %add3A_1478 = arith.addf %add3A_1477, %mul3A_1475 : vector<16xf32>
      %mul3A_1479 = arith.mulf %exp3A_1464, %add3A_1478 : vector<16xf32>
      %add3A_1480 = arith.constant 0.999010205 : f32
      %add3A_1481 = vector.broadcast %add3A_1480 : f32 to vector<16xf32>
      %add3A_1482 = arith.addf %add3A_1481, %mul3A_1479 : vector<16xf32>
      %mul3A_1483 = arith.mulf %exp3A_1464, %add3A_1482 : vector<16xf32>
      %add3A_1484 = arith.constant 2.21327846E-5 : f32
      %add3A_1485 = vector.broadcast %add3A_1484 : f32 to vector<16xf32>
      %add3A_1486 = arith.addf %add3A_1485, %mul3A_1483 : vector<16xf32>
      %max3A_1487 = arith.constant 0.000000e+00 : f32
      %max3A_1488 = vector.broadcast %max3A_1487 : f32 to vector<16xf32>
      %max3A_1489 = arith.maximumf %get3A_1455, %max3A_1488 : vector<16xf32>
      %add3A_1490 = arith.addf %max3A_1489, %add3A_1486 : vector<16xf32>
      %eq3A_1491 = vector.broadcast %add3A_135 : i32 to vector<16xi32>
      %eq3A_1492 = arith.cmpi eq, %get3A_1459, %eq3A_1491 : vector<16xi32>
      %sub3A_1493 = arith.subf %add3A_1490, %get3A_1455 : vector<16xf32>
      %mul3A_1494 = vector.broadcast %select_n3A_150 : f32 to vector<16xf32>
      %mul3A_1495 = arith.mulf %mul3A_1494, %sub3A_1493 : vector<16xf32>
      %select_n3A_1496 = arith.select %eq3A_1492, %mul3A_1495, %add3A_1490 : vector<16xi1>, vector<16xf32>
      %add3A_1497 = arith.addf %add3A_1416, %select_n3A_1496 : vector<16xf32>
      scf.yield %add3A_1497 : vector<16xf32>
    }
    %scan3A_156 = arith.constant 1024 : i32
    %dma_wait3A_157 = arith.constant 1 : i32
    %dma_wait3A_158 = arith.constant 0 : i32
    %dma_wait3A_159 = arith.constant 0 : i32
    %dma_wait3A_160 = tpu.memref_slice %arg6[%dma_wait3A_157, %dma_wait3A_158, %dma_wait3A_159] : memref<2x128x128xf32, #tpu.memory_space<vmem>> -> memref<1x128x128xf32, #tpu.memory_space<vmem>>
    %dma_wait3A_161 = tpu.memref_squeeze %dma_wait3A_160 : memref<1x128x128xf32, #tpu.memory_space<vmem>> -> memref<128x128xf32, #tpu.memory_space<vmem>>
    %dma_wait3A_162 = arith.constant 0 : i32
    %dma_wait3A_163 = arith.constant 0 : i32
    %dma_wait3A_164 = tpu.memref_slice %arg2[%select_n3A_58, %add3A_92, %add3A_63, %dma_wait3A_162, %dma_wait3A_163] : memref<2x4x64x128x128xf32, #tpu.memory_space<hbm>> -> memref<1x1x1x128x128xf32, #tpu.memory_space<hbm>>
    %dma_wait3A_165 = tpu.memref_squeeze %dma_wait3A_164 : memref<1x1x1x128x128xf32, #tpu.memory_space<hbm>> -> memref<128x128xf32, #tpu.memory_space<hbm>>
    %dma_wait3A_166 = arith.constant 0 : i32
    %dma_wait3A_167 = arith.constant 0 : i32
    %dma_wait3A_168 = tpu.memref_slice %arg6[%dma_wait3A_157, %dma_wait3A_166, %dma_wait3A_167] : memref<2x128x128xf32, #tpu.memory_space<vmem>> -> memref<1x128x128xf32, #tpu.memory_space<vmem>>
    %dma_wait3A_169 = tpu.memref_squeeze %dma_wait3A_168 : memref<1x128x128xf32, #tpu.memory_space<vmem>> -> memref<128x128xf32, #tpu.memory_space<vmem>>
    %dma_wait3A_170 = arith.constant 0 : i32
    %dma_wait3A_171 = arith.constant 0 : i32
    %dma_wait3A_172 = tpu.memref_slice %arg2[%select_n3A_58, %add3A_92, %add3A_63, %dma_wait3A_170, %dma_wait3A_171] : memref<2x4x64x128x128xf32, #tpu.memory_space<hbm>> -> memref<1x1x1x128x128xf32, #tpu.memory_space<hbm>>
    %dma_wait3A_173 = tpu.memref_squeeze %dma_wait3A_172 : memref<1x1x1x128x128xf32, #tpu.memory_space<hbm>> -> memref<128x128xf32, #tpu.memory_space<hbm>>
    tpu.wait_dma2 semaphore(%arg11 : memref<!tpu.dma_semaphore, #tpu.memory_space<semaphore_mem>>) src(%dma_wait3A_173 : memref<128x128xf32, #tpu.memory_space<hbm>>) dst(%dma_wait3A_169 : memref<128x128xf32, #tpu.memory_space<vmem>>)
    %add3A_174 = arith.constant 1 : i32
    %add3A_175 = arith.addi %mul3A_34, %add3A_174 : i32
    %slice3A_176 = vector.extract_strided_slice %get3A_2 {offsets = [3], sizes = [1], strides = [1]} : vector<16xf32> to vector<1xf32>
    %squeeze3A_177 = vector.extract %slice3A_176[0] : f32 from vector<1xf32>
    %eq3A_178 = arith.constant 2 : i32
    %eq3A_179 = arith.cmpi eq, %add3A_175, %eq3A_178 : i32
    %slice3A_180 = vector.extract_strided_slice %get3A_2 {offsets = [2], sizes = [1], strides = [1]} : vector<16xf32> to vector<1xf32>
    %squeeze3A_181 = vector.extract %slice3A_180[0] : f32 from vector<1xf32>
    %select_n3A_182 = arith.select %eq3A_179, %squeeze3A_181, %squeeze3A_177 : f32
    %eq3A_183 = arith.constant 1 : i32
    %eq3A_184 = arith.cmpi eq, %add3A_175, %eq3A_183 : i32
    %slice3A_185 = vector.extract_strided_slice %get3A_2 {offsets = [1], sizes = [1], strides = [1]} : vector<16xf32> to vector<1xf32>
    %squeeze3A_186 = vector.extract %slice3A_185[0] : f32 from vector<1xf32>
    %select_n3A_187 = arith.select %eq3A_184, %squeeze3A_186, %select_n3A_182 : f32
    %eq3A_188 = arith.constant 0 : i32
    %eq3A_189 = arith.cmpi eq, %add3A_175, %eq3A_188 : i32
    %slice3A_190 = vector.extract_strided_slice %get3A_2 {offsets = [0], sizes = [1], strides = [1]} : vector<16xf32> to vector<1xf32>
    %squeeze3A_191 = vector.extract %slice3A_190[0] : f32 from vector<1xf32>
    %select_n3A_192 = arith.select %eq3A_189, %squeeze3A_191, %select_n3A_187 : f32
    %scan3A_193 = arith.constant 1 : i32
    %scan3A_194 = arith.constant 0 : i32
    %scan3A_195 = arith.constant 1024 : i32
    %scan3A_196 = arith.addi %scan3A_194, %scan3A_195 : i32
    %scan3A_197 = arith.constant 16 : i32
    %scan3A_198 = scf.for %scan3A_206 = %scan3A_194 to %scan3A_196 step %scan3A_197 iter_args(%scan3A_207 = %scan3A_155) -> (vector<16xf32>)  : i32 {
      %jit3A_208 = arith.constant 8 : i32
      %div3A_209 = arith.divsi %scan3A_206, %jit3A_208 : i32
      %sign3A_210 = arith.constant 0 : i32
      %sign3A_211 = arith.cmpi sgt, %scan3A_206, %sign3A_210 : i32
      %sign3A_212 = arith.extui %sign3A_211 : i1 to i32
      %sign3A_213 = arith.constant 0 : i32
      %sign3A_214 = arith.cmpi slt, %scan3A_206, %sign3A_213 : i32
      %sign3A_215 = arith.extui %sign3A_214 : i1 to i32
      %sign3A_216 = arith.subi %sign3A_212, %sign3A_215 : i32
      %sign3A_217 = arith.constant 0 : i32
      %sign3A_218 = arith.cmpi sgt, %jit3A_208, %sign3A_217 : i32
      %sign3A_219 = arith.extui %sign3A_218 : i1 to i32
      %sign3A_220 = arith.constant 0 : i32
      %sign3A_221 = arith.cmpi slt, %jit3A_208, %sign3A_220 : i32
      %sign3A_222 = arith.extui %sign3A_221 : i1 to i32
      %sign3A_223 = arith.subi %sign3A_219, %sign3A_222 : i32
      %ne3A_224 = arith.cmpi ne, %sign3A_216, %sign3A_223 : i32
      %rem3A_225 = arith.remsi %scan3A_206, %jit3A_208 : i32
      %ne3A_226 = arith.constant 0 : i32
      %ne3A_227 = arith.cmpi ne, %rem3A_225, %ne3A_226 : i32
      %and3A_228 = arith.andi %ne3A_224, %ne3A_227 : i1
      %sub3A_229 = arith.constant 1 : i32
      %sub3A_230 = arith.subi %div3A_209, %sub3A_229 : i32
      %select_n3A_231 = arith.select %and3A_228, %sub3A_230, %div3A_209 : i32
      %mul3A_232 = arith.constant 8 : i32
      %mul3A_233 = arith.muli %select_n3A_231, %mul3A_232 : i32
      %sub3A_234 = arith.subi %scan3A_206, %mul3A_233 : i32
      %mul3A_235 = arith.constant 16 : i32
      %mul3A_236 = arith.muli %sub3A_234, %mul3A_235 : i32
      %get3A_237 = arith.constant 0 : i32
      %get3A_238 = arith.constant 0 : i32
      %get3A_239 = tpu.memref_slice %arg6[%scan3A_193, %get3A_237, %get3A_238] : memref<2x128x128xf32, #tpu.memory_space<vmem>> -> memref<1x128x128xf32, #tpu.memory_space<vmem>>
      %get3A_240 = tpu.memref_squeeze %get3A_239 : memref<1x128x128xf32, #tpu.memory_space<vmem>> -> memref<128x128xf32, #tpu.memory_space<vmem>>
      %get3A_241 = arith.index_cast %select_n3A_231 : i32 to index
      %get3A_242 = arith.index_cast %mul3A_236 : i32 to index
      %get3A_243 = tpu.vector_load %get3A_240[%get3A_241, %get3A_242] {strides = array<i32>} : memref<128x128xf32, #tpu.memory_space<vmem>>, vector<1x16xf32>,
      %get3A_244 = vector.shape_cast %get3A_243 : vector<1x16xf32> to vector<16xf32>
      %get3A_245 = arith.index_cast %select_n3A_231 : i32 to index
      %get3A_246 = arith.index_cast %mul3A_236 : i32 to index
      %get3A_247 = tpu.vector_load %arg7[%get3A_245, %get3A_246] {strides = array<i32>} : memref<128x128xi32, #tpu.memory_space<vmem>>, vector<1x16xi32>,
      %get3A_248 = vector.shape_cast %get3A_247 : vector<1x16xi32> to vector<16xi32>
      %abs3A = math.absf %get3A_244 : vector<16xf32>
      %neg3A = arith.constant 0.000000e+00 : f32
      %neg3A_249 = vector.broadcast %neg3A : f32 to vector<16xf32>
      %neg3A_250 = arith.subf %neg3A_249, %abs3A : vector<16xf32>
      %exp3A = math.exp %neg3A_250 : vector<16xf32>
      %mul3A_251 = arith.constant 0.0301022474 : f32
      %mul3A_252 = vector.broadcast %mul3A_251 : f32 to vector<16xf32>
      %mul3A_253 = arith.mulf %exp3A, %mul3A_252 : vector<16xf32>
      %add3A_254 = arith.constant -0.130117923 : f32
      %add3A_255 = vector.broadcast %add3A_254 : f32 to vector<16xf32>
      %add3A_256 = arith.addf %add3A_255, %mul3A_253 : vector<16xf32>
      %mul3A_257 = arith.mulf %exp3A, %add3A_256 : vector<16xf32>
      %add3A_258 = arith.constant 0.283302397 : f32
      %add3A_259 = vector.broadcast %add3A_258 : f32 to vector<16xf32>
      %add3A_260 = arith.addf %add3A_259, %mul3A_257 : vector<16xf32>
      %mul3A_261 = arith.mulf %exp3A, %add3A_260 : vector<16xf32>
      %add3A_262 = arith.constant -0.489155769 : f32
      %add3A_263 = vector.broadcast %add3A_262 : f32 to vector<16xf32>
      %add3A_264 = arith.addf %add3A_263, %mul3A_261 : vector<16xf32>
      %mul3A_265 = arith.mulf %exp3A, %add3A_264 : vector<16xf32>
      %add3A_266 = arith.constant 0.999010205 : f32
      %add3A_267 = vector.broadcast %add3A_266 : f32 to vector<16xf32>
      %add3A_268 = arith.addf %add3A_267, %mul3A_265 : vector<16xf32>
      %mul3A_269 = arith.mulf %exp3A, %add3A_268 : vector<16xf32>
      %add3A_270 = arith.constant 2.21327846E-5 : f32
      %add3A_271 = vector.broadcast %add3A_270 : f32 to vector<16xf32>
      %add3A_272 = arith.addf %add3A_271, %mul3A_269 : vector<16xf32>
      %max3A = arith.constant 0.000000e+00 : f32
      %max3A_273 = vector.broadcast %max3A : f32 to vector<16xf32>
      %max3A_274 = arith.maximumf %get3A_244, %max3A_273 : vector<16xf32>
      %add3A_275 = arith.addf %max3A_274, %add3A_272 : vector<16xf32>
      %eq3A_276 = vector.broadcast %add3A_175 : i32 to vector<16xi32>
      %eq3A_277 = arith.cmpi eq, %get3A_248, %eq3A_276 : vector<16xi32>
      %sub3A_278 = arith.subf %add3A_275, %get3A_244 : vector<16xf32>
      %mul3A_279 = vector.broadcast %select_n3A_192 : f32 to vector<16xf32>
      %mul3A_280 = arith.mulf %mul3A_279, %sub3A_278 : vector<16xf32>
      %select_n3A_281 = arith.select %eq3A_277, %mul3A_280, %add3A_275 : vector<16xi1>, vector<16xf32>
      %add3A_282 = arith.addf %scan3A_207, %select_n3A_281 : vector<16xf32>
      %scan3A_283 = arith.constant 1 : i32
      %scan3A_284 = arith.addi %scan3A_206, %scan3A_283 : i32
      %jit3A_285 = arith.constant 8 : i32
      %div3A_286 = arith.divsi %scan3A_284, %jit3A_285 : i32
      %sign3A_287 = arith.constant 0 : i32
      %sign3A_288 = arith.cmpi sgt, %scan3A_284, %sign3A_287 : i32
      %sign3A_289 = arith.extui %sign3A_288 : i1 to i32
      %sign3A_290 = arith.constant 0 : i32
      %sign3A_291 = arith.cmpi slt, %scan3A_284, %sign3A_290 : i32
      %sign3A_292 = arith.extui %sign3A_291 : i1 to i32
      %sign3A_293 = arith.subi %sign3A_289, %sign3A_292 : i32
      %sign3A_294 = arith.constant 0 : i32
      %sign3A_295 = arith.cmpi sgt, %jit3A_285, %sign3A_294 : i32
      %sign3A_296 = arith.extui %sign3A_295 : i1 to i32
      %sign3A_297 = arith.constant 0 : i32
      %sign3A_298 = arith.cmpi slt, %jit3A_285, %sign3A_297 : i32
      %sign3A_299 = arith.extui %sign3A_298 : i1 to i32
      %sign3A_300 = arith.subi %sign3A_296, %sign3A_299 : i32
      %ne3A_301 = arith.cmpi ne, %sign3A_293, %sign3A_300 : i32
      %rem3A_302 = arith.remsi %scan3A_284, %jit3A_285 : i32
      %ne3A_303 = arith.constant 0 : i32
      %ne3A_304 = arith.cmpi ne, %rem3A_302, %ne3A_303 : i32
      %and3A_305 = arith.andi %ne3A_301, %ne3A_304 : i1
      %sub3A_306 = arith.constant 1 : i32
      %sub3A_307 = arith.subi %div3A_286, %sub3A_306 : i32
      %select_n3A_308 = arith.select %and3A_305, %sub3A_307, %div3A_286 : i32
      %mul3A_309 = arith.constant 8 : i32
      %mul3A_310 = arith.muli %select_n3A_308, %mul3A_309 : i32
      %sub3A_311 = arith.subi %scan3A_284, %mul3A_310 : i32
      %mul3A_312 = arith.constant 16 : i32
      %mul3A_313 = arith.muli %sub3A_311, %mul3A_312 : i32
      %get3A_314 = arith.constant 0 : i32
      %get3A_315 = arith.constant 0 : i32
      %get3A_316 = tpu.memref_slice %arg6[%scan3A_193, %get3A_314, %get3A_315] : memref<2x128x128xf32, #tpu.memory_space<vmem>> -> memref<1x128x128xf32, #tpu.memory_space<vmem>>
      %get3A_317 = tpu.memref_squeeze %get3A_316 : memref<1x128x128xf32, #tpu.memory_space<vmem>> -> memref<128x128xf32, #tpu.memory_space<vmem>>
      %get3A_318 = arith.index_cast %select_n3A_308 : i32 to index
      %get3A_319 = arith.index_cast %mul3A_313 : i32 to index
      %get3A_320 = tpu.vector_load %get3A_317[%get3A_318, %get3A_319] {strides = array<i32>} : memref<128x128xf32, #tpu.memory_space<vmem>>, vector<1x16xf32>,
      %get3A_321 = vector.shape_cast %get3A_320 : vector<1x16xf32> to vector<16xf32>
      %get3A_322 = arith.index_cast %select_n3A_308 : i32 to index
      %get3A_323 = arith.index_cast %mul3A_313 : i32 to index
      %get3A_324 = tpu.vector_load %arg7[%get3A_322, %get3A_323] {strides = array<i32>} : memref<128x128xi32, #tpu.memory_space<vmem>>, vector<1x16xi32>,
      %get3A_325 = vector.shape_cast %get3A_324 : vector<1x16xi32> to vector<16xi32>
      %abs3A_326 = math.absf %get3A_321 : vector<16xf32>
      %neg3A_327 = arith.constant 0.000000e+00 : f32
      %neg3A_328 = vector.broadcast %neg3A_327 : f32 to vector<16xf32>
      %neg3A_329 = arith.subf %neg3A_328, %abs3A_326 : vector<16xf32>
      %exp3A_330 = math.exp %neg3A_329 : vector<16xf32>
      %mul3A_331 = arith.constant 0.0301022474 : f32
      %mul3A_332 = vector.broadcast %mul3A_331 : f32 to vector<16xf32>
      %mul3A_333 = arith.mulf %exp3A_330, %mul3A_332 : vector<16xf32>
      %add3A_334 = arith.constant -0.130117923 : f32
      %add3A_335 = vector.broadcast %add3A_334 : f32 to vector<16xf32>
      %add3A_336 = arith.addf %add3A_335, %mul3A_333 : vector<16xf32>
      %mul3A_337 = arith.mulf %exp3A_330, %add3A_336 : vector<16xf32>
      %add3A_338 = arith.constant 0.283302397 : f32
      %add3A_339 = vector.broadcast %add3A_338 : f32 to vector<16xf32>
      %add3A_340 = arith.addf %add3A_339, %mul3A_337 : vector<16xf32>
      %mul3A_341 = arith.mulf %exp3A_330, %add3A_340 : vector<16xf32>
      %add3A_342 = arith.constant -0.489155769 : f32
      %add3A_343 = vector.broadcast %add3A_342 : f32 to vector<16xf32>
      %add3A_344 = arith.addf %add3A_343, %mul3A_341 : vector<16xf32>
      %mul3A_345 = arith.mulf %exp3A_330, %add3A_344 : vector<16xf32>
      %add3A_346 = arith.constant 0.999010205 : f32
      %add3A_347 = vector.broadcast %add3A_346 : f32 to vector<16xf32>
      %add3A_348 = arith.addf %add3A_347, %mul3A_345 : vector<16xf32>
      %mul3A_349 = arith.mulf %exp3A_330, %add3A_348 : vector<16xf32>
      %add3A_350 = arith.constant 2.21327846E-5 : f32
      %add3A_351 = vector.broadcast %add3A_350 : f32 to vector<16xf32>
      %add3A_352 = arith.addf %add3A_351, %mul3A_349 : vector<16xf32>
      %max3A_353 = arith.constant 0.000000e+00 : f32
      %max3A_354 = vector.broadcast %max3A_353 : f32 to vector<16xf32>
      %max3A_355 = arith.maximumf %get3A_321, %max3A_354 : vector<16xf32>
      %add3A_356 = arith.addf %max3A_355, %add3A_352 : vector<16xf32>
      %eq3A_357 = vector.broadcast %add3A_175 : i32 to vector<16xi32>
      %eq3A_358 = arith.cmpi eq, %get3A_325, %eq3A_357 : vector<16xi32>
      %sub3A_359 = arith.subf %add3A_356, %get3A_321 : vector<16xf32>
      %mul3A_360 = vector.broadcast %select_n3A_192 : f32 to vector<16xf32>
      %mul3A_361 = arith.mulf %mul3A_360, %sub3A_359 : vector<16xf32>
      %select_n3A_362 = arith.select %eq3A_358, %mul3A_361, %add3A_356 : vector<16xi1>, vector<16xf32>
      %add3A_363 = arith.addf %add3A_282, %select_n3A_362 : vector<16xf32>
      %scan3A_364 = arith.constant 2 : i32
      %scan3A_365 = arith.addi %scan3A_206, %scan3A_364 : i32
      %jit3A_366 = arith.constant 8 : i32
      %div3A_367 = arith.divsi %scan3A_365, %jit3A_366 : i32
      %sign3A_368 = arith.constant 0 : i32
      %sign3A_369 = arith.cmpi sgt, %scan3A_365, %sign3A_368 : i32
      %sign3A_370 = arith.extui %sign3A_369 : i1 to i32
      %sign3A_371 = arith.constant 0 : i32
      %sign3A_372 = arith.cmpi slt, %scan3A_365, %sign3A_371 : i32
      %sign3A_373 = arith.extui %sign3A_372 : i1 to i32
      %sign3A_374 = arith.subi %sign3A_370, %sign3A_373 : i32
      %sign3A_375 = arith.constant 0 : i32
      %sign3A_376 = arith.cmpi sgt, %jit3A_366, %sign3A_375 : i32
      %sign3A_377 = arith.extui %sign3A_376 : i1 to i32
      %sign3A_378 = arith.constant 0 : i32
      %sign3A_379 = arith.cmpi slt, %jit3A_366, %sign3A_378 : i32
      %sign3A_380 = arith.extui %sign3A_379 : i1 to i32
      %sign3A_381 = arith.subi %sign3A_377, %sign3A_380 : i32
      %ne3A_382 = arith.cmpi ne, %sign3A_374, %sign3A_381 : i32
      %rem3A_383 = arith.remsi %scan3A_365, %jit3A_366 : i32
      %ne3A_384 = arith.constant 0 : i32
      %ne3A_385 = arith.cmpi ne, %rem3A_383, %ne3A_384 : i32
      %and3A_386 = arith.andi %ne3A_382, %ne3A_385 : i1
      %sub3A_387 = arith.constant 1 : i32
      %sub3A_388 = arith.subi %div3A_367, %sub3A_387 : i32
      %select_n3A_389 = arith.select %and3A_386, %sub3A_388, %div3A_367 : i32
      %mul3A_390 = arith.constant 8 : i32
      %mul3A_391 = arith.muli %select_n3A_389, %mul3A_390 : i32
      %sub3A_392 = arith.subi %scan3A_365, %mul3A_391 : i32
      %mul3A_393 = arith.constant 16 : i32
      %mul3A_394 = arith.muli %sub3A_392, %mul3A_393 : i32
      %get3A_395 = arith.constant 0 : i32
      %get3A_396 = arith.constant 0 : i32
      %get3A_397 = tpu.memref_slice %arg6[%scan3A_193, %get3A_395, %get3A_396] : memref<2x128x128xf32, #tpu.memory_space<vmem>> -> memref<1x128x128xf32, #tpu.memory_space<vmem>>
      %get3A_398 = tpu.memref_squeeze %get3A_397 : memref<1x128x128xf32, #tpu.memory_space<vmem>> -> memref<128x128xf32, #tpu.memory_space<vmem>>
      %get3A_399 = arith.index_cast %select_n3A_389 : i32 to index
      %get3A_400 = arith.index_cast %mul3A_394 : i32 to index
      %get3A_401 = tpu.vector_load %get3A_398[%get3A_399, %get3A_400] {strides = array<i32>} : memref<128x128xf32, #tpu.memory_space<vmem>>, vector<1x16xf32>,
      %get3A_402 = vector.shape_cast %get3A_401 : vector<1x16xf32> to vector<16xf32>
      %get3A_403 = arith.index_cast %select_n3A_389 : i32 to index
      %get3A_404 = arith.index_cast %mul3A_394 : i32 to index
      %get3A_405 = tpu.vector_load %arg7[%get3A_403, %get3A_404] {strides = array<i32>} : memref<128x128xi32, #tpu.memory_space<vmem>>, vector<1x16xi32>,
      %get3A_406 = vector.shape_cast %get3A_405 : vector<1x16xi32> to vector<16xi32>
      %abs3A_407 = math.absf %get3A_402 : vector<16xf32>
      %neg3A_408 = arith.constant 0.000000e+00 : f32
      %neg3A_409 = vector.broadcast %neg3A_408 : f32 to vector<16xf32>
      %neg3A_410 = arith.subf %neg3A_409, %abs3A_407 : vector<16xf32>
      %exp3A_411 = math.exp %neg3A_410 : vector<16xf32>
      %mul3A_412 = arith.constant 0.0301022474 : f32
      %mul3A_413 = vector.broadcast %mul3A_412 : f32 to vector<16xf32>
      %mul3A_414 = arith.mulf %exp3A_411, %mul3A_413 : vector<16xf32>
      %add3A_415 = arith.constant -0.130117923 : f32
      %add3A_416 = vector.broadcast %add3A_415 : f32 to vector<16xf32>
      %add3A_417 = arith.addf %add3A_416, %mul3A_414 : vector<16xf32>
      %mul3A_418 = arith.mulf %exp3A_411, %add3A_417 : vector<16xf32>
      %add3A_419 = arith.constant 0.283302397 : f32
      %add3A_420 = vector.broadcast %add3A_419 : f32 to vector<16xf32>
      %add3A_421 = arith.addf %add3A_420, %mul3A_418 : vector<16xf32>
      %mul3A_422 = arith.mulf %exp3A_411, %add3A_421 : vector<16xf32>
      %add3A_423 = arith.constant -0.489155769 : f32
      %add3A_424 = vector.broadcast %add3A_423 : f32 to vector<16xf32>
      %add3A_425 = arith.addf %add3A_424, %mul3A_422 : vector<16xf32>
      %mul3A_426 = arith.mulf %exp3A_411, %add3A_425 : vector<16xf32>
      %add3A_427 = arith.constant 0.999010205 : f32
      %add3A_428 = vector.broadcast %add3A_427 : f32 to vector<16xf32>
      %add3A_429 = arith.addf %add3A_428, %mul3A_426 : vector<16xf32>
      %mul3A_430 = arith.mulf %exp3A_411, %add3A_429 : vector<16xf32>
      %add3A_431 = arith.constant 2.21327846E-5 : f32
      %add3A_432 = vector.broadcast %add3A_431 : f32 to vector<16xf32>
      %add3A_433 = arith.addf %add3A_432, %mul3A_430 : vector<16xf32>
      %max3A_434 = arith.constant 0.000000e+00 : f32
      %max3A_435 = vector.broadcast %max3A_434 : f32 to vector<16xf32>
      %max3A_436 = arith.maximumf %get3A_402, %max3A_435 : vector<16xf32>
      %add3A_437 = arith.addf %max3A_436, %add3A_433 : vector<16xf32>
      %eq3A_438 = vector.broadcast %add3A_175 : i32 to vector<16xi32>
      %eq3A_439 = arith.cmpi eq, %get3A_406, %eq3A_438 : vector<16xi32>
      %sub3A_440 = arith.subf %add3A_437, %get3A_402 : vector<16xf32>
      %mul3A_441 = vector.broadcast %select_n3A_192 : f32 to vector<16xf32>
      %mul3A_442 = arith.mulf %mul3A_441, %sub3A_440 : vector<16xf32>
      %select_n3A_443 = arith.select %eq3A_439, %mul3A_442, %add3A_437 : vector<16xi1>, vector<16xf32>
      %add3A_444 = arith.addf %add3A_363, %select_n3A_443 : vector<16xf32>
      %scan3A_445 = arith.constant 3 : i32
      %scan3A_446 = arith.addi %scan3A_206, %scan3A_445 : i32
      %jit3A_447 = arith.constant 8 : i32
      %div3A_448 = arith.divsi %scan3A_446, %jit3A_447 : i32
      %sign3A_449 = arith.constant 0 : i32
      %sign3A_450 = arith.cmpi sgt, %scan3A_446, %sign3A_449 : i32
      %sign3A_451 = arith.extui %sign3A_450 : i1 to i32
      %sign3A_452 = arith.constant 0 : i32
      %sign3A_453 = arith.cmpi slt, %scan3A_446, %sign3A_452 : i32
      %sign3A_454 = arith.extui %sign3A_453 : i1 to i32
      %sign3A_455 = arith.subi %sign3A_451, %sign3A_454 : i32
      %sign3A_456 = arith.constant 0 : i32
      %sign3A_457 = arith.cmpi sgt, %jit3A_447, %sign3A_456 : i32
      %sign3A_458 = arith.extui %sign3A_457 : i1 to i32
      %sign3A_459 = arith.constant 0 : i32
      %sign3A_460 = arith.cmpi slt, %jit3A_447, %sign3A_459 : i32
      %sign3A_461 = arith.extui %sign3A_460 : i1 to i32
      %sign3A_462 = arith.subi %sign3A_458, %sign3A_461 : i32
      %ne3A_463 = arith.cmpi ne, %sign3A_455, %sign3A_462 : i32
      %rem3A_464 = arith.remsi %scan3A_446, %jit3A_447 : i32
      %ne3A_465 = arith.constant 0 : i32
      %ne3A_466 = arith.cmpi ne, %rem3A_464, %ne3A_465 : i32
      %and3A_467 = arith.andi %ne3A_463, %ne3A_466 : i1
      %sub3A_468 = arith.constant 1 : i32
      %sub3A_469 = arith.subi %div3A_448, %sub3A_468 : i32
      %select_n3A_470 = arith.select %and3A_467, %sub3A_469, %div3A_448 : i32
      %mul3A_471 = arith.constant 8 : i32
      %mul3A_472 = arith.muli %select_n3A_470, %mul3A_471 : i32
      %sub3A_473 = arith.subi %scan3A_446, %mul3A_472 : i32
      %mul3A_474 = arith.constant 16 : i32
      %mul3A_475 = arith.muli %sub3A_473, %mul3A_474 : i32
      %get3A_476 = arith.constant 0 : i32
      %get3A_477 = arith.constant 0 : i32
      %get3A_478 = tpu.memref_slice %arg6[%scan3A_193, %get3A_476, %get3A_477] : memref<2x128x128xf32, #tpu.memory_space<vmem>> -> memref<1x128x128xf32, #tpu.memory_space<vmem>>
      %get3A_479 = tpu.memref_squeeze %get3A_478 : memref<1x128x128xf32, #tpu.memory_space<vmem>> -> memref<128x128xf32, #tpu.memory_space<vmem>>
      %get3A_480 = arith.index_cast %select_n3A_470 : i32 to index
      %get3A_481 = arith.index_cast %mul3A_475 : i32 to index
      %get3A_482 = tpu.vector_load %get3A_479[%get3A_480, %get3A_481] {strides = array<i32>} : memref<128x128xf32, #tpu.memory_space<vmem>>, vector<1x16xf32>,
      %get3A_483 = vector.shape_cast %get3A_482 : vector<1x16xf32> to vector<16xf32>
      %get3A_484 = arith.index_cast %select_n3A_470 : i32 to index
      %get3A_485 = arith.index_cast %mul3A_475 : i32 to index
      %get3A_486 = tpu.vector_load %arg7[%get3A_484, %get3A_485] {strides = array<i32>} : memref<128x128xi32, #tpu.memory_space<vmem>>, vector<1x16xi32>,
      %get3A_487 = vector.shape_cast %get3A_486 : vector<1x16xi32> to vector<16xi32>
      %abs3A_488 = math.absf %get3A_483 : vector<16xf32>
      %neg3A_489 = arith.constant 0.000000e+00 : f32
      %neg3A_490 = vector.broadcast %neg3A_489 : f32 to vector<16xf32>
      %neg3A_491 = arith.subf %neg3A_490, %abs3A_488 : vector<16xf32>
      %exp3A_492 = math.exp %neg3A_491 : vector<16xf32>
      %mul3A_493 = arith.constant 0.0301022474 : f32
      %mul3A_494 = vector.broadcast %mul3A_493 : f32 to vector<16xf32>
      %mul3A_495 = arith.mulf %exp3A_492, %mul3A_494 : vector<16xf32>
      %add3A_496 = arith.constant -0.130117923 : f32
      %add3A_497 = vector.broadcast %add3A_496 : f32 to vector<16xf32>
      %add3A_498 = arith.addf %add3A_497, %mul3A_495 : vector<16xf32>
      %mul3A_499 = arith.mulf %exp3A_492, %add3A_498 : vector<16xf32>
      %add3A_500 = arith.constant 0.283302397 : f32
      %add3A_501 = vector.broadcast %add3A_500 : f32 to vector<16xf32>
      %add3A_502 = arith.addf %add3A_501, %mul3A_499 : vector<16xf32>
      %mul3A_503 = arith.mulf %exp3A_492, %add3A_502 : vector<16xf32>
      %add3A_504 = arith.constant -0.489155769 : f32
      %add3A_505 = vector.broadcast %add3A_504 : f32 to vector<16xf32>
      %add3A_506 = arith.addf %add3A_505, %mul3A_503 : vector<16xf32>
      %mul3A_507 = arith.mulf %exp3A_492, %add3A_506 : vector<16xf32>
      %add3A_508 = arith.constant 0.999010205 : f32
      %add3A_509 = vector.broadcast %add3A_508 : f32 to vector<16xf32>
      %add3A_510 = arith.addf %add3A_509, %mul3A_507 : vector<16xf32>
      %mul3A_511 = arith.mulf %exp3A_492, %add3A_510 : vector<16xf32>
      %add3A_512 = arith.constant 2.21327846E-5 : f32
      %add3A_513 = vector.broadcast %add3A_512 : f32 to vector<16xf32>
      %add3A_514 = arith.addf %add3A_513, %mul3A_511 : vector<16xf32>
      %max3A_515 = arith.constant 0.000000e+00 : f32
      %max3A_516 = vector.broadcast %max3A_515 : f32 to vector<16xf32>
      %max3A_517 = arith.maximumf %get3A_483, %max3A_516 : vector<16xf32>
      %add3A_518 = arith.addf %max3A_517, %add3A_514 : vector<16xf32>
      %eq3A_519 = vector.broadcast %add3A_175 : i32 to vector<16xi32>
      %eq3A_520 = arith.cmpi eq, %get3A_487, %eq3A_519 : vector<16xi32>
      %sub3A_521 = arith.subf %add3A_518, %get3A_483 : vector<16xf32>
      %mul3A_522 = vector.broadcast %select_n3A_192 : f32 to vector<16xf32>
      %mul3A_523 = arith.mulf %mul3A_522, %sub3A_521 : vector<16xf32>
      %select_n3A_524 = arith.select %eq3A_520, %mul3A_523, %add3A_518 : vector<16xi1>, vector<16xf32>
      %add3A_525 = arith.addf %add3A_444, %select_n3A_524 : vector<16xf32>
      %scan3A_526 = arith.constant 4 : i32
      %scan3A_527 = arith.addi %scan3A_206, %scan3A_526 : i32
      %jit3A_528 = arith.constant 8 : i32
      %div3A_529 = arith.divsi %scan3A_527, %jit3A_528 : i32
      %sign3A_530 = arith.constant 0 : i32
      %sign3A_531 = arith.cmpi sgt, %scan3A_527, %sign3A_530 : i32
      %sign3A_532 = arith.extui %sign3A_531 : i1 to i32
      %sign3A_533 = arith.constant 0 : i32
      %sign3A_534 = arith.cmpi slt, %scan3A_527, %sign3A_533 : i32
      %sign3A_535 = arith.extui %sign3A_534 : i1 to i32
      %sign3A_536 = arith.subi %sign3A_532, %sign3A_535 : i32
      %sign3A_537 = arith.constant 0 : i32
      %sign3A_538 = arith.cmpi sgt, %jit3A_528, %sign3A_537 : i32
      %sign3A_539 = arith.extui %sign3A_538 : i1 to i32
      %sign3A_540 = arith.constant 0 : i32
      %sign3A_541 = arith.cmpi slt, %jit3A_528, %sign3A_540 : i32
      %sign3A_542 = arith.extui %sign3A_541 : i1 to i32
      %sign3A_543 = arith.subi %sign3A_539, %sign3A_542 : i32
      %ne3A_544 = arith.cmpi ne, %sign3A_536, %sign3A_543 : i32
      %rem3A_545 = arith.remsi %scan3A_527, %jit3A_528 : i32
      %ne3A_546 = arith.constant 0 : i32
      %ne3A_547 = arith.cmpi ne, %rem3A_545, %ne3A_546 : i32
      %and3A_548 = arith.andi %ne3A_544, %ne3A_547 : i1
      %sub3A_549 = arith.constant 1 : i32
      %sub3A_550 = arith.subi %div3A_529, %sub3A_549 : i32
      %select_n3A_551 = arith.select %and3A_548, %sub3A_550, %div3A_529 : i32
      %mul3A_552 = arith.constant 8 : i32
      %mul3A_553 = arith.muli %select_n3A_551, %mul3A_552 : i32
      %sub3A_554 = arith.subi %scan3A_527, %mul3A_553 : i32
      %mul3A_555 = arith.constant 16 : i32
      %mul3A_556 = arith.muli %sub3A_554, %mul3A_555 : i32
      %get3A_557 = arith.constant 0 : i32
      %get3A_558 = arith.constant 0 : i32
      %get3A_559 = tpu.memref_slice %arg6[%scan3A_193, %get3A_557, %get3A_558] : memref<2x128x128xf32, #tpu.memory_space<vmem>> -> memref<1x128x128xf32, #tpu.memory_space<vmem>>
      %get3A_560 = tpu.memref_squeeze %get3A_559 : memref<1x128x128xf32, #tpu.memory_space<vmem>> -> memref<128x128xf32, #tpu.memory_space<vmem>>
      %get3A_561 = arith.index_cast %select_n3A_551 : i32 to index
      %get3A_562 = arith.index_cast %mul3A_556 : i32 to index
      %get3A_563 = tpu.vector_load %get3A_560[%get3A_561, %get3A_562] {strides = array<i32>} : memref<128x128xf32, #tpu.memory_space<vmem>>, vector<1x16xf32>,
      %get3A_564 = vector.shape_cast %get3A_563 : vector<1x16xf32> to vector<16xf32>
      %get3A_565 = arith.index_cast %select_n3A_551 : i32 to index
      %get3A_566 = arith.index_cast %mul3A_556 : i32 to index
      %get3A_567 = tpu.vector_load %arg7[%get3A_565, %get3A_566] {strides = array<i32>} : memref<128x128xi32, #tpu.memory_space<vmem>>, vector<1x16xi32>,
      %get3A_568 = vector.shape_cast %get3A_567 : vector<1x16xi32> to vector<16xi32>
      %abs3A_569 = math.absf %get3A_564 : vector<16xf32>
      %neg3A_570 = arith.constant 0.000000e+00 : f32
      %neg3A_571 = vector.broadcast %neg3A_570 : f32 to vector<16xf32>
      %neg3A_572 = arith.subf %neg3A_571, %abs3A_569 : vector<16xf32>
      %exp3A_573 = math.exp %neg3A_572 : vector<16xf32>
      %mul3A_574 = arith.constant 0.0301022474 : f32
      %mul3A_575 = vector.broadcast %mul3A_574 : f32 to vector<16xf32>
      %mul3A_576 = arith.mulf %exp3A_573, %mul3A_575 : vector<16xf32>
      %add3A_577 = arith.constant -0.130117923 : f32
      %add3A_578 = vector.broadcast %add3A_577 : f32 to vector<16xf32>
      %add3A_579 = arith.addf %add3A_578, %mul3A_576 : vector<16xf32>
      %mul3A_580 = arith.mulf %exp3A_573, %add3A_579 : vector<16xf32>
      %add3A_581 = arith.constant 0.283302397 : f32
      %add3A_582 = vector.broadcast %add3A_581 : f32 to vector<16xf32>
      %add3A_583 = arith.addf %add3A_582, %mul3A_580 : vector<16xf32>
      %mul3A_584 = arith.mulf %exp3A_573, %add3A_583 : vector<16xf32>
      %add3A_585 = arith.constant -0.489155769 : f32
      %add3A_586 = vector.broadcast %add3A_585 : f32 to vector<16xf32>
      %add3A_587 = arith.addf %add3A_586, %mul3A_584 : vector<16xf32>
      %mul3A_588 = arith.mulf %exp3A_573, %add3A_587 : vector<16xf32>
      %add3A_589 = arith.constant 0.999010205 : f32
      %add3A_590 = vector.broadcast %add3A_589 : f32 to vector<16xf32>
      %add3A_591 = arith.addf %add3A_590, %mul3A_588 : vector<16xf32>
      %mul3A_592 = arith.mulf %exp3A_573, %add3A_591 : vector<16xf32>
      %add3A_593 = arith.constant 2.21327846E-5 : f32
      %add3A_594 = vector.broadcast %add3A_593 : f32 to vector<16xf32>
      %add3A_595 = arith.addf %add3A_594, %mul3A_592 : vector<16xf32>
      %max3A_596 = arith.constant 0.000000e+00 : f32
      %max3A_597 = vector.broadcast %max3A_596 : f32 to vector<16xf32>
      %max3A_598 = arith.maximumf %get3A_564, %max3A_597 : vector<16xf32>
      %add3A_599 = arith.addf %max3A_598, %add3A_595 : vector<16xf32>
      %eq3A_600 = vector.broadcast %add3A_175 : i32 to vector<16xi32>
      %eq3A_601 = arith.cmpi eq, %get3A_568, %eq3A_600 : vector<16xi32>
      %sub3A_602 = arith.subf %add3A_599, %get3A_564 : vector<16xf32>
      %mul3A_603 = vector.broadcast %select_n3A_192 : f32 to vector<16xf32>
      %mul3A_604 = arith.mulf %mul3A_603, %sub3A_602 : vector<16xf32>
      %select_n3A_605 = arith.select %eq3A_601, %mul3A_604, %add3A_599 : vector<16xi1>, vector<16xf32>
      %add3A_606 = arith.addf %add3A_525, %select_n3A_605 : vector<16xf32>
      %scan3A_607 = arith.constant 5 : i32
      %scan3A_608 = arith.addi %scan3A_206, %scan3A_607 : i32
      %jit3A_609 = arith.constant 8 : i32
      %div3A_610 = arith.divsi %scan3A_608, %jit3A_609 : i32
      %sign3A_611 = arith.constant 0 : i32
      %sign3A_612 = arith.cmpi sgt, %scan3A_608, %sign3A_611 : i32
      %sign3A_613 = arith.extui %sign3A_612 : i1 to i32
      %sign3A_614 = arith.constant 0 : i32
      %sign3A_615 = arith.cmpi slt, %scan3A_608, %sign3A_614 : i32
      %sign3A_616 = arith.extui %sign3A_615 : i1 to i32
      %sign3A_617 = arith.subi %sign3A_613, %sign3A_616 : i32
      %sign3A_618 = arith.constant 0 : i32
      %sign3A_619 = arith.cmpi sgt, %jit3A_609, %sign3A_618 : i32
      %sign3A_620 = arith.extui %sign3A_619 : i1 to i32
      %sign3A_621 = arith.constant 0 : i32
      %sign3A_622 = arith.cmpi slt, %jit3A_609, %sign3A_621 : i32
      %sign3A_623 = arith.extui %sign3A_622 : i1 to i32
      %sign3A_624 = arith.subi %sign3A_620, %sign3A_623 : i32
      %ne3A_625 = arith.cmpi ne, %sign3A_617, %sign3A_624 : i32
      %rem3A_626 = arith.remsi %scan3A_608, %jit3A_609 : i32
      %ne3A_627 = arith.constant 0 : i32
      %ne3A_628 = arith.cmpi ne, %rem3A_626, %ne3A_627 : i32
      %and3A_629 = arith.andi %ne3A_625, %ne3A_628 : i1
      %sub3A_630 = arith.constant 1 : i32
      %sub3A_631 = arith.subi %div3A_610, %sub3A_630 : i32
      %select_n3A_632 = arith.select %and3A_629, %sub3A_631, %div3A_610 : i32
      %mul3A_633 = arith.constant 8 : i32
      %mul3A_634 = arith.muli %select_n3A_632, %mul3A_633 : i32
      %sub3A_635 = arith.subi %scan3A_608, %mul3A_634 : i32
      %mul3A_636 = arith.constant 16 : i32
      %mul3A_637 = arith.muli %sub3A_635, %mul3A_636 : i32
      %get3A_638 = arith.constant 0 : i32
      %get3A_639 = arith.constant 0 : i32
      %get3A_640 = tpu.memref_slice %arg6[%scan3A_193, %get3A_638, %get3A_639] : memref<2x128x128xf32, #tpu.memory_space<vmem>> -> memref<1x128x128xf32, #tpu.memory_space<vmem>>
      %get3A_641 = tpu.memref_squeeze %get3A_640 : memref<1x128x128xf32, #tpu.memory_space<vmem>> -> memref<128x128xf32, #tpu.memory_space<vmem>>
      %get3A_642 = arith.index_cast %select_n3A_632 : i32 to index
      %get3A_643 = arith.index_cast %mul3A_637 : i32 to index
      %get3A_644 = tpu.vector_load %get3A_641[%get3A_642, %get3A_643] {strides = array<i32>} : memref<128x128xf32, #tpu.memory_space<vmem>>, vector<1x16xf32>,
      %get3A_645 = vector.shape_cast %get3A_644 : vector<1x16xf32> to vector<16xf32>
      %get3A_646 = arith.index_cast %select_n3A_632 : i32 to index
      %get3A_647 = arith.index_cast %mul3A_637 : i32 to index
      %get3A_648 = tpu.vector_load %arg7[%get3A_646, %get3A_647] {strides = array<i32>} : memref<128x128xi32, #tpu.memory_space<vmem>>, vector<1x16xi32>,
      %get3A_649 = vector.shape_cast %get3A_648 : vector<1x16xi32> to vector<16xi32>
      %abs3A_650 = math.absf %get3A_645 : vector<16xf32>
      %neg3A_651 = arith.constant 0.000000e+00 : f32
      %neg3A_652 = vector.broadcast %neg3A_651 : f32 to vector<16xf32>
      %neg3A_653 = arith.subf %neg3A_652, %abs3A_650 : vector<16xf32>
      %exp3A_654 = math.exp %neg3A_653 : vector<16xf32>
      %mul3A_655 = arith.constant 0.0301022474 : f32
      %mul3A_656 = vector.broadcast %mul3A_655 : f32 to vector<16xf32>
      %mul3A_657 = arith.mulf %exp3A_654, %mul3A_656 : vector<16xf32>
      %add3A_658 = arith.constant -0.130117923 : f32
      %add3A_659 = vector.broadcast %add3A_658 : f32 to vector<16xf32>
      %add3A_660 = arith.addf %add3A_659, %mul3A_657 : vector<16xf32>
      %mul3A_661 = arith.mulf %exp3A_654, %add3A_660 : vector<16xf32>
      %add3A_662 = arith.constant 0.283302397 : f32
      %add3A_663 = vector.broadcast %add3A_662 : f32 to vector<16xf32>
      %add3A_664 = arith.addf %add3A_663, %mul3A_661 : vector<16xf32>
      %mul3A_665 = arith.mulf %exp3A_654, %add3A_664 : vector<16xf32>
      %add3A_666 = arith.constant -0.489155769 : f32
      %add3A_667 = vector.broadcast %add3A_666 : f32 to vector<16xf32>
      %add3A_668 = arith.addf %add3A_667, %mul3A_665 : vector<16xf32>
      %mul3A_669 = arith.mulf %exp3A_654, %add3A_668 : vector<16xf32>
      %add3A_670 = arith.constant 0.999010205 : f32
      %add3A_671 = vector.broadcast %add3A_670 : f32 to vector<16xf32>
      %add3A_672 = arith.addf %add3A_671, %mul3A_669 : vector<16xf32>
      %mul3A_673 = arith.mulf %exp3A_654, %add3A_672 : vector<16xf32>
      %add3A_674 = arith.constant 2.21327846E-5 : f32
      %add3A_675 = vector.broadcast %add3A_674 : f32 to vector<16xf32>
      %add3A_676 = arith.addf %add3A_675, %mul3A_673 : vector<16xf32>
      %max3A_677 = arith.constant 0.000000e+00 : f32
      %max3A_678 = vector.broadcast %max3A_677 : f32 to vector<16xf32>
      %max3A_679 = arith.maximumf %get3A_645, %max3A_678 : vector<16xf32>
      %add3A_680 = arith.addf %max3A_679, %add3A_676 : vector<16xf32>
      %eq3A_681 = vector.broadcast %add3A_175 : i32 to vector<16xi32>
      %eq3A_682 = arith.cmpi eq, %get3A_649, %eq3A_681 : vector<16xi32>
      %sub3A_683 = arith.subf %add3A_680, %get3A_645 : vector<16xf32>
      %mul3A_684 = vector.broadcast %select_n3A_192 : f32 to vector<16xf32>
      %mul3A_685 = arith.mulf %mul3A_684, %sub3A_683 : vector<16xf32>
      %select_n3A_686 = arith.select %eq3A_682, %mul3A_685, %add3A_680 : vector<16xi1>, vector<16xf32>
      %add3A_687 = arith.addf %add3A_606, %select_n3A_686 : vector<16xf32>
      %scan3A_688 = arith.constant 6 : i32
      %scan3A_689 = arith.addi %scan3A_206, %scan3A_688 : i32
      %jit3A_690 = arith.constant 8 : i32
      %div3A_691 = arith.divsi %scan3A_689, %jit3A_690 : i32
      %sign3A_692 = arith.constant 0 : i32
      %sign3A_693 = arith.cmpi sgt, %scan3A_689, %sign3A_692 : i32
      %sign3A_694 = arith.extui %sign3A_693 : i1 to i32
      %sign3A_695 = arith.constant 0 : i32
      %sign3A_696 = arith.cmpi slt, %scan3A_689, %sign3A_695 : i32
      %sign3A_697 = arith.extui %sign3A_696 : i1 to i32
      %sign3A_698 = arith.subi %sign3A_694, %sign3A_697 : i32
      %sign3A_699 = arith.constant 0 : i32
      %sign3A_700 = arith.cmpi sgt, %jit3A_690, %sign3A_699 : i32
      %sign3A_701 = arith.extui %sign3A_700 : i1 to i32
      %sign3A_702 = arith.constant 0 : i32
      %sign3A_703 = arith.cmpi slt, %jit3A_690, %sign3A_702 : i32
      %sign3A_704 = arith.extui %sign3A_703 : i1 to i32
      %sign3A_705 = arith.subi %sign3A_701, %sign3A_704 : i32
      %ne3A_706 = arith.cmpi ne, %sign3A_698, %sign3A_705 : i32
      %rem3A_707 = arith.remsi %scan3A_689, %jit3A_690 : i32
      %ne3A_708 = arith.constant 0 : i32
      %ne3A_709 = arith.cmpi ne, %rem3A_707, %ne3A_708 : i32
      %and3A_710 = arith.andi %ne3A_706, %ne3A_709 : i1
      %sub3A_711 = arith.constant 1 : i32
      %sub3A_712 = arith.subi %div3A_691, %sub3A_711 : i32
      %select_n3A_713 = arith.select %and3A_710, %sub3A_712, %div3A_691 : i32
      %mul3A_714 = arith.constant 8 : i32
      %mul3A_715 = arith.muli %select_n3A_713, %mul3A_714 : i32
      %sub3A_716 = arith.subi %scan3A_689, %mul3A_715 : i32
      %mul3A_717 = arith.constant 16 : i32
      %mul3A_718 = arith.muli %sub3A_716, %mul3A_717 : i32
      %get3A_719 = arith.constant 0 : i32
      %get3A_720 = arith.constant 0 : i32
      %get3A_721 = tpu.memref_slice %arg6[%scan3A_193, %get3A_719, %get3A_720] : memref<2x128x128xf32, #tpu.memory_space<vmem>> -> memref<1x128x128xf32, #tpu.memory_space<vmem>>
      %get3A_722 = tpu.memref_squeeze %get3A_721 : memref<1x128x128xf32, #tpu.memory_space<vmem>> -> memref<128x128xf32, #tpu.memory_space<vmem>>
      %get3A_723 = arith.index_cast %select_n3A_713 : i32 to index
      %get3A_724 = arith.index_cast %mul3A_718 : i32 to index
      %get3A_725 = tpu.vector_load %get3A_722[%get3A_723, %get3A_724] {strides = array<i32>} : memref<128x128xf32, #tpu.memory_space<vmem>>, vector<1x16xf32>,
      %get3A_726 = vector.shape_cast %get3A_725 : vector<1x16xf32> to vector<16xf32>
      %get3A_727 = arith.index_cast %select_n3A_713 : i32 to index
      %get3A_728 = arith.index_cast %mul3A_718 : i32 to index
      %get3A_729 = tpu.vector_load %arg7[%get3A_727, %get3A_728] {strides = array<i32>} : memref<128x128xi32, #tpu.memory_space<vmem>>, vector<1x16xi32>,
      %get3A_730 = vector.shape_cast %get3A_729 : vector<1x16xi32> to vector<16xi32>
      %abs3A_731 = math.absf %get3A_726 : vector<16xf32>
      %neg3A_732 = arith.constant 0.000000e+00 : f32
      %neg3A_733 = vector.broadcast %neg3A_732 : f32 to vector<16xf32>
      %neg3A_734 = arith.subf %neg3A_733, %abs3A_731 : vector<16xf32>
      %exp3A_735 = math.exp %neg3A_734 : vector<16xf32>
      %mul3A_736 = arith.constant 0.0301022474 : f32
      %mul3A_737 = vector.broadcast %mul3A_736 : f32 to vector<16xf32>
      %mul3A_738 = arith.mulf %exp3A_735, %mul3A_737 : vector<16xf32>
      %add3A_739 = arith.constant -0.130117923 : f32
      %add3A_740 = vector.broadcast %add3A_739 : f32 to vector<16xf32>
      %add3A_741 = arith.addf %add3A_740, %mul3A_738 : vector<16xf32>
      %mul3A_742 = arith.mulf %exp3A_735, %add3A_741 : vector<16xf32>
      %add3A_743 = arith.constant 0.283302397 : f32
      %add3A_744 = vector.broadcast %add3A_743 : f32 to vector<16xf32>
      %add3A_745 = arith.addf %add3A_744, %mul3A_742 : vector<16xf32>
      %mul3A_746 = arith.mulf %exp3A_735, %add3A_745 : vector<16xf32>
      %add3A_747 = arith.constant -0.489155769 : f32
      %add3A_748 = vector.broadcast %add3A_747 : f32 to vector<16xf32>
      %add3A_749 = arith.addf %add3A_748, %mul3A_746 : vector<16xf32>
      %mul3A_750 = arith.mulf %exp3A_735, %add3A_749 : vector<16xf32>
      %add3A_751 = arith.constant 0.999010205 : f32
      %add3A_752 = vector.broadcast %add3A_751 : f32 to vector<16xf32>
      %add3A_753 = arith.addf %add3A_752, %mul3A_750 : vector<16xf32>
      %mul3A_754 = arith.mulf %exp3A_735, %add3A_753 : vector<16xf32>
      %add3A_755 = arith.constant 2.21327846E-5 : f32
      %add3A_756 = vector.broadcast %add3A_755 : f32 to vector<16xf32>
      %add3A_757 = arith.addf %add3A_756, %mul3A_754 : vector<16xf32>
      %max3A_758 = arith.constant 0.000000e+00 : f32
      %max3A_759 = vector.broadcast %max3A_758 : f32 to vector<16xf32>
      %max3A_760 = arith.maximumf %get3A_726, %max3A_759 : vector<16xf32>
      %add3A_761 = arith.addf %max3A_760, %add3A_757 : vector<16xf32>
      %eq3A_762 = vector.broadcast %add3A_175 : i32 to vector<16xi32>
      %eq3A_763 = arith.cmpi eq, %get3A_730, %eq3A_762 : vector<16xi32>
      %sub3A_764 = arith.subf %add3A_761, %get3A_726 : vector<16xf32>
      %mul3A_765 = vector.broadcast %select_n3A_192 : f32 to vector<16xf32>
      %mul3A_766 = arith.mulf %mul3A_765, %sub3A_764 : vector<16xf32>
      %select_n3A_767 = arith.select %eq3A_763, %mul3A_766, %add3A_761 : vector<16xi1>, vector<16xf32>
      %add3A_768 = arith.addf %add3A_687, %select_n3A_767 : vector<16xf32>
      %scan3A_769 = arith.constant 7 : i32
      %scan3A_770 = arith.addi %scan3A_206, %scan3A_769 : i32
      %jit3A_771 = arith.constant 8 : i32
      %div3A_772 = arith.divsi %scan3A_770, %jit3A_771 : i32
      %sign3A_773 = arith.constant 0 : i32
      %sign3A_774 = arith.cmpi sgt, %scan3A_770, %sign3A_773 : i32
      %sign3A_775 = arith.extui %sign3A_774 : i1 to i32
      %sign3A_776 = arith.constant 0 : i32
      %sign3A_777 = arith.cmpi slt, %scan3A_770, %sign3A_776 : i32
      %sign3A_778 = arith.extui %sign3A_777 : i1 to i32
      %sign3A_779 = arith.subi %sign3A_775, %sign3A_778 : i32
      %sign3A_780 = arith.constant 0 : i32
      %sign3A_781 = arith.cmpi sgt, %jit3A_771, %sign3A_780 : i32
      %sign3A_782 = arith.extui %sign3A_781 : i1 to i32
      %sign3A_783 = arith.constant 0 : i32
      %sign3A_784 = arith.cmpi slt, %jit3A_771, %sign3A_783 : i32
      %sign3A_785 = arith.extui %sign3A_784 : i1 to i32
      %sign3A_786 = arith.subi %sign3A_782, %sign3A_785 : i32
      %ne3A_787 = arith.cmpi ne, %sign3A_779, %sign3A_786 : i32
      %rem3A_788 = arith.remsi %scan3A_770, %jit3A_771 : i32
      %ne3A_789 = arith.constant 0 : i32
      %ne3A_790 = arith.cmpi ne, %rem3A_788, %ne3A_789 : i32
      %and3A_791 = arith.andi %ne3A_787, %ne3A_790 : i1
      %sub3A_792 = arith.constant 1 : i32
      %sub3A_793 = arith.subi %div3A_772, %sub3A_792 : i32
      %select_n3A_794 = arith.select %and3A_791, %sub3A_793, %div3A_772 : i32
      %mul3A_795 = arith.constant 8 : i32
      %mul3A_796 = arith.muli %select_n3A_794, %mul3A_795 : i32
      %sub3A_797 = arith.subi %scan3A_770, %mul3A_796 : i32
      %mul3A_798 = arith.constant 16 : i32
      %mul3A_799 = arith.muli %sub3A_797, %mul3A_798 : i32
      %get3A_800 = arith.constant 0 : i32
      %get3A_801 = arith.constant 0 : i32
      %get3A_802 = tpu.memref_slice %arg6[%scan3A_193, %get3A_800, %get3A_801] : memref<2x128x128xf32, #tpu.memory_space<vmem>> -> memref<1x128x128xf32, #tpu.memory_space<vmem>>
      %get3A_803 = tpu.memref_squeeze %get3A_802 : memref<1x128x128xf32, #tpu.memory_space<vmem>> -> memref<128x128xf32, #tpu.memory_space<vmem>>
      %get3A_804 = arith.index_cast %select_n3A_794 : i32 to index
      %get3A_805 = arith.index_cast %mul3A_799 : i32 to index
      %get3A_806 = tpu.vector_load %get3A_803[%get3A_804, %get3A_805] {strides = array<i32>} : memref<128x128xf32, #tpu.memory_space<vmem>>, vector<1x16xf32>,
      %get3A_807 = vector.shape_cast %get3A_806 : vector<1x16xf32> to vector<16xf32>
      %get3A_808 = arith.index_cast %select_n3A_794 : i32 to index
      %get3A_809 = arith.index_cast %mul3A_799 : i32 to index
      %get3A_810 = tpu.vector_load %arg7[%get3A_808, %get3A_809] {strides = array<i32>} : memref<128x128xi32, #tpu.memory_space<vmem>>, vector<1x16xi32>,
      %get3A_811 = vector.shape_cast %get3A_810 : vector<1x16xi32> to vector<16xi32>
      %abs3A_812 = math.absf %get3A_807 : vector<16xf32>
      %neg3A_813 = arith.constant 0.000000e+00 : f32
      %neg3A_814 = vector.broadcast %neg3A_813 : f32 to vector<16xf32>
      %neg3A_815 = arith.subf %neg3A_814, %abs3A_812 : vector<16xf32>
      %exp3A_816 = math.exp %neg3A_815 : vector<16xf32>
      %mul3A_817 = arith.constant 0.0301022474 : f32
      %mul3A_818 = vector.broadcast %mul3A_817 : f32 to vector<16xf32>
      %mul3A_819 = arith.mulf %exp3A_816, %mul3A_818 : vector<16xf32>
      %add3A_820 = arith.constant -0.130117923 : f32
      %add3A_821 = vector.broadcast %add3A_820 : f32 to vector<16xf32>
      %add3A_822 = arith.addf %add3A_821, %mul3A_819 : vector<16xf32>
      %mul3A_823 = arith.mulf %exp3A_816, %add3A_822 : vector<16xf32>
      %add3A_824 = arith.constant 0.283302397 : f32
      %add3A_825 = vector.broadcast %add3A_824 : f32 to vector<16xf32>
      %add3A_826 = arith.addf %add3A_825, %mul3A_823 : vector<16xf32>
      %mul3A_827 = arith.mulf %exp3A_816, %add3A_826 : vector<16xf32>
      %add3A_828 = arith.constant -0.489155769 : f32
      %add3A_829 = vector.broadcast %add3A_828 : f32 to vector<16xf32>
      %add3A_830 = arith.addf %add3A_829, %mul3A_827 : vector<16xf32>
      %mul3A_831 = arith.mulf %exp3A_816, %add3A_830 : vector<16xf32>
      %add3A_832 = arith.constant 0.999010205 : f32
      %add3A_833 = vector.broadcast %add3A_832 : f32 to vector<16xf32>
      %add3A_834 = arith.addf %add3A_833, %mul3A_831 : vector<16xf32>
      %mul3A_835 = arith.mulf %exp3A_816, %add3A_834 : vector<16xf32>
      %add3A_836 = arith.constant 2.21327846E-5 : f32
      %add3A_837 = vector.broadcast %add3A_836 : f32 to vector<16xf32>
      %add3A_838 = arith.addf %add3A_837, %mul3A_835 : vector<16xf32>
      %max3A_839 = arith.constant 0.000000e+00 : f32
      %max3A_840 = vector.broadcast %max3A_839 : f32 to vector<16xf32>
      %max3A_841 = arith.maximumf %get3A_807, %max3A_840 : vector<16xf32>
      %add3A_842 = arith.addf %max3A_841, %add3A_838 : vector<16xf32>
      %eq3A_843 = vector.broadcast %add3A_175 : i32 to vector<16xi32>
      %eq3A_844 = arith.cmpi eq, %get3A_811, %eq3A_843 : vector<16xi32>
      %sub3A_845 = arith.subf %add3A_842, %get3A_807 : vector<16xf32>
      %mul3A_846 = vector.broadcast %select_n3A_192 : f32 to vector<16xf32>
      %mul3A_847 = arith.mulf %mul3A_846, %sub3A_845 : vector<16xf32>
      %select_n3A_848 = arith.select %eq3A_844, %mul3A_847, %add3A_842 : vector<16xi1>, vector<16xf32>
      %add3A_849 = arith.addf %add3A_768, %select_n3A_848 : vector<16xf32>
      %scan3A_850 = arith.constant 8 : i32
      %scan3A_851 = arith.addi %scan3A_206, %scan3A_850 : i32
      %jit3A_852 = arith.constant 8 : i32
      %div3A_853 = arith.divsi %scan3A_851, %jit3A_852 : i32
      %sign3A_854 = arith.constant 0 : i32
      %sign3A_855 = arith.cmpi sgt, %scan3A_851, %sign3A_854 : i32
      %sign3A_856 = arith.extui %sign3A_855 : i1 to i32
      %sign3A_857 = arith.constant 0 : i32
      %sign3A_858 = arith.cmpi slt, %scan3A_851, %sign3A_857 : i32
      %sign3A_859 = arith.extui %sign3A_858 : i1 to i32
      %sign3A_860 = arith.subi %sign3A_856, %sign3A_859 : i32
      %sign3A_861 = arith.constant 0 : i32
      %sign3A_862 = arith.cmpi sgt, %jit3A_852, %sign3A_861 : i32
      %sign3A_863 = arith.extui %sign3A_862 : i1 to i32
      %sign3A_864 = arith.constant 0 : i32
      %sign3A_865 = arith.cmpi slt, %jit3A_852, %sign3A_864 : i32
      %sign3A_866 = arith.extui %sign3A_865 : i1 to i32
      %sign3A_867 = arith.subi %sign3A_863, %sign3A_866 : i32
      %ne3A_868 = arith.cmpi ne, %sign3A_860, %sign3A_867 : i32
      %rem3A_869 = arith.remsi %scan3A_851, %jit3A_852 : i32
      %ne3A_870 = arith.constant 0 : i32
      %ne3A_871 = arith.cmpi ne, %rem3A_869, %ne3A_870 : i32
      %and3A_872 = arith.andi %ne3A_868, %ne3A_871 : i1
      %sub3A_873 = arith.constant 1 : i32
      %sub3A_874 = arith.subi %div3A_853, %sub3A_873 : i32
      %select_n3A_875 = arith.select %and3A_872, %sub3A_874, %div3A_853 : i32
      %mul3A_876 = arith.constant 8 : i32
      %mul3A_877 = arith.muli %select_n3A_875, %mul3A_876 : i32
      %sub3A_878 = arith.subi %scan3A_851, %mul3A_877 : i32
      %mul3A_879 = arith.constant 16 : i32
      %mul3A_880 = arith.muli %sub3A_878, %mul3A_879 : i32
      %get3A_881 = arith.constant 0 : i32
      %get3A_882 = arith.constant 0 : i32
      %get3A_883 = tpu.memref_slice %arg6[%scan3A_193, %get3A_881, %get3A_882] : memref<2x128x128xf32, #tpu.memory_space<vmem>> -> memref<1x128x128xf32, #tpu.memory_space<vmem>>
      %get3A_884 = tpu.memref_squeeze %get3A_883 : memref<1x128x128xf32, #tpu.memory_space<vmem>> -> memref<128x128xf32, #tpu.memory_space<vmem>>
      %get3A_885 = arith.index_cast %select_n3A_875 : i32 to index
      %get3A_886 = arith.index_cast %mul3A_880 : i32 to index
      %get3A_887 = tpu.vector_load %get3A_884[%get3A_885, %get3A_886] {strides = array<i32>} : memref<128x128xf32, #tpu.memory_space<vmem>>, vector<1x16xf32>,
      %get3A_888 = vector.shape_cast %get3A_887 : vector<1x16xf32> to vector<16xf32>
      %get3A_889 = arith.index_cast %select_n3A_875 : i32 to index
      %get3A_890 = arith.index_cast %mul3A_880 : i32 to index
      %get3A_891 = tpu.vector_load %arg7[%get3A_889, %get3A_890] {strides = array<i32>} : memref<128x128xi32, #tpu.memory_space<vmem>>, vector<1x16xi32>,
      %get3A_892 = vector.shape_cast %get3A_891 : vector<1x16xi32> to vector<16xi32>
      %abs3A_893 = math.absf %get3A_888 : vector<16xf32>
      %neg3A_894 = arith.constant 0.000000e+00 : f32
      %neg3A_895 = vector.broadcast %neg3A_894 : f32 to vector<16xf32>
      %neg3A_896 = arith.subf %neg3A_895, %abs3A_893 : vector<16xf32>
      %exp3A_897 = math.exp %neg3A_896 : vector<16xf32>
      %mul3A_898 = arith.constant 0.0301022474 : f32
      %mul3A_899 = vector.broadcast %mul3A_898 : f32 to vector<16xf32>
      %mul3A_900 = arith.mulf %exp3A_897, %mul3A_899 : vector<16xf32>
      %add3A_901 = arith.constant -0.130117923 : f32
      %add3A_902 = vector.broadcast %add3A_901 : f32 to vector<16xf32>
      %add3A_903 = arith.addf %add3A_902, %mul3A_900 : vector<16xf32>
      %mul3A_904 = arith.mulf %exp3A_897, %add3A_903 : vector<16xf32>
      %add3A_905 = arith.constant 0.283302397 : f32
      %add3A_906 = vector.broadcast %add3A_905 : f32 to vector<16xf32>
      %add3A_907 = arith.addf %add3A_906, %mul3A_904 : vector<16xf32>
      %mul3A_908 = arith.mulf %exp3A_897, %add3A_907 : vector<16xf32>
      %add3A_909 = arith.constant -0.489155769 : f32
      %add3A_910 = vector.broadcast %add3A_909 : f32 to vector<16xf32>
      %add3A_911 = arith.addf %add3A_910, %mul3A_908 : vector<16xf32>
      %mul3A_912 = arith.mulf %exp3A_897, %add3A_911 : vector<16xf32>
      %add3A_913 = arith.constant 0.999010205 : f32
      %add3A_914 = vector.broadcast %add3A_913 : f32 to vector<16xf32>
      %add3A_915 = arith.addf %add3A_914, %mul3A_912 : vector<16xf32>
      %mul3A_916 = arith.mulf %exp3A_897, %add3A_915 : vector<16xf32>
      %add3A_917 = arith.constant 2.21327846E-5 : f32
      %add3A_918 = vector.broadcast %add3A_917 : f32 to vector<16xf32>
      %add3A_919 = arith.addf %add3A_918, %mul3A_916 : vector<16xf32>
      %max3A_920 = arith.constant 0.000000e+00 : f32
      %max3A_921 = vector.broadcast %max3A_920 : f32 to vector<16xf32>
      %max3A_922 = arith.maximumf %get3A_888, %max3A_921 : vector<16xf32>
      %add3A_923 = arith.addf %max3A_922, %add3A_919 : vector<16xf32>
      %eq3A_924 = vector.broadcast %add3A_175 : i32 to vector<16xi32>
      %eq3A_925 = arith.cmpi eq, %get3A_892, %eq3A_924 : vector<16xi32>
      %sub3A_926 = arith.subf %add3A_923, %get3A_888 : vector<16xf32>
      %mul3A_927 = vector.broadcast %select_n3A_192 : f32 to vector<16xf32>
      %mul3A_928 = arith.mulf %mul3A_927, %sub3A_926 : vector<16xf32>
      %select_n3A_929 = arith.select %eq3A_925, %mul3A_928, %add3A_923 : vector<16xi1>, vector<16xf32>
      %add3A_930 = arith.addf %add3A_849, %select_n3A_929 : vector<16xf32>
      %scan3A_931 = arith.constant 9 : i32
      %scan3A_932 = arith.addi %scan3A_206, %scan3A_931 : i32
      %jit3A_933 = arith.constant 8 : i32
      %div3A_934 = arith.divsi %scan3A_932, %jit3A_933 : i32
      %sign3A_935 = arith.constant 0 : i32
      %sign3A_936 = arith.cmpi sgt, %scan3A_932, %sign3A_935 : i32
      %sign3A_937 = arith.extui %sign3A_936 : i1 to i32
      %sign3A_938 = arith.constant 0 : i32
      %sign3A_939 = arith.cmpi slt, %scan3A_932, %sign3A_938 : i32
      %sign3A_940 = arith.extui %sign3A_939 : i1 to i32
      %sign3A_941 = arith.subi %sign3A_937, %sign3A_940 : i32
      %sign3A_942 = arith.constant 0 : i32
      %sign3A_943 = arith.cmpi sgt, %jit3A_933, %sign3A_942 : i32
      %sign3A_944 = arith.extui %sign3A_943 : i1 to i32
      %sign3A_945 = arith.constant 0 : i32
      %sign3A_946 = arith.cmpi slt, %jit3A_933, %sign3A_945 : i32
      %sign3A_947 = arith.extui %sign3A_946 : i1 to i32
      %sign3A_948 = arith.subi %sign3A_944, %sign3A_947 : i32
      %ne3A_949 = arith.cmpi ne, %sign3A_941, %sign3A_948 : i32
      %rem3A_950 = arith.remsi %scan3A_932, %jit3A_933 : i32
      %ne3A_951 = arith.constant 0 : i32
      %ne3A_952 = arith.cmpi ne, %rem3A_950, %ne3A_951 : i32
      %and3A_953 = arith.andi %ne3A_949, %ne3A_952 : i1
      %sub3A_954 = arith.constant 1 : i32
      %sub3A_955 = arith.subi %div3A_934, %sub3A_954 : i32
      %select_n3A_956 = arith.select %and3A_953, %sub3A_955, %div3A_934 : i32
      %mul3A_957 = arith.constant 8 : i32
      %mul3A_958 = arith.muli %select_n3A_956, %mul3A_957 : i32
      %sub3A_959 = arith.subi %scan3A_932, %mul3A_958 : i32
      %mul3A_960 = arith.constant 16 : i32
      %mul3A_961 = arith.muli %sub3A_959, %mul3A_960 : i32
      %get3A_962 = arith.constant 0 : i32
      %get3A_963 = arith.constant 0 : i32
      %get3A_964 = tpu.memref_slice %arg6[%scan3A_193, %get3A_962, %get3A_963] : memref<2x128x128xf32, #tpu.memory_space<vmem>> -> memref<1x128x128xf32, #tpu.memory_space<vmem>>
      %get3A_965 = tpu.memref_squeeze %get3A_964 : memref<1x128x128xf32, #tpu.memory_space<vmem>> -> memref<128x128xf32, #tpu.memory_space<vmem>>
      %get3A_966 = arith.index_cast %select_n3A_956 : i32 to index
      %get3A_967 = arith.index_cast %mul3A_961 : i32 to index
      %get3A_968 = tpu.vector_load %get3A_965[%get3A_966, %get3A_967] {strides = array<i32>} : memref<128x128xf32, #tpu.memory_space<vmem>>, vector<1x16xf32>,
      %get3A_969 = vector.shape_cast %get3A_968 : vector<1x16xf32> to vector<16xf32>
      %get3A_970 = arith.index_cast %select_n3A_956 : i32 to index
      %get3A_971 = arith.index_cast %mul3A_961 : i32 to index
      %get3A_972 = tpu.vector_load %arg7[%get3A_970, %get3A_971] {strides = array<i32>} : memref<128x128xi32, #tpu.memory_space<vmem>>, vector<1x16xi32>,
      %get3A_973 = vector.shape_cast %get3A_972 : vector<1x16xi32> to vector<16xi32>
      %abs3A_974 = math.absf %get3A_969 : vector<16xf32>
      %neg3A_975 = arith.constant 0.000000e+00 : f32
      %neg3A_976 = vector.broadcast %neg3A_975 : f32 to vector<16xf32>
      %neg3A_977 = arith.subf %neg3A_976, %abs3A_974 : vector<16xf32>
      %exp3A_978 = math.exp %neg3A_977 : vector<16xf32>
      %mul3A_979 = arith.constant 0.0301022474 : f32
      %mul3A_980 = vector.broadcast %mul3A_979 : f32 to vector<16xf32>
      %mul3A_981 = arith.mulf %exp3A_978, %mul3A_980 : vector<16xf32>
      %add3A_982 = arith.constant -0.130117923 : f32
      %add3A_983 = vector.broadcast %add3A_982 : f32 to vector<16xf32>
      %add3A_984 = arith.addf %add3A_983, %mul3A_981 : vector<16xf32>
      %mul3A_985 = arith.mulf %exp3A_978, %add3A_984 : vector<16xf32>
      %add3A_986 = arith.constant 0.283302397 : f32
      %add3A_987 = vector.broadcast %add3A_986 : f32 to vector<16xf32>
      %add3A_988 = arith.addf %add3A_987, %mul3A_985 : vector<16xf32>
      %mul3A_989 = arith.mulf %exp3A_978, %add3A_988 : vector<16xf32>
      %add3A_990 = arith.constant -0.489155769 : f32
      %add3A_991 = vector.broadcast %add3A_990 : f32 to vector<16xf32>
      %add3A_992 = arith.addf %add3A_991, %mul3A_989 : vector<16xf32>
      %mul3A_993 = arith.mulf %exp3A_978, %add3A_992 : vector<16xf32>
      %add3A_994 = arith.constant 0.999010205 : f32
      %add3A_995 = vector.broadcast %add3A_994 : f32 to vector<16xf32>
      %add3A_996 = arith.addf %add3A_995, %mul3A_993 : vector<16xf32>
      %mul3A_997 = arith.mulf %exp3A_978, %add3A_996 : vector<16xf32>
      %add3A_998 = arith.constant 2.21327846E-5 : f32
      %add3A_999 = vector.broadcast %add3A_998 : f32 to vector<16xf32>
      %add3A_1000 = arith.addf %add3A_999, %mul3A_997 : vector<16xf32>
      %max3A_1001 = arith.constant 0.000000e+00 : f32
      %max3A_1002 = vector.broadcast %max3A_1001 : f32 to vector<16xf32>
      %max3A_1003 = arith.maximumf %get3A_969, %max3A_1002 : vector<16xf32>
      %add3A_1004 = arith.addf %max3A_1003, %add3A_1000 : vector<16xf32>
      %eq3A_1005 = vector.broadcast %add3A_175 : i32 to vector<16xi32>
      %eq3A_1006 = arith.cmpi eq, %get3A_973, %eq3A_1005 : vector<16xi32>
      %sub3A_1007 = arith.subf %add3A_1004, %get3A_969 : vector<16xf32>
      %mul3A_1008 = vector.broadcast %select_n3A_192 : f32 to vector<16xf32>
      %mul3A_1009 = arith.mulf %mul3A_1008, %sub3A_1007 : vector<16xf32>
      %select_n3A_1010 = arith.select %eq3A_1006, %mul3A_1009, %add3A_1004 : vector<16xi1>, vector<16xf32>
      %add3A_1011 = arith.addf %add3A_930, %select_n3A_1010 : vector<16xf32>
      %scan3A_1012 = arith.constant 10 : i32
      %scan3A_1013 = arith.addi %scan3A_206, %scan3A_1012 : i32
      %jit3A_1014 = arith.constant 8 : i32
      %div3A_1015 = arith.divsi %scan3A_1013, %jit3A_1014 : i32
      %sign3A_1016 = arith.constant 0 : i32
      %sign3A_1017 = arith.cmpi sgt, %scan3A_1013, %sign3A_1016 : i32
      %sign3A_1018 = arith.extui %sign3A_1017 : i1 to i32
      %sign3A_1019 = arith.constant 0 : i32
      %sign3A_1020 = arith.cmpi slt, %scan3A_1013, %sign3A_1019 : i32
      %sign3A_1021 = arith.extui %sign3A_1020 : i1 to i32
      %sign3A_1022 = arith.subi %sign3A_1018, %sign3A_1021 : i32
      %sign3A_1023 = arith.constant 0 : i32
      %sign3A_1024 = arith.cmpi sgt, %jit3A_1014, %sign3A_1023 : i32
      %sign3A_1025 = arith.extui %sign3A_1024 : i1 to i32
      %sign3A_1026 = arith.constant 0 : i32
      %sign3A_1027 = arith.cmpi slt, %jit3A_1014, %sign3A_1026 : i32
      %sign3A_1028 = arith.extui %sign3A_1027 : i1 to i32
      %sign3A_1029 = arith.subi %sign3A_1025, %sign3A_1028 : i32
      %ne3A_1030 = arith.cmpi ne, %sign3A_1022, %sign3A_1029 : i32
      %rem3A_1031 = arith.remsi %scan3A_1013, %jit3A_1014 : i32
      %ne3A_1032 = arith.constant 0 : i32
      %ne3A_1033 = arith.cmpi ne, %rem3A_1031, %ne3A_1032 : i32
      %and3A_1034 = arith.andi %ne3A_1030, %ne3A_1033 : i1
      %sub3A_1035 = arith.constant 1 : i32
      %sub3A_1036 = arith.subi %div3A_1015, %sub3A_1035 : i32
      %select_n3A_1037 = arith.select %and3A_1034, %sub3A_1036, %div3A_1015 : i32
      %mul3A_1038 = arith.constant 8 : i32
      %mul3A_1039 = arith.muli %select_n3A_1037, %mul3A_1038 : i32
      %sub3A_1040 = arith.subi %scan3A_1013, %mul3A_1039 : i32
      %mul3A_1041 = arith.constant 16 : i32
      %mul3A_1042 = arith.muli %sub3A_1040, %mul3A_1041 : i32
      %get3A_1043 = arith.constant 0 : i32
      %get3A_1044 = arith.constant 0 : i32
      %get3A_1045 = tpu.memref_slice %arg6[%scan3A_193, %get3A_1043, %get3A_1044] : memref<2x128x128xf32, #tpu.memory_space<vmem>> -> memref<1x128x128xf32, #tpu.memory_space<vmem>>
      %get3A_1046 = tpu.memref_squeeze %get3A_1045 : memref<1x128x128xf32, #tpu.memory_space<vmem>> -> memref<128x128xf32, #tpu.memory_space<vmem>>
      %get3A_1047 = arith.index_cast %select_n3A_1037 : i32 to index
      %get3A_1048 = arith.index_cast %mul3A_1042 : i32 to index
      %get3A_1049 = tpu.vector_load %get3A_1046[%get3A_1047, %get3A_1048] {strides = array<i32>} : memref<128x128xf32, #tpu.memory_space<vmem>>, vector<1x16xf32>,
      %get3A_1050 = vector.shape_cast %get3A_1049 : vector<1x16xf32> to vector<16xf32>
      %get3A_1051 = arith.index_cast %select_n3A_1037 : i32 to index
      %get3A_1052 = arith.index_cast %mul3A_1042 : i32 to index
      %get3A_1053 = tpu.vector_load %arg7[%get3A_1051, %get3A_1052] {strides = array<i32>} : memref<128x128xi32, #tpu.memory_space<vmem>>, vector<1x16xi32>,
      %get3A_1054 = vector.shape_cast %get3A_1053 : vector<1x16xi32> to vector<16xi32>
      %abs3A_1055 = math.absf %get3A_1050 : vector<16xf32>
      %neg3A_1056 = arith.constant 0.000000e+00 : f32
      %neg3A_1057 = vector.broadcast %neg3A_1056 : f32 to vector<16xf32>
      %neg3A_1058 = arith.subf %neg3A_1057, %abs3A_1055 : vector<16xf32>
      %exp3A_1059 = math.exp %neg3A_1058 : vector<16xf32>
      %mul3A_1060 = arith.constant 0.0301022474 : f32
      %mul3A_1061 = vector.broadcast %mul3A_1060 : f32 to vector<16xf32>
      %mul3A_1062 = arith.mulf %exp3A_1059, %mul3A_1061 : vector<16xf32>
      %add3A_1063 = arith.constant -0.130117923 : f32
      %add3A_1064 = vector.broadcast %add3A_1063 : f32 to vector<16xf32>
      %add3A_1065 = arith.addf %add3A_1064, %mul3A_1062 : vector<16xf32>
      %mul3A_1066 = arith.mulf %exp3A_1059, %add3A_1065 : vector<16xf32>
      %add3A_1067 = arith.constant 0.283302397 : f32
      %add3A_1068 = vector.broadcast %add3A_1067 : f32 to vector<16xf32>
      %add3A_1069 = arith.addf %add3A_1068, %mul3A_1066 : vector<16xf32>
      %mul3A_1070 = arith.mulf %exp3A_1059, %add3A_1069 : vector<16xf32>
      %add3A_1071 = arith.constant -0.489155769 : f32
      %add3A_1072 = vector.broadcast %add3A_1071 : f32 to vector<16xf32>
      %add3A_1073 = arith.addf %add3A_1072, %mul3A_1070 : vector<16xf32>
      %mul3A_1074 = arith.mulf %exp3A_1059, %add3A_1073 : vector<16xf32>
      %add3A_1075 = arith.constant 0.999010205 : f32
      %add3A_1076 = vector.broadcast %add3A_1075 : f32 to vector<16xf32>
      %add3A_1077 = arith.addf %add3A_1076, %mul3A_1074 : vector<16xf32>
      %mul3A_1078 = arith.mulf %exp3A_1059, %add3A_1077 : vector<16xf32>
      %add3A_1079 = arith.constant 2.21327846E-5 : f32
      %add3A_1080 = vector.broadcast %add3A_1079 : f32 to vector<16xf32>
      %add3A_1081 = arith.addf %add3A_1080, %mul3A_1078 : vector<16xf32>
      %max3A_1082 = arith.constant 0.000000e+00 : f32
      %max3A_1083 = vector.broadcast %max3A_1082 : f32 to vector<16xf32>
      %max3A_1084 = arith.maximumf %get3A_1050, %max3A_1083 : vector<16xf32>
      %add3A_1085 = arith.addf %max3A_1084, %add3A_1081 : vector<16xf32>
      %eq3A_1086 = vector.broadcast %add3A_175 : i32 to vector<16xi32>
      %eq3A_1087 = arith.cmpi eq, %get3A_1054, %eq3A_1086 : vector<16xi32>
      %sub3A_1088 = arith.subf %add3A_1085, %get3A_1050 : vector<16xf32>
      %mul3A_1089 = vector.broadcast %select_n3A_192 : f32 to vector<16xf32>
      %mul3A_1090 = arith.mulf %mul3A_1089, %sub3A_1088 : vector<16xf32>
      %select_n3A_1091 = arith.select %eq3A_1087, %mul3A_1090, %add3A_1085 : vector<16xi1>, vector<16xf32>
      %add3A_1092 = arith.addf %add3A_1011, %select_n3A_1091 : vector<16xf32>
      %scan3A_1093 = arith.constant 11 : i32
      %scan3A_1094 = arith.addi %scan3A_206, %scan3A_1093 : i32
      %jit3A_1095 = arith.constant 8 : i32
      %div3A_1096 = arith.divsi %scan3A_1094, %jit3A_1095 : i32
      %sign3A_1097 = arith.constant 0 : i32
      %sign3A_1098 = arith.cmpi sgt, %scan3A_1094, %sign3A_1097 : i32
      %sign3A_1099 = arith.extui %sign3A_1098 : i1 to i32
      %sign3A_1100 = arith.constant 0 : i32
      %sign3A_1101 = arith.cmpi slt, %scan3A_1094, %sign3A_1100 : i32
      %sign3A_1102 = arith.extui %sign3A_1101 : i1 to i32
      %sign3A_1103 = arith.subi %sign3A_1099, %sign3A_1102 : i32
      %sign3A_1104 = arith.constant 0 : i32
      %sign3A_1105 = arith.cmpi sgt, %jit3A_1095, %sign3A_1104 : i32
      %sign3A_1106 = arith.extui %sign3A_1105 : i1 to i32
      %sign3A_1107 = arith.constant 0 : i32
      %sign3A_1108 = arith.cmpi slt, %jit3A_1095, %sign3A_1107 : i32
      %sign3A_1109 = arith.extui %sign3A_1108 : i1 to i32
      %sign3A_1110 = arith.subi %sign3A_1106, %sign3A_1109 : i32
      %ne3A_1111 = arith.cmpi ne, %sign3A_1103, %sign3A_1110 : i32
      %rem3A_1112 = arith.remsi %scan3A_1094, %jit3A_1095 : i32
      %ne3A_1113 = arith.constant 0 : i32
      %ne3A_1114 = arith.cmpi ne, %rem3A_1112, %ne3A_1113 : i32
      %and3A_1115 = arith.andi %ne3A_1111, %ne3A_1114 : i1
      %sub3A_1116 = arith.constant 1 : i32
      %sub3A_1117 = arith.subi %div3A_1096, %sub3A_1116 : i32
      %select_n3A_1118 = arith.select %and3A_1115, %sub3A_1117, %div3A_1096 : i32
      %mul3A_1119 = arith.constant 8 : i32
      %mul3A_1120 = arith.muli %select_n3A_1118, %mul3A_1119 : i32
      %sub3A_1121 = arith.subi %scan3A_1094, %mul3A_1120 : i32
      %mul3A_1122 = arith.constant 16 : i32
      %mul3A_1123 = arith.muli %sub3A_1121, %mul3A_1122 : i32
      %get3A_1124 = arith.constant 0 : i32
      %get3A_1125 = arith.constant 0 : i32
      %get3A_1126 = tpu.memref_slice %arg6[%scan3A_193, %get3A_1124, %get3A_1125] : memref<2x128x128xf32, #tpu.memory_space<vmem>> -> memref<1x128x128xf32, #tpu.memory_space<vmem>>
      %get3A_1127 = tpu.memref_squeeze %get3A_1126 : memref<1x128x128xf32, #tpu.memory_space<vmem>> -> memref<128x128xf32, #tpu.memory_space<vmem>>
      %get3A_1128 = arith.index_cast %select_n3A_1118 : i32 to index
      %get3A_1129 = arith.index_cast %mul3A_1123 : i32 to index
      %get3A_1130 = tpu.vector_load %get3A_1127[%get3A_1128, %get3A_1129] {strides = array<i32>} : memref<128x128xf32, #tpu.memory_space<vmem>>, vector<1x16xf32>,
      %get3A_1131 = vector.shape_cast %get3A_1130 : vector<1x16xf32> to vector<16xf32>
      %get3A_1132 = arith.index_cast %select_n3A_1118 : i32 to index
      %get3A_1133 = arith.index_cast %mul3A_1123 : i32 to index
      %get3A_1134 = tpu.vector_load %arg7[%get3A_1132, %get3A_1133] {strides = array<i32>} : memref<128x128xi32, #tpu.memory_space<vmem>>, vector<1x16xi32>,
      %get3A_1135 = vector.shape_cast %get3A_1134 : vector<1x16xi32> to vector<16xi32>
      %abs3A_1136 = math.absf %get3A_1131 : vector<16xf32>
      %neg3A_1137 = arith.constant 0.000000e+00 : f32
      %neg3A_1138 = vector.broadcast %neg3A_1137 : f32 to vector<16xf32>
      %neg3A_1139 = arith.subf %neg3A_1138, %abs3A_1136 : vector<16xf32>
      %exp3A_1140 = math.exp %neg3A_1139 : vector<16xf32>
      %mul3A_1141 = arith.constant 0.0301022474 : f32
      %mul3A_1142 = vector.broadcast %mul3A_1141 : f32 to vector<16xf32>
      %mul3A_1143 = arith.mulf %exp3A_1140, %mul3A_1142 : vector<16xf32>
      %add3A_1144 = arith.constant -0.130117923 : f32
      %add3A_1145 = vector.broadcast %add3A_1144 : f32 to vector<16xf32>
      %add3A_1146 = arith.addf %add3A_1145, %mul3A_1143 : vector<16xf32>
      %mul3A_1147 = arith.mulf %exp3A_1140, %add3A_1146 : vector<16xf32>
      %add3A_1148 = arith.constant 0.283302397 : f32
      %add3A_1149 = vector.broadcast %add3A_1148 : f32 to vector<16xf32>
      %add3A_1150 = arith.addf %add3A_1149, %mul3A_1147 : vector<16xf32>
      %mul3A_1151 = arith.mulf %exp3A_1140, %add3A_1150 : vector<16xf32>
      %add3A_1152 = arith.constant -0.489155769 : f32
      %add3A_1153 = vector.broadcast %add3A_1152 : f32 to vector<16xf32>
      %add3A_1154 = arith.addf %add3A_1153, %mul3A_1151 : vector<16xf32>
      %mul3A_1155 = arith.mulf %exp3A_1140, %add3A_1154 : vector<16xf32>
      %add3A_1156 = arith.constant 0.999010205 : f32
      %add3A_1157 = vector.broadcast %add3A_1156 : f32 to vector<16xf32>
      %add3A_1158 = arith.addf %add3A_1157, %mul3A_1155 : vector<16xf32>
      %mul3A_1159 = arith.mulf %exp3A_1140, %add3A_1158 : vector<16xf32>
      %add3A_1160 = arith.constant 2.21327846E-5 : f32
      %add3A_1161 = vector.broadcast %add3A_1160 : f32 to vector<16xf32>
      %add3A_1162 = arith.addf %add3A_1161, %mul3A_1159 : vector<16xf32>
      %max3A_1163 = arith.constant 0.000000e+00 : f32
      %max3A_1164 = vector.broadcast %max3A_1163 : f32 to vector<16xf32>
      %max3A_1165 = arith.maximumf %get3A_1131, %max3A_1164 : vector<16xf32>
      %add3A_1166 = arith.addf %max3A_1165, %add3A_1162 : vector<16xf32>
      %eq3A_1167 = vector.broadcast %add3A_175 : i32 to vector<16xi32>
      %eq3A_1168 = arith.cmpi eq, %get3A_1135, %eq3A_1167 : vector<16xi32>
      %sub3A_1169 = arith.subf %add3A_1166, %get3A_1131 : vector<16xf32>
      %mul3A_1170 = vector.broadcast %select_n3A_192 : f32 to vector<16xf32>
      %mul3A_1171 = arith.mulf %mul3A_1170, %sub3A_1169 : vector<16xf32>
      %select_n3A_1172 = arith.select %eq3A_1168, %mul3A_1171, %add3A_1166 : vector<16xi1>, vector<16xf32>
      %add3A_1173 = arith.addf %add3A_1092, %select_n3A_1172 : vector<16xf32>
      %scan3A_1174 = arith.constant 12 : i32
      %scan3A_1175 = arith.addi %scan3A_206, %scan3A_1174 : i32
      %jit3A_1176 = arith.constant 8 : i32
      %div3A_1177 = arith.divsi %scan3A_1175, %jit3A_1176 : i32
      %sign3A_1178 = arith.constant 0 : i32
      %sign3A_1179 = arith.cmpi sgt, %scan3A_1175, %sign3A_1178 : i32
      %sign3A_1180 = arith.extui %sign3A_1179 : i1 to i32
      %sign3A_1181 = arith.constant 0 : i32
      %sign3A_1182 = arith.cmpi slt, %scan3A_1175, %sign3A_1181 : i32
      %sign3A_1183 = arith.extui %sign3A_1182 : i1 to i32
      %sign3A_1184 = arith.subi %sign3A_1180, %sign3A_1183 : i32
      %sign3A_1185 = arith.constant 0 : i32
      %sign3A_1186 = arith.cmpi sgt, %jit3A_1176, %sign3A_1185 : i32
      %sign3A_1187 = arith.extui %sign3A_1186 : i1 to i32
      %sign3A_1188 = arith.constant 0 : i32
      %sign3A_1189 = arith.cmpi slt, %jit3A_1176, %sign3A_1188 : i32
      %sign3A_1190 = arith.extui %sign3A_1189 : i1 to i32
      %sign3A_1191 = arith.subi %sign3A_1187, %sign3A_1190 : i32
      %ne3A_1192 = arith.cmpi ne, %sign3A_1184, %sign3A_1191 : i32
      %rem3A_1193 = arith.remsi %scan3A_1175, %jit3A_1176 : i32
      %ne3A_1194 = arith.constant 0 : i32
      %ne3A_1195 = arith.cmpi ne, %rem3A_1193, %ne3A_1194 : i32
      %and3A_1196 = arith.andi %ne3A_1192, %ne3A_1195 : i1
      %sub3A_1197 = arith.constant 1 : i32
      %sub3A_1198 = arith.subi %div3A_1177, %sub3A_1197 : i32
      %select_n3A_1199 = arith.select %and3A_1196, %sub3A_1198, %div3A_1177 : i32
      %mul3A_1200 = arith.constant 8 : i32
      %mul3A_1201 = arith.muli %select_n3A_1199, %mul3A_1200 : i32
      %sub3A_1202 = arith.subi %scan3A_1175, %mul3A_1201 : i32
      %mul3A_1203 = arith.constant 16 : i32
      %mul3A_1204 = arith.muli %sub3A_1202, %mul3A_1203 : i32
      %get3A_1205 = arith.constant 0 : i32
      %get3A_1206 = arith.constant 0 : i32
      %get3A_1207 = tpu.memref_slice %arg6[%scan3A_193, %get3A_1205, %get3A_1206] : memref<2x128x128xf32, #tpu.memory_space<vmem>> -> memref<1x128x128xf32, #tpu.memory_space<vmem>>
      %get3A_1208 = tpu.memref_squeeze %get3A_1207 : memref<1x128x128xf32, #tpu.memory_space<vmem>> -> memref<128x128xf32, #tpu.memory_space<vmem>>
      %get3A_1209 = arith.index_cast %select_n3A_1199 : i32 to index
      %get3A_1210 = arith.index_cast %mul3A_1204 : i32 to index
      %get3A_1211 = tpu.vector_load %get3A_1208[%get3A_1209, %get3A_1210] {strides = array<i32>} : memref<128x128xf32, #tpu.memory_space<vmem>>, vector<1x16xf32>,
      %get3A_1212 = vector.shape_cast %get3A_1211 : vector<1x16xf32> to vector<16xf32>
      %get3A_1213 = arith.index_cast %select_n3A_1199 : i32 to index
      %get3A_1214 = arith.index_cast %mul3A_1204 : i32 to index
      %get3A_1215 = tpu.vector_load %arg7[%get3A_1213, %get3A_1214] {strides = array<i32>} : memref<128x128xi32, #tpu.memory_space<vmem>>, vector<1x16xi32>,
      %get3A_1216 = vector.shape_cast %get3A_1215 : vector<1x16xi32> to vector<16xi32>
      %abs3A_1217 = math.absf %get3A_1212 : vector<16xf32>
      %neg3A_1218 = arith.constant 0.000000e+00 : f32
      %neg3A_1219 = vector.broadcast %neg3A_1218 : f32 to vector<16xf32>
      %neg3A_1220 = arith.subf %neg3A_1219, %abs3A_1217 : vector<16xf32>
      %exp3A_1221 = math.exp %neg3A_1220 : vector<16xf32>
      %mul3A_1222 = arith.constant 0.0301022474 : f32
      %mul3A_1223 = vector.broadcast %mul3A_1222 : f32 to vector<16xf32>
      %mul3A_1224 = arith.mulf %exp3A_1221, %mul3A_1223 : vector<16xf32>
      %add3A_1225 = arith.constant -0.130117923 : f32
      %add3A_1226 = vector.broadcast %add3A_1225 : f32 to vector<16xf32>
      %add3A_1227 = arith.addf %add3A_1226, %mul3A_1224 : vector<16xf32>
      %mul3A_1228 = arith.mulf %exp3A_1221, %add3A_1227 : vector<16xf32>
      %add3A_1229 = arith.constant 0.283302397 : f32
      %add3A_1230 = vector.broadcast %add3A_1229 : f32 to vector<16xf32>
      %add3A_1231 = arith.addf %add3A_1230, %mul3A_1228 : vector<16xf32>
      %mul3A_1232 = arith.mulf %exp3A_1221, %add3A_1231 : vector<16xf32>
      %add3A_1233 = arith.constant -0.489155769 : f32
      %add3A_1234 = vector.broadcast %add3A_1233 : f32 to vector<16xf32>
      %add3A_1235 = arith.addf %add3A_1234, %mul3A_1232 : vector<16xf32>
      %mul3A_1236 = arith.mulf %exp3A_1221, %add3A_1235 : vector<16xf32>
      %add3A_1237 = arith.constant 0.999010205 : f32
      %add3A_1238 = vector.broadcast %add3A_1237 : f32 to vector<16xf32>
      %add3A_1239 = arith.addf %add3A_1238, %mul3A_1236 : vector<16xf32>
      %mul3A_1240 = arith.mulf %exp3A_1221, %add3A_1239 : vector<16xf32>
      %add3A_1241 = arith.constant 2.21327846E-5 : f32
      %add3A_1242 = vector.broadcast %add3A_1241 : f32 to vector<16xf32>
      %add3A_1243 = arith.addf %add3A_1242, %mul3A_1240 : vector<16xf32>
      %max3A_1244 = arith.constant 0.000000e+00 : f32
      %max3A_1245 = vector.broadcast %max3A_1244 : f32 to vector<16xf32>
      %max3A_1246 = arith.maximumf %get3A_1212, %max3A_1245 : vector<16xf32>
      %add3A_1247 = arith.addf %max3A_1246, %add3A_1243 : vector<16xf32>
      %eq3A_1248 = vector.broadcast %add3A_175 : i32 to vector<16xi32>
      %eq3A_1249 = arith.cmpi eq, %get3A_1216, %eq3A_1248 : vector<16xi32>
      %sub3A_1250 = arith.subf %add3A_1247, %get3A_1212 : vector<16xf32>
      %mul3A_1251 = vector.broadcast %select_n3A_192 : f32 to vector<16xf32>
      %mul3A_1252 = arith.mulf %mul3A_1251, %sub3A_1250 : vector<16xf32>
      %select_n3A_1253 = arith.select %eq3A_1249, %mul3A_1252, %add3A_1247 : vector<16xi1>, vector<16xf32>
      %add3A_1254 = arith.addf %add3A_1173, %select_n3A_1253 : vector<16xf32>
      %scan3A_1255 = arith.constant 13 : i32
      %scan3A_1256 = arith.addi %scan3A_206, %scan3A_1255 : i32
      %jit3A_1257 = arith.constant 8 : i32
      %div3A_1258 = arith.divsi %scan3A_1256, %jit3A_1257 : i32
      %sign3A_1259 = arith.constant 0 : i32
      %sign3A_1260 = arith.cmpi sgt, %scan3A_1256, %sign3A_1259 : i32
      %sign3A_1261 = arith.extui %sign3A_1260 : i1 to i32
      %sign3A_1262 = arith.constant 0 : i32
      %sign3A_1263 = arith.cmpi slt, %scan3A_1256, %sign3A_1262 : i32
      %sign3A_1264 = arith.extui %sign3A_1263 : i1 to i32
      %sign3A_1265 = arith.subi %sign3A_1261, %sign3A_1264 : i32
      %sign3A_1266 = arith.constant 0 : i32
      %sign3A_1267 = arith.cmpi sgt, %jit3A_1257, %sign3A_1266 : i32
      %sign3A_1268 = arith.extui %sign3A_1267 : i1 to i32
      %sign3A_1269 = arith.constant 0 : i32
      %sign3A_1270 = arith.cmpi slt, %jit3A_1257, %sign3A_1269 : i32
      %sign3A_1271 = arith.extui %sign3A_1270 : i1 to i32
      %sign3A_1272 = arith.subi %sign3A_1268, %sign3A_1271 : i32
      %ne3A_1273 = arith.cmpi ne, %sign3A_1265, %sign3A_1272 : i32
      %rem3A_1274 = arith.remsi %scan3A_1256, %jit3A_1257 : i32
      %ne3A_1275 = arith.constant 0 : i32
      %ne3A_1276 = arith.cmpi ne, %rem3A_1274, %ne3A_1275 : i32
      %and3A_1277 = arith.andi %ne3A_1273, %ne3A_1276 : i1
      %sub3A_1278 = arith.constant 1 : i32
      %sub3A_1279 = arith.subi %div3A_1258, %sub3A_1278 : i32
      %select_n3A_1280 = arith.select %and3A_1277, %sub3A_1279, %div3A_1258 : i32
      %mul3A_1281 = arith.constant 8 : i32
      %mul3A_1282 = arith.muli %select_n3A_1280, %mul3A_1281 : i32
      %sub3A_1283 = arith.subi %scan3A_1256, %mul3A_1282 : i32
      %mul3A_1284 = arith.constant 16 : i32
      %mul3A_1285 = arith.muli %sub3A_1283, %mul3A_1284 : i32
      %get3A_1286 = arith.constant 0 : i32
      %get3A_1287 = arith.constant 0 : i32
      %get3A_1288 = tpu.memref_slice %arg6[%scan3A_193, %get3A_1286, %get3A_1287] : memref<2x128x128xf32, #tpu.memory_space<vmem>> -> memref<1x128x128xf32, #tpu.memory_space<vmem>>
      %get3A_1289 = tpu.memref_squeeze %get3A_1288 : memref<1x128x128xf32, #tpu.memory_space<vmem>> -> memref<128x128xf32, #tpu.memory_space<vmem>>
      %get3A_1290 = arith.index_cast %select_n3A_1280 : i32 to index
      %get3A_1291 = arith.index_cast %mul3A_1285 : i32 to index
      %get3A_1292 = tpu.vector_load %get3A_1289[%get3A_1290, %get3A_1291] {strides = array<i32>} : memref<128x128xf32, #tpu.memory_space<vmem>>, vector<1x16xf32>,
      %get3A_1293 = vector.shape_cast %get3A_1292 : vector<1x16xf32> to vector<16xf32>
      %get3A_1294 = arith.index_cast %select_n3A_1280 : i32 to index
      %get3A_1295 = arith.index_cast %mul3A_1285 : i32 to index
      %get3A_1296 = tpu.vector_load %arg7[%get3A_1294, %get3A_1295] {strides = array<i32>} : memref<128x128xi32, #tpu.memory_space<vmem>>, vector<1x16xi32>,
      %get3A_1297 = vector.shape_cast %get3A_1296 : vector<1x16xi32> to vector<16xi32>
      %abs3A_1298 = math.absf %get3A_1293 : vector<16xf32>
      %neg3A_1299 = arith.constant 0.000000e+00 : f32
      %neg3A_1300 = vector.broadcast %neg3A_1299 : f32 to vector<16xf32>
      %neg3A_1301 = arith.subf %neg3A_1300, %abs3A_1298 : vector<16xf32>
      %exp3A_1302 = math.exp %neg3A_1301 : vector<16xf32>
      %mul3A_1303 = arith.constant 0.0301022474 : f32
      %mul3A_1304 = vector.broadcast %mul3A_1303 : f32 to vector<16xf32>
      %mul3A_1305 = arith.mulf %exp3A_1302, %mul3A_1304 : vector<16xf32>
      %add3A_1306 = arith.constant -0.130117923 : f32
      %add3A_1307 = vector.broadcast %add3A_1306 : f32 to vector<16xf32>
      %add3A_1308 = arith.addf %add3A_1307, %mul3A_1305 : vector<16xf32>
      %mul3A_1309 = arith.mulf %exp3A_1302, %add3A_1308 : vector<16xf32>
      %add3A_1310 = arith.constant 0.283302397 : f32
      %add3A_1311 = vector.broadcast %add3A_1310 : f32 to vector<16xf32>
      %add3A_1312 = arith.addf %add3A_1311, %mul3A_1309 : vector<16xf32>
      %mul3A_1313 = arith.mulf %exp3A_1302, %add3A_1312 : vector<16xf32>
      %add3A_1314 = arith.constant -0.489155769 : f32
      %add3A_1315 = vector.broadcast %add3A_1314 : f32 to vector<16xf32>
      %add3A_1316 = arith.addf %add3A_1315, %mul3A_1313 : vector<16xf32>
      %mul3A_1317 = arith.mulf %exp3A_1302, %add3A_1316 : vector<16xf32>
      %add3A_1318 = arith.constant 0.999010205 : f32
      %add3A_1319 = vector.broadcast %add3A_1318 : f32 to vector<16xf32>
      %add3A_1320 = arith.addf %add3A_1319, %mul3A_1317 : vector<16xf32>
      %mul3A_1321 = arith.mulf %exp3A_1302, %add3A_1320 : vector<16xf32>
      %add3A_1322 = arith.constant 2.21327846E-5 : f32
      %add3A_1323 = vector.broadcast %add3A_1322 : f32 to vector<16xf32>
      %add3A_1324 = arith.addf %add3A_1323, %mul3A_1321 : vector<16xf32>
      %max3A_1325 = arith.constant 0.000000e+00 : f32
      %max3A_1326 = vector.broadcast %max3A_1325 : f32 to vector<16xf32>
      %max3A_1327 = arith.maximumf %get3A_1293, %max3A_1326 : vector<16xf32>
      %add3A_1328 = arith.addf %max3A_1327, %add3A_1324 : vector<16xf32>
      %eq3A_1329 = vector.broadcast %add3A_175 : i32 to vector<16xi32>
      %eq3A_1330 = arith.cmpi eq, %get3A_1297, %eq3A_1329 : vector<16xi32>
      %sub3A_1331 = arith.subf %add3A_1328, %get3A_1293 : vector<16xf32>
      %mul3A_1332 = vector.broadcast %select_n3A_192 : f32 to vector<16xf32>
      %mul3A_1333 = arith.mulf %mul3A_1332, %sub3A_1331 : vector<16xf32>
      %select_n3A_1334 = arith.select %eq3A_1330, %mul3A_1333, %add3A_1328 : vector<16xi1>, vector<16xf32>
      %add3A_1335 = arith.addf %add3A_1254, %select_n3A_1334 : vector<16xf32>
      %scan3A_1336 = arith.constant 14 : i32
      %scan3A_1337 = arith.addi %scan3A_206, %scan3A_1336 : i32
      %jit3A_1338 = arith.constant 8 : i32
      %div3A_1339 = arith.divsi %scan3A_1337, %jit3A_1338 : i32
      %sign3A_1340 = arith.constant 0 : i32
      %sign3A_1341 = arith.cmpi sgt, %scan3A_1337, %sign3A_1340 : i32
      %sign3A_1342 = arith.extui %sign3A_1341 : i1 to i32
      %sign3A_1343 = arith.constant 0 : i32
      %sign3A_1344 = arith.cmpi slt, %scan3A_1337, %sign3A_1343 : i32
      %sign3A_1345 = arith.extui %sign3A_1344 : i1 to i32
      %sign3A_1346 = arith.subi %sign3A_1342, %sign3A_1345 : i32
      %sign3A_1347 = arith.constant 0 : i32
      %sign3A_1348 = arith.cmpi sgt, %jit3A_1338, %sign3A_1347 : i32
      %sign3A_1349 = arith.extui %sign3A_1348 : i1 to i32
      %sign3A_1350 = arith.constant 0 : i32
      %sign3A_1351 = arith.cmpi slt, %jit3A_1338, %sign3A_1350 : i32
      %sign3A_1352 = arith.extui %sign3A_1351 : i1 to i32
      %sign3A_1353 = arith.subi %sign3A_1349, %sign3A_1352 : i32
      %ne3A_1354 = arith.cmpi ne, %sign3A_1346, %sign3A_1353 : i32
      %rem3A_1355 = arith.remsi %scan3A_1337, %jit3A_1338 : i32
      %ne3A_1356 = arith.constant 0 : i32
      %ne3A_1357 = arith.cmpi ne, %rem3A_1355, %ne3A_1356 : i32
      %and3A_1358 = arith.andi %ne3A_1354, %ne3A_1357 : i1
      %sub3A_1359 = arith.constant 1 : i32
      %sub3A_1360 = arith.subi %div3A_1339, %sub3A_1359 : i32
      %select_n3A_1361 = arith.select %and3A_1358, %sub3A_1360, %div3A_1339 : i32
      %mul3A_1362 = arith.constant 8 : i32
      %mul3A_1363 = arith.muli %select_n3A_1361, %mul3A_1362 : i32
      %sub3A_1364 = arith.subi %scan3A_1337, %mul3A_1363 : i32
      %mul3A_1365 = arith.constant 16 : i32
      %mul3A_1366 = arith.muli %sub3A_1364, %mul3A_1365 : i32
      %get3A_1367 = arith.constant 0 : i32
      %get3A_1368 = arith.constant 0 : i32
      %get3A_1369 = tpu.memref_slice %arg6[%scan3A_193, %get3A_1367, %get3A_1368] : memref<2x128x128xf32, #tpu.memory_space<vmem>> -> memref<1x128x128xf32, #tpu.memory_space<vmem>>
      %get3A_1370 = tpu.memref_squeeze %get3A_1369 : memref<1x128x128xf32, #tpu.memory_space<vmem>> -> memref<128x128xf32, #tpu.memory_space<vmem>>
      %get3A_1371 = arith.index_cast %select_n3A_1361 : i32 to index
      %get3A_1372 = arith.index_cast %mul3A_1366 : i32 to index
      %get3A_1373 = tpu.vector_load %get3A_1370[%get3A_1371, %get3A_1372] {strides = array<i32>} : memref<128x128xf32, #tpu.memory_space<vmem>>, vector<1x16xf32>,
      %get3A_1374 = vector.shape_cast %get3A_1373 : vector<1x16xf32> to vector<16xf32>
      %get3A_1375 = arith.index_cast %select_n3A_1361 : i32 to index
      %get3A_1376 = arith.index_cast %mul3A_1366 : i32 to index
      %get3A_1377 = tpu.vector_load %arg7[%get3A_1375, %get3A_1376] {strides = array<i32>} : memref<128x128xi32, #tpu.memory_space<vmem>>, vector<1x16xi32>,
      %get3A_1378 = vector.shape_cast %get3A_1377 : vector<1x16xi32> to vector<16xi32>
      %abs3A_1379 = math.absf %get3A_1374 : vector<16xf32>
      %neg3A_1380 = arith.constant 0.000000e+00 : f32
      %neg3A_1381 = vector.broadcast %neg3A_1380 : f32 to vector<16xf32>
      %neg3A_1382 = arith.subf %neg3A_1381, %abs3A_1379 : vector<16xf32>
      %exp3A_1383 = math.exp %neg3A_1382 : vector<16xf32>
      %mul3A_1384 = arith.constant 0.0301022474 : f32
      %mul3A_1385 = vector.broadcast %mul3A_1384 : f32 to vector<16xf32>
      %mul3A_1386 = arith.mulf %exp3A_1383, %mul3A_1385 : vector<16xf32>
      %add3A_1387 = arith.constant -0.130117923 : f32
      %add3A_1388 = vector.broadcast %add3A_1387 : f32 to vector<16xf32>
      %add3A_1389 = arith.addf %add3A_1388, %mul3A_1386 : vector<16xf32>
      %mul3A_1390 = arith.mulf %exp3A_1383, %add3A_1389 : vector<16xf32>
      %add3A_1391 = arith.constant 0.283302397 : f32
      %add3A_1392 = vector.broadcast %add3A_1391 : f32 to vector<16xf32>
      %add3A_1393 = arith.addf %add3A_1392, %mul3A_1390 : vector<16xf32>
      %mul3A_1394 = arith.mulf %exp3A_1383, %add3A_1393 : vector<16xf32>
      %add3A_1395 = arith.constant -0.489155769 : f32
      %add3A_1396 = vector.broadcast %add3A_1395 : f32 to vector<16xf32>
      %add3A_1397 = arith.addf %add3A_1396, %mul3A_1394 : vector<16xf32>
      %mul3A_1398 = arith.mulf %exp3A_1383, %add3A_1397 : vector<16xf32>
      %add3A_1399 = arith.constant 0.999010205 : f32
      %add3A_1400 = vector.broadcast %add3A_1399 : f32 to vector<16xf32>
      %add3A_1401 = arith.addf %add3A_1400, %mul3A_1398 : vector<16xf32>
      %mul3A_1402 = arith.mulf %exp3A_1383, %add3A_1401 : vector<16xf32>
      %add3A_1403 = arith.constant 2.21327846E-5 : f32
      %add3A_1404 = vector.broadcast %add3A_1403 : f32 to vector<16xf32>
      %add3A_1405 = arith.addf %add3A_1404, %mul3A_1402 : vector<16xf32>
      %max3A_1406 = arith.constant 0.000000e+00 : f32
      %max3A_1407 = vector.broadcast %max3A_1406 : f32 to vector<16xf32>
      %max3A_1408 = arith.maximumf %get3A_1374, %max3A_1407 : vector<16xf32>
      %add3A_1409 = arith.addf %max3A_1408, %add3A_1405 : vector<16xf32>
      %eq3A_1410 = vector.broadcast %add3A_175 : i32 to vector<16xi32>
      %eq3A_1411 = arith.cmpi eq, %get3A_1378, %eq3A_1410 : vector<16xi32>
      %sub3A_1412 = arith.subf %add3A_1409, %get3A_1374 : vector<16xf32>
      %mul3A_1413 = vector.broadcast %select_n3A_192 : f32 to vector<16xf32>
      %mul3A_1414 = arith.mulf %mul3A_1413, %sub3A_1412 : vector<16xf32>
      %select_n3A_1415 = arith.select %eq3A_1411, %mul3A_1414, %add3A_1409 : vector<16xi1>, vector<16xf32>
      %add3A_1416 = arith.addf %add3A_1335, %select_n3A_1415 : vector<16xf32>
      %scan3A_1417 = arith.constant 15 : i32
      %scan3A_1418 = arith.addi %scan3A_206, %scan3A_1417 : i32
      %jit3A_1419 = arith.constant 8 : i32
      %div3A_1420 = arith.divsi %scan3A_1418, %jit3A_1419 : i32
      %sign3A_1421 = arith.constant 0 : i32
      %sign3A_1422 = arith.cmpi sgt, %scan3A_1418, %sign3A_1421 : i32
      %sign3A_1423 = arith.extui %sign3A_1422 : i1 to i32
      %sign3A_1424 = arith.constant 0 : i32
      %sign3A_1425 = arith.cmpi slt, %scan3A_1418, %sign3A_1424 : i32
      %sign3A_1426 = arith.extui %sign3A_1425 : i1 to i32
      %sign3A_1427 = arith.subi %sign3A_1423, %sign3A_1426 : i32
      %sign3A_1428 = arith.constant 0 : i32
      %sign3A_1429 = arith.cmpi sgt, %jit3A_1419, %sign3A_1428 : i32
      %sign3A_1430 = arith.extui %sign3A_1429 : i1 to i32
      %sign3A_1431 = arith.constant 0 : i32
      %sign3A_1432 = arith.cmpi slt, %jit3A_1419, %sign3A_1431 : i32
      %sign3A_1433 = arith.extui %sign3A_1432 : i1 to i32
      %sign3A_1434 = arith.subi %sign3A_1430, %sign3A_1433 : i32
      %ne3A_1435 = arith.cmpi ne, %sign3A_1427, %sign3A_1434 : i32
      %rem3A_1436 = arith.remsi %scan3A_1418, %jit3A_1419 : i32
      %ne3A_1437 = arith.constant 0 : i32
      %ne3A_1438 = arith.cmpi ne, %rem3A_1436, %ne3A_1437 : i32
      %and3A_1439 = arith.andi %ne3A_1435, %ne3A_1438 : i1
      %sub3A_1440 = arith.constant 1 : i32
      %sub3A_1441 = arith.subi %div3A_1420, %sub3A_1440 : i32
      %select_n3A_1442 = arith.select %and3A_1439, %sub3A_1441, %div3A_1420 : i32
      %mul3A_1443 = arith.constant 8 : i32
      %mul3A_1444 = arith.muli %select_n3A_1442, %mul3A_1443 : i32
      %sub3A_1445 = arith.subi %scan3A_1418, %mul3A_1444 : i32
      %mul3A_1446 = arith.constant 16 : i32
      %mul3A_1447 = arith.muli %sub3A_1445, %mul3A_1446 : i32
      %get3A_1448 = arith.constant 0 : i32
      %get3A_1449 = arith.constant 0 : i32
      %get3A_1450 = tpu.memref_slice %arg6[%scan3A_193, %get3A_1448, %get3A_1449] : memref<2x128x128xf32, #tpu.memory_space<vmem>> -> memref<1x128x128xf32, #tpu.memory_space<vmem>>
      %get3A_1451 = tpu.memref_squeeze %get3A_1450 : memref<1x128x128xf32, #tpu.memory_space<vmem>> -> memref<128x128xf32, #tpu.memory_space<vmem>>
      %get3A_1452 = arith.index_cast %select_n3A_1442 : i32 to index
      %get3A_1453 = arith.index_cast %mul3A_1447 : i32 to index
      %get3A_1454 = tpu.vector_load %get3A_1451[%get3A_1452, %get3A_1453] {strides = array<i32>} : memref<128x128xf32, #tpu.memory_space<vmem>>, vector<1x16xf32>,
      %get3A_1455 = vector.shape_cast %get3A_1454 : vector<1x16xf32> to vector<16xf32>
      %get3A_1456 = arith.index_cast %select_n3A_1442 : i32 to index
      %get3A_1457 = arith.index_cast %mul3A_1447 : i32 to index
      %get3A_1458 = tpu.vector_load %arg7[%get3A_1456, %get3A_1457] {strides = array<i32>} : memref<128x128xi32, #tpu.memory_space<vmem>>, vector<1x16xi32>,
      %get3A_1459 = vector.shape_cast %get3A_1458 : vector<1x16xi32> to vector<16xi32>
      %abs3A_1460 = math.absf %get3A_1455 : vector<16xf32>
      %neg3A_1461 = arith.constant 0.000000e+00 : f32
      %neg3A_1462 = vector.broadcast %neg3A_1461 : f32 to vector<16xf32>
      %neg3A_1463 = arith.subf %neg3A_1462, %abs3A_1460 : vector<16xf32>
      %exp3A_1464 = math.exp %neg3A_1463 : vector<16xf32>
      %mul3A_1465 = arith.constant 0.0301022474 : f32
      %mul3A_1466 = vector.broadcast %mul3A_1465 : f32 to vector<16xf32>
      %mul3A_1467 = arith.mulf %exp3A_1464, %mul3A_1466 : vector<16xf32>
      %add3A_1468 = arith.constant -0.130117923 : f32
      %add3A_1469 = vector.broadcast %add3A_1468 : f32 to vector<16xf32>
      %add3A_1470 = arith.addf %add3A_1469, %mul3A_1467 : vector<16xf32>
      %mul3A_1471 = arith.mulf %exp3A_1464, %add3A_1470 : vector<16xf32>
      %add3A_1472 = arith.constant 0.283302397 : f32
      %add3A_1473 = vector.broadcast %add3A_1472 : f32 to vector<16xf32>
      %add3A_1474 = arith.addf %add3A_1473, %mul3A_1471 : vector<16xf32>
      %mul3A_1475 = arith.mulf %exp3A_1464, %add3A_1474 : vector<16xf32>
      %add3A_1476 = arith.constant -0.489155769 : f32
      %add3A_1477 = vector.broadcast %add3A_1476 : f32 to vector<16xf32>
      %add3A_1478 = arith.addf %add3A_1477, %mul3A_1475 : vector<16xf32>
      %mul3A_1479 = arith.mulf %exp3A_1464, %add3A_1478 : vector<16xf32>
      %add3A_1480 = arith.constant 0.999010205 : f32
      %add3A_1481 = vector.broadcast %add3A_1480 : f32 to vector<16xf32>
      %add3A_1482 = arith.addf %add3A_1481, %mul3A_1479 : vector<16xf32>
      %mul3A_1483 = arith.mulf %exp3A_1464, %add3A_1482 : vector<16xf32>
      %add3A_1484 = arith.constant 2.21327846E-5 : f32
      %add3A_1485 = vector.broadcast %add3A_1484 : f32 to vector<16xf32>
      %add3A_1486 = arith.addf %add3A_1485, %mul3A_1483 : vector<16xf32>
      %max3A_1487 = arith.constant 0.000000e+00 : f32
      %max3A_1488 = vector.broadcast %max3A_1487 : f32 to vector<16xf32>
      %max3A_1489 = arith.maximumf %get3A_1455, %max3A_1488 : vector<16xf32>
      %add3A_1490 = arith.addf %max3A_1489, %add3A_1486 : vector<16xf32>
      %eq3A_1491 = vector.broadcast %add3A_175 : i32 to vector<16xi32>
      %eq3A_1492 = arith.cmpi eq, %get3A_1459, %eq3A_1491 : vector<16xi32>
      %sub3A_1493 = arith.subf %add3A_1490, %get3A_1455 : vector<16xf32>
      %mul3A_1494 = vector.broadcast %select_n3A_192 : f32 to vector<16xf32>
      %mul3A_1495 = arith.mulf %mul3A_1494, %sub3A_1493 : vector<16xf32>
      %select_n3A_1496 = arith.select %eq3A_1492, %mul3A_1495, %add3A_1490 : vector<16xi1>, vector<16xf32>
      %add3A_1497 = arith.addf %add3A_1416, %select_n3A_1496 : vector<16xf32>
      scf.yield %add3A_1497 : vector<16xf32>
    }
    %scan3A_199 = arith.constant 1024 : i32
    %mul3A_200 = arith.constant 1.1920929E-7 : f32
    %mul3A_201 = vector.broadcast %mul3A_200 : f32 to vector<16xf32>
    %mul3A_202 = arith.mulf %scan3A_198, %mul3A_201 : vector<16xf32>
    %swap3A = arith.constant 0 : index
    %swap3A_203 = tpu.vector_load %arg9[%swap3A] {strides = array<i32>} : memref<16xf32, #tpu.memory_space<vmem>>, vector<16xf32>,
    %swap3A_204 = vector.shape_cast %swap3A_203 : vector<16xf32> to vector<16xf32>
    %swap3A_205 = vector.shape_cast %mul3A_202 : vector<16xf32> to vector<16xf32>
    tpu.vector_store %arg9[%swap3A], %swap3A_205 {strides = array<i32>} : memref<16xf32, #tpu.memory_space<vmem>>, vector<16xf32>,
    "tpu.region"() ({
      %run_scoped3A = tpu.sem_alloc : memref<!tpu.dma_semaphore, #tpu.memory_space<semaphore_mem>>
      %dma_start3A_206 = arith.constant 0 : i32
      %dma_start3A_207 = tpu.memref_slice %arg5[%add3A, %dma_start3A_206] : memref<32x16xf32, #tpu.memory_space<hbm>> -> memref<1x16xf32, #tpu.memory_space<hbm>>
      %dma_start3A_208 = tpu.memref_squeeze %dma_start3A_207 : memref<1x16xf32, #tpu.memory_space<hbm>> -> memref<16xf32, #tpu.memory_space<hbm>>
      %dma_start3A_209 = arith.constant 0 : i32
      %dma_start3A_210 = tpu.memref_slice %arg5[%add3A, %dma_start3A_209] : memref<32x16xf32, #tpu.memory_space<hbm>> -> memref<1x16xf32, #tpu.memory_space<hbm>>
      %dma_start3A_211 = tpu.memref_squeeze %dma_start3A_210 : memref<1x16xf32, #tpu.memory_space<hbm>> -> memref<16xf32, #tpu.memory_space<hbm>>
      tpu.enqueue_dma source(%arg9 : memref<16xf32, #tpu.memory_space<vmem>>) target(%dma_start3A_211 : memref<16xf32, #tpu.memory_space<hbm>>) target_semaphore(%run_scoped3A : memref<!tpu.dma_semaphore, #tpu.memory_space<semaphore_mem>>)
      %dma_wait3A_212 = arith.constant 0 : i32
      %dma_wait3A_213 = tpu.memref_slice %arg5[%add3A, %dma_wait3A_212] : memref<32x16xf32, #tpu.memory_space<hbm>> -> memref<1x16xf32, #tpu.memory_space<hbm>>
      %dma_wait3A_214 = tpu.memref_squeeze %dma_wait3A_213 : memref<1x16xf32, #tpu.memory_space<hbm>> -> memref<16xf32, #tpu.memory_space<hbm>>
      %dma_wait3A_215 = arith.constant 0 : i32
      %dma_wait3A_216 = tpu.memref_slice %arg5[%add3A, %dma_wait3A_215] : memref<32x16xf32, #tpu.memory_space<hbm>> -> memref<1x16xf32, #tpu.memory_space<hbm>>
      %dma_wait3A_217 = tpu.memref_squeeze %dma_wait3A_216 : memref<1x16xf32, #tpu.memory_space<hbm>> -> memref<16xf32, #tpu.memory_space<hbm>>
      tpu.wait_dma2 semaphore(%run_scoped3A : memref<!tpu.dma_semaphore, #tpu.memory_space<semaphore_mem>>) src(%arg9 : memref<16xf32, #tpu.memory_space<vmem>>) dst(%dma_wait3A_217 : memref<16xf32, #tpu.memory_space<hbm>>)
      tpu.yield
    }) : () -> ()
    return
  }
}

module attributes {stable_mosaic.version = 14 : i64} {
  func.func @_tc_body(%arg0: i32, %arg1: i32, %arg2: memref<1x4x8x128x128xf32, #tpu.memory_space<vmem>>, %arg3: memref<1x8x128x128xi32, #tpu.memory_space<vmem>>, %arg4: memref<4xf32, #tpu.memory_space<smem>>, %arg5: memref<1x1xf32, #tpu.memory_space<vmem>>) attributes {dimension_semantics = [#tpu.dimension_semantics<arbitrary>, #tpu.dimension_semantics<arbitrary>], iteration_bounds = array<i64: 2, 7>, scalar_prefetch = 0 : i64, scratch_operands = 0 : i64, tpu.core_type = #tpu.core_type<tc>, window_params = [{transform_indices = @transform_0, window_bounds = array<i64: 1, 4, 8, 128, 128>}, {transform_indices = @transform_1, window_bounds = array<i64: 1, 8, 128, 128>}, {transform_indices = @transform_2, window_bounds = array<i64: 4>}, {pipeline_mode = #tpu.pipeline_mode<synchronous>, transform_indices = @transform_3, window_bounds = array<i64: 1, 1>}]} {
    %get3A = arith.constant 0 : index
    %get3A_0 = arith.constant 0 : index
    %get3A_1 = arith.constant 0 : index
    %get3A_2 = arith.constant 0 : index
    %get3A_3 = vector.load %arg3[%get3A, %get3A_0, %get3A_1, %get3A_2] : memref<1x8x128x128xi32, #tpu.memory_space<vmem>>, vector<1x8x128x128xi32>
    %broadcast_in_dim3A = arith.constant 0.000000e+00 : f32
    %broadcast_in_dim3A_4 = vector.broadcast %broadcast_in_dim3A : f32 to vector<1x8x128x128xf32>
    %get3A_5 = arith.constant 0 : index
    %get3A_6 = arith.constant 0 : index
    %get3A_7 = arith.constant 0 : index
    %get3A_8 = arith.constant 0 : index
    %get3A_9 = arith.constant 0 : index
    %get3A_10 = vector.load %arg2[%get3A_5, %get3A_6, %get3A_7, %get3A_8, %get3A_9] : memref<1x4x8x128x128xf32, #tpu.memory_space<vmem>>, vector<1x1x8x128x128xf32>
    %get3A_11 = vector.shape_cast %get3A_10 : vector<1x1x8x128x128xf32> to vector<8x128x128xf32>
    %broadcast_in_dim3A_12 = vector.shape_cast %get3A_11 : vector<8x128x128xf32> to vector<1x8x128x128xf32>
    %mul3A = arith.constant 1.44269502 : f32
    %mul3A_13 = vector.broadcast %mul3A : f32 to vector<1x8x128x128xf32>
    %mul3A_14 = arith.mulf %broadcast_in_dim3A_12, %mul3A_13 : vector<1x8x128x128xf32>
    %exp23A = math.exp2 %mul3A_14 : vector<1x8x128x128xf32>
    %add3A = arith.constant 1.000000e+00 : f32
    %add3A_15 = vector.broadcast %add3A : f32 to vector<1x8x128x128xf32>
    %add3A_16 = arith.addf %add3A_15, %exp23A : vector<1x8x128x128xf32>
    %log3A = math.log %add3A_16 : vector<1x8x128x128xf32>
    %log3A_17 = arith.constant 2.000000e+00 : f32
    %log3A_18 = math.log %log3A_17 : f32
    %div3A = vector.broadcast %log3A_18 : f32 to vector<1x8x128x128xf32>
    %div3A_19 = arith.divf %log3A, %div3A : vector<1x8x128x128xf32>
    %eq3A = arith.constant 0 : i32
    %eq3A_20 = vector.broadcast %eq3A : i32 to vector<1x8x128x128xi32>
    %eq3A_21 = arith.cmpi eq, %get3A_3, %eq3A_20 : vector<1x8x128x128xi32>
    %get3A_22 = arith.constant 0 : index
    %get3A_23 = memref.load %arg4[%get3A_22] : memref<4xf32, #tpu.memory_space<smem>>
    %sub3A = arith.subf %div3A_19, %mul3A_14 : vector<1x8x128x128xf32>
    %mul3A_24 = vector.broadcast %get3A_23 : f32 to vector<1x8x128x128xf32>
    %mul3A_25 = arith.mulf %mul3A_24, %sub3A : vector<1x8x128x128xf32>
    %select_n3A = arith.select %eq3A_21, %mul3A_25, %div3A_19 : vector<1x8x128x128xi1>, vector<1x8x128x128xf32>
    %add3A_26 = arith.addf %broadcast_in_dim3A_4, %select_n3A : vector<1x8x128x128xf32>
    %get3A_27 = arith.constant 0 : index
    %get3A_28 = arith.constant 1 : index
    %get3A_29 = arith.constant 0 : index
    %get3A_30 = arith.constant 0 : index
    %get3A_31 = arith.constant 0 : index
    %get3A_32 = vector.load %arg2[%get3A_27, %get3A_28, %get3A_29, %get3A_30, %get3A_31] : memref<1x4x8x128x128xf32, #tpu.memory_space<vmem>>, vector<1x1x8x128x128xf32>
    %get3A_33 = vector.shape_cast %get3A_32 : vector<1x1x8x128x128xf32> to vector<8x128x128xf32>
    %broadcast_in_dim3A_34 = vector.shape_cast %get3A_33 : vector<8x128x128xf32> to vector<1x8x128x128xf32>
    %mul3A_35 = arith.constant 1.44269502 : f32
    %mul3A_36 = vector.broadcast %mul3A_35 : f32 to vector<1x8x128x128xf32>
    %mul3A_37 = arith.mulf %broadcast_in_dim3A_34, %mul3A_36 : vector<1x8x128x128xf32>
    %exp23A_38 = math.exp2 %mul3A_37 : vector<1x8x128x128xf32>
    %add3A_39 = arith.constant 1.000000e+00 : f32
    %add3A_40 = vector.broadcast %add3A_39 : f32 to vector<1x8x128x128xf32>
    %add3A_41 = arith.addf %add3A_40, %exp23A_38 : vector<1x8x128x128xf32>
    %log3A_42 = math.log %add3A_41 : vector<1x8x128x128xf32>
    %log3A_43 = arith.constant 2.000000e+00 : f32
    %log3A_44 = math.log %log3A_43 : f32
    %div3A_45 = vector.broadcast %log3A_44 : f32 to vector<1x8x128x128xf32>
    %div3A_46 = arith.divf %log3A_42, %div3A_45 : vector<1x8x128x128xf32>
    %eq3A_47 = arith.constant 1 : i32
    %eq3A_48 = vector.broadcast %eq3A_47 : i32 to vector<1x8x128x128xi32>
    %eq3A_49 = arith.cmpi eq, %get3A_3, %eq3A_48 : vector<1x8x128x128xi32>
    %get3A_50 = arith.constant 1 : index
    %get3A_51 = memref.load %arg4[%get3A_50] : memref<4xf32, #tpu.memory_space<smem>>
    %sub3A_52 = arith.subf %div3A_46, %mul3A_37 : vector<1x8x128x128xf32>
    %mul3A_53 = vector.broadcast %get3A_51 : f32 to vector<1x8x128x128xf32>
    %mul3A_54 = arith.mulf %mul3A_53, %sub3A_52 : vector<1x8x128x128xf32>
    %select_n3A_55 = arith.select %eq3A_49, %mul3A_54, %div3A_46 : vector<1x8x128x128xi1>, vector<1x8x128x128xf32>
    %add3A_56 = arith.addf %add3A_26, %select_n3A_55 : vector<1x8x128x128xf32>
    %get3A_57 = arith.constant 0 : index
    %get3A_58 = arith.constant 2 : index
    %get3A_59 = arith.constant 0 : index
    %get3A_60 = arith.constant 0 : index
    %get3A_61 = arith.constant 0 : index
    %get3A_62 = vector.load %arg2[%get3A_57, %get3A_58, %get3A_59, %get3A_60, %get3A_61] : memref<1x4x8x128x128xf32, #tpu.memory_space<vmem>>, vector<1x1x8x128x128xf32>
    %get3A_63 = vector.shape_cast %get3A_62 : vector<1x1x8x128x128xf32> to vector<8x128x128xf32>
    %broadcast_in_dim3A_64 = vector.shape_cast %get3A_63 : vector<8x128x128xf32> to vector<1x8x128x128xf32>
    %mul3A_65 = arith.constant 1.44269502 : f32
    %mul3A_66 = vector.broadcast %mul3A_65 : f32 to vector<1x8x128x128xf32>
    %mul3A_67 = arith.mulf %broadcast_in_dim3A_64, %mul3A_66 : vector<1x8x128x128xf32>
    %exp23A_68 = math.exp2 %mul3A_67 : vector<1x8x128x128xf32>
    %add3A_69 = arith.constant 1.000000e+00 : f32
    %add3A_70 = vector.broadcast %add3A_69 : f32 to vector<1x8x128x128xf32>
    %add3A_71 = arith.addf %add3A_70, %exp23A_68 : vector<1x8x128x128xf32>
    %log3A_72 = math.log %add3A_71 : vector<1x8x128x128xf32>
    %log3A_73 = arith.constant 2.000000e+00 : f32
    %log3A_74 = math.log %log3A_73 : f32
    %div3A_75 = vector.broadcast %log3A_74 : f32 to vector<1x8x128x128xf32>
    %div3A_76 = arith.divf %log3A_72, %div3A_75 : vector<1x8x128x128xf32>
    %eq3A_77 = arith.constant 2 : i32
    %eq3A_78 = vector.broadcast %eq3A_77 : i32 to vector<1x8x128x128xi32>
    %eq3A_79 = arith.cmpi eq, %get3A_3, %eq3A_78 : vector<1x8x128x128xi32>
    %get3A_80 = arith.constant 2 : index
    %get3A_81 = memref.load %arg4[%get3A_80] : memref<4xf32, #tpu.memory_space<smem>>
    %sub3A_82 = arith.subf %div3A_76, %mul3A_67 : vector<1x8x128x128xf32>
    %mul3A_83 = vector.broadcast %get3A_81 : f32 to vector<1x8x128x128xf32>
    %mul3A_84 = arith.mulf %mul3A_83, %sub3A_82 : vector<1x8x128x128xf32>
    %select_n3A_85 = arith.select %eq3A_79, %mul3A_84, %div3A_76 : vector<1x8x128x128xi1>, vector<1x8x128x128xf32>
    %add3A_86 = arith.addf %add3A_56, %select_n3A_85 : vector<1x8x128x128xf32>
    %get3A_87 = arith.constant 0 : index
    %get3A_88 = arith.constant 3 : index
    %get3A_89 = arith.constant 0 : index
    %get3A_90 = arith.constant 0 : index
    %get3A_91 = arith.constant 0 : index
    %get3A_92 = vector.load %arg2[%get3A_87, %get3A_88, %get3A_89, %get3A_90, %get3A_91] : memref<1x4x8x128x128xf32, #tpu.memory_space<vmem>>, vector<1x1x8x128x128xf32>
    %get3A_93 = vector.shape_cast %get3A_92 : vector<1x1x8x128x128xf32> to vector<8x128x128xf32>
    %broadcast_in_dim3A_94 = vector.shape_cast %get3A_93 : vector<8x128x128xf32> to vector<1x8x128x128xf32>
    %mul3A_95 = arith.constant 1.44269502 : f32
    %mul3A_96 = vector.broadcast %mul3A_95 : f32 to vector<1x8x128x128xf32>
    %mul3A_97 = arith.mulf %broadcast_in_dim3A_94, %mul3A_96 : vector<1x8x128x128xf32>
    %exp23A_98 = math.exp2 %mul3A_97 : vector<1x8x128x128xf32>
    %add3A_99 = arith.constant 1.000000e+00 : f32
    %add3A_100 = vector.broadcast %add3A_99 : f32 to vector<1x8x128x128xf32>
    %add3A_101 = arith.addf %add3A_100, %exp23A_98 : vector<1x8x128x128xf32>
    %log3A_102 = math.log %add3A_101 : vector<1x8x128x128xf32>
    %log3A_103 = arith.constant 2.000000e+00 : f32
    %log3A_104 = math.log %log3A_103 : f32
    %div3A_105 = vector.broadcast %log3A_104 : f32 to vector<1x8x128x128xf32>
    %div3A_106 = arith.divf %log3A_102, %div3A_105 : vector<1x8x128x128xf32>
    %eq3A_107 = arith.constant 3 : i32
    %eq3A_108 = vector.broadcast %eq3A_107 : i32 to vector<1x8x128x128xi32>
    %eq3A_109 = arith.cmpi eq, %get3A_3, %eq3A_108 : vector<1x8x128x128xi32>
    %get3A_110 = arith.constant 3 : index
    %get3A_111 = memref.load %arg4[%get3A_110] : memref<4xf32, #tpu.memory_space<smem>>
    %sub3A_112 = arith.subf %div3A_106, %mul3A_97 : vector<1x8x128x128xf32>
    %mul3A_113 = vector.broadcast %get3A_111 : f32 to vector<1x8x128x128xf32>
    %mul3A_114 = arith.mulf %mul3A_113, %sub3A_112 : vector<1x8x128x128xf32>
    %select_n3A_115 = arith.select %eq3A_109, %mul3A_114, %div3A_106 : vector<1x8x128x128xi1>, vector<1x8x128x128xf32>
    %add3A_116 = arith.addf %add3A_86, %select_n3A_115 : vector<1x8x128x128xf32>
    %reduce_sum3A = vector.shape_cast %add3A_116 : vector<1x8x128x128xf32> to vector<1x1x8x128x128xf32>
    %reduce_sum3A_117 = arith.constant dense<0.000000e+00> : vector<1xf32>
    %reduce_sum3A_118 = vector.multi_reduction <add>, %reduce_sum3A, %reduce_sum3A_117 [1, 2, 3, 4] : vector<1x1x8x128x128xf32> to vector<1xf32>
    %reduce_sum3A_119 = vector.shape_cast %reduce_sum3A_118 : vector<1xf32> to vector<1x1x1x1x1xf32>
    %reduce_sum3A_120 = vector.extract %reduce_sum3A_119[0, 0, 0, 0, 0] : f32 from vector<1x1x1x1x1xf32>
    %mul3A_121 = arith.constant 8.26295832E-8 : f32
    %mul3A_122 = arith.mulf %reduce_sum3A_120, %mul3A_121 : f32
    %eq3A_123 = arith.constant 0 : i32
    %eq3A_124 = arith.cmpi eq, %arg0, %eq3A_123 : i32
    %eq3A_125 = arith.constant 0 : i32
    %eq3A_126 = arith.cmpi eq, %arg1, %eq3A_125 : i32
    %and3A = arith.andi %eq3A_124, %eq3A_126 : i1
    %convert_element_type3A = arith.extui %and3A : i1 to i32
    %cond3A = arith.constant 0 : i32
    %cond3A_127 = arith.cmpi ne, %convert_element_type3A, %cond3A : i32
    scf.if %cond3A_127 {
      %broadcast_in_dim3A_135 = arith.constant 0.000000e+00 : f32
      %broadcast_in_dim3A_136 = vector.broadcast %broadcast_in_dim3A_135 : f32 to vector<1x1xf32>
      %swap3A_137 = arith.constant 0 : index
      %swap3A_138 = arith.constant 0 : index
      %swap3A_139 = vector.load %arg5[%swap3A_137, %swap3A_138] : memref<1x1xf32, #tpu.memory_space<vmem>>, vector<1x1xf32>
      tpu.vector_store %arg5[%swap3A_137, %swap3A_138], %broadcast_in_dim3A_136 {strides = array<i32>} : memref<1x1xf32, #tpu.memory_space<vmem>>, vector<1x1xf32>,
    } else {
    }
    %get3A_128 = arith.constant 0 : index
    %get3A_129 = arith.constant 0 : index
    %get3A_130 = vector.load %arg5[%get3A_128, %get3A_129] : memref<1x1xf32, #tpu.memory_space<vmem>>, vector<1x1xf32>
    %add3A_131 = vector.broadcast %mul3A_122 : f32 to vector<1x1xf32>
    %add3A_132 = arith.addf %get3A_130, %add3A_131 : vector<1x1xf32>
    %swap3A = arith.constant 0 : index
    %swap3A_133 = arith.constant 0 : index
    %swap3A_134 = vector.load %arg5[%swap3A, %swap3A_133] : memref<1x1xf32, #tpu.memory_space<vmem>>, vector<1x1xf32>
    tpu.vector_store %arg5[%swap3A, %swap3A_133], %add3A_132 {strides = array<i32>} : memref<1x1xf32, #tpu.memory_space<vmem>>, vector<1x1xf32>,
    return
  }
  func.func @transform_0(%arg0: i32, %arg1: i32) -> (i32, i32, i32, i32, i32) {
    %add3A = arith.constant 0 : i32
    %add3A_0 = arith.addi %arg1, %add3A : i32
    %c0_i32 = arith.constant 0 : i32
    %c0_i32_1 = arith.constant 0 : i32
    %c0_i32_2 = arith.constant 0 : i32
    %c0_i32_3 = arith.constant 0 : i32
    return %arg0, %c0_i32, %add3A_0, %c0_i32_1, %c0_i32_2 : i32, i32, i32, i32, i32
  }
  func.func @transform_1(%arg0: i32, %arg1: i32) -> (i32, i32, i32, i32) {
    %add3A = arith.constant 0 : i32
    %add3A_0 = arith.addi %arg1, %add3A : i32
    %c0_i32 = arith.constant 0 : i32
    %c0_i32_1 = arith.constant 0 : i32
    %c0_i32_2 = arith.constant 0 : i32
    return %arg0, %add3A_0, %c0_i32, %c0_i32_1 : i32, i32, i32, i32
  }
  func.func @transform_2(%arg0: i32, %arg1: i32) -> i32 {
    %c0_i32 = arith.constant 0 : i32
    %c0_i32_0 = arith.constant 0 : i32
    return %c0_i32 : i32
  }
  func.func @transform_3(%arg0: i32, %arg1: i32) -> (i32, i32) {
    %c0_i32 = arith.constant 0 : i32
    %c0_i32_0 = arith.constant 0 : i32
    %c0_i32_1 = arith.constant 0 : i32
    return %c0_i32, %c0_i32_0 : i32, i32
  }
}

</mosaic_0001>

<sc_bundles>
// kernel: kernel.4.cloned.1.call-start
scs
__scs_entry_jumppad:
0x0: {  	(pc) =	sbr.rel $0x88, $3  }
0x1: {  	(tag) =	ssettag $0x0;
	lr =	simm.s32 $0x1  }
0x2: {  	[smem:$0x3F9E] =	sst lr;
	_ =	strace $0xD0000000  }
0x3: {  	_ = 	snop  }
0x4: {  	_ = 	snop  }
0x5: {  	_ = 	snop  }
0x6: {  	_ = 	snop  }
0x7: {  	_ = 	snop  }
__scs_overlays_trampoline_lowered:
0x8: {  	[smem:$0x3FAD] =	sst s0  }
0x9: {  	[smem:$0x3FAE] =	sst s1  }
0xa: {  	[smem:$0x3FAF] =	sst s2  }
0xb: {  	[smem:$0x3FB0] =	sst s3  }
0xc: {  	[smem:$0x3FB1] =	sst s4  }
0xd: {  	[smem:$0x3FB2] =	sst s5  }
0xe: {  	[smem:$0x3FB3] =	sst s6  }
0xf: {  	[smem:$0x3FB4] =	sst s7  }
0x10: {  	[smem:$0x3FB5] =	sst s8  }
0x11: {  	[smem:$0x3FB6] =	sst s9;
	s0 =	simm.s32 @!p0 $0x0  }
0x12: {  	s1 =	sld [smem:$0x3F9C];
	s0 =	simm.s32 @p0 $0x1  }
0x13: {  	[smem:$0x3FB7] =	sst s0;
	s0 =	simm.s32 @!p1 $0x0  }
0x14: {  	s2 =	sld [smem:$0x3F9B];
	s0 =	simm.s32 @p1 $0x1  }
0x15: {  	[smem:$0x3FB8] =	sst s0;
	s0 =	simm.s32 @!p2 $0x0  }
0x16: {  	s3 =	sld [smem:$0x3FDB];
	s0 =	simm.s32 @p2 $0x1  }
0x17: {  	s4 =	simm.s32 $0x1BF5;
	[smem:$0x3FBA] =	sst s0  }
0x18: {  	s0 =	sld [smem:$0x3F9D];
	_ =	swait.ge [sflag:s4], $0x0  }
0x19: {  	s7 =	sld [smem:$0x3F9E]  }
0x1a: {  	s8 =	sadd.s32 $0xFFFFE003, lr  }
0x1b: {  	s9 =	sadd.s32 $0xFFFFFEF7, lr;
	s5 =	simm.s32 $0xFFFFFFFF;
	p2 =	slt.u32 s8, $0xFFFFF086  }
0x1c: {  	p1 =	slt.u32 s9, $0xF7A;
	s5 =	simm.s32 @!p2 $0x0  }
0x1d: {  	s5 =	simm.s32 @p1 $0x1;
	p0 =	seq.s32 s7, s2  }
0x1e: {  	s7 =	smul.u32 @!p0 $0xF7A, s2;
	p2 =	seq.s32 @!p0 s5, $0x0  }
0x1f: {  	s9 =	smul.u32 $0xF7A, s1;
	s8 =	simm.s32 @!p0 $0x1BF5;
	p2 =	por !p2, p0  }
0x20: {  	[sflag:s8] =	ssyncset.s32 @!p0 $0xFFFFF086;
	s6 =	sadd.s32 @!p0 s3, s7;
	s7 =	simm.s32 @!p0 $0x108  }
0x21: {  	s3 =	sadd.s32 s3, s9;
	s6 =	sadd.s32 @!p0 $0x88, s6;
	s7 =	simm.s32 @p2 $0x1082  }
0x22: {  	[simem:s7], [sflag:s8] =	dma.local @!p0 [hbm:s6], $0xF7A  }
0x23: {  	s9 =	sor.u32 $0xD0000000, s2;
	s6 =	simm.s32 $0x108;
	_ =	swait.ge @!p0 [sflag:s8], $0x0  }
0x24: {  	s3 =	sadd.s32 $0x88, s3;
	s6 =	simm.s32 @!p1 $0x1082;
	[sflag:s4] =	ssyncset.s32 $0xFFFFF086  }
0x25: {  	[simem:s6], [sflag:s4] =	dma.local [hbm:s3], $0xF7A  }
0x26: {  	[smem:$0x3F9E] =	sst s1;
	(tag) =	ssettag s2;
	_ =	strace s9  }
0x27: {  	s1 =	sld [smem:$0x3FAE]  }
0x28: {  	s2 =	sld [smem:$0x3FAF]  }
0x29: {  	s4 =	sld [smem:$0x3FB1]  }
0x2a: {  	p0 =	seq.s32 s5, $0x0;
	s5 =	sld [smem:$0x3FB2]  }
0x2b: {  	s6 =	sld [smem:$0x3FB3]  }
0x2c: {  	s7 =	sld [smem:$0x3FB4]  }
0x2d: {  	s3 =	simm.s32 $0x108;
	s8 =	sld [smem:$0x3FB5]  }
0x2e: {  	s3 =	simm.s32 @!p0 $0x1082;
	s9 =	sld [smem:$0x3FB6]  }
0x2f: {  	lr =	sadd.s32 s0, s3;
	s0 =	sld [smem:$0x3FAD]  }
0x30: {  	s3 =	sld [smem:$0x3FB0]  }
0x31: {  	[smem:$0x3FB9] =	sst s10  }
0x32: {  	s10 =	sld [smem:$0x3FB7];
	_ =	sdelay $0x3  }
0x33: {  	p0 =	seq.s32 s10, $0x1;
	s10 =	sld [smem:$0x3FB9];
	_ =	sdelay $0x3  }
0x34: {  	[smem:$0x3FB9] =	sst s10  }
0x35: {  	s10 =	sld [smem:$0x3FB8];
	_ =	sdelay $0x3  }
0x36: {  	p1 =	seq.s32 s10, $0x1;
	s10 =	sld [smem:$0x3FB9];
	_ =	sdelay $0x3  }
0x37: {  	[smem:$0x3FB9] =	sst s10  }
0x38: {  	s10 =	sld [smem:$0x3FBA]  }
0x39: {  	_ = 	snop;
	(pc) =	sbr.ind lr, $3  }
0x3a: {  	_ = 	snop  }
0x3b: {  	_ = 	snop  }
0x3c: {  	p2 =	seq.s32 s10, $0x1;
	s10 =	sld [smem:$0x3FB9]  }
0x3d: {  	_ =	shalt  }
0x3e: {  	_ =	shalt  }
0x3f: {  	_ =	shalt  }
0x40: {  	_ =	shalt  }
0x41: {  	_ =	shalt  }
0x42: {  	_ =	shalt  }
0x43: {  	_ =	shalt  }
0x44: {  	_ =	shalt  }
0x45: {  	_ =	shalt  }
0x46: {  	_ =	shalt  }
0x47: {  	_ =	shalt  }
0x48: {  	_ =	shalt  }
0x49: {  	_ =	shalt  }
0x4a: {  	_ =	shalt  }
0x4b: {  	_ =	shalt  }
0x4c: {  	_ =	shalt  }
0x4d: {  	_ =	shalt  }
0x4e: {  	_ =	shalt  }
0x4f: {  	_ =	shalt  }
0x50: {  	_ =	shalt  }
0x51: {  	_ =	shalt  }
0x52: {  	_ =	shalt  }
0x53: {  	_ =	shalt  }
0x54: {  	_ =	shalt  }
0x55: {  	_ =	shalt  }
0x56: {  	_ =	shalt  }
0x57: {  	_ =	shalt  }
0x58: {  	_ =	shalt  }
0x59: {  	_ =	shalt  }
0x5a: {  	_ =	shalt  }
0x5b: {  	_ =	shalt  }
0x5c: {  	_ =	shalt  }
0x5d: {  	_ =	shalt  }
0x5e: {  	_ =	shalt  }
0x5f: {  	_ =	shalt  }
0x60: {  	_ =	shalt  }
0x61: {  	_ =	shalt  }
0x62: {  	_ =	shalt  }
0x63: {  	_ =	shalt  }
0x64: {  	_ =	shalt  }
0x65: {  	_ =	shalt  }
0x66: {  	_ =	shalt  }
0x67: {  	_ =	shalt  }
0x68: {  	_ =	shalt  }
0x69: {  	_ =	shalt  }
0x6a: {  	_ =	shalt  }
0x6b: {  	_ =	shalt  }
0x6c: {  	_ =	shalt  }
0x6d: {  	_ =	shalt  }
0x6e: {  	_ =	shalt  }
0x6f: {  	_ =	shalt  }
0x70: {  	_ =	shalt  }
0x71: {  	_ =	shalt  }
0x72: {  	_ =	shalt  }
0x73: {  	_ =	shalt  }
0x74: {  	_ =	shalt  }
0x75: {  	_ =	shalt  }
0x76: {  	_ =	shalt  }
0x77: {  	_ =	shalt  }
0x78: {  	_ =	shalt  }
0x79: {  	_ =	shalt  }
0x7a: {  	_ =	shalt  }
0x7b: {  	_ =	shalt  }
0x7c: {  	_ =	shalt  }
0x7d: {  	_ =	shalt  }
0x7e: {  	_ =	shalt  }
0x7f: {  	_ =	shalt  }
0x80: {  	_ =	shalt  }
0x81: {  	_ =	shalt  }
0x82: {  	_ =	shalt  }
0x83: {  	_ =	shalt  }
0x84: {  	_ =	shalt  }
0x85: {  	_ =	shalt  }
0x86: {  	_ =	shalt  }
0x87: {  	_ =	shalt  }
.Lfunc_end0:
.L_simem_size_0:
called_computation_lowered:
.L_overlay_start_0:
0x88: {  	s2 =	sld [smem:$0x3FD9]  }
0x89: {  	s3 =	sld [smem:$0x3FFE];
	_ =	sdelay $0x1  }
0x8a: {  	s1 =	srdreg.scid  }
0x8b: {  	s0 =	sand.u32 $0x1, s1  }
0x8c: {  	s17 =	sshll.u32 s0, $0xA;
	s2 =	sadd.s32 s3, s2  }
0x8d: {  	s2 =	sadd.s32 s2, s17  }
0x8e: {  	[smem:$0x3FC5] =	sst s2  }
0x8f: {  	_ = 	snop  }
0x90: {  	s2 =	sld [smem:$0x3FC9]  }
0x91: {  	s18 =	sld [smem:$0x3FC8];
	(tm) =	ssettm $0x1  }
0x92: {  	s4 =	sld [smem:$0x3FFB];
	_ =	sdelay $0x3  }
0x93: {  	_ =	strace s4  }
0x94: {  	s4 =	sld [smem:$0x3FFC];
	_ =	sdelay $0x3  }
0x95: {  	_ =	strace s4  }
0x96: {  	s4 =	sld [smem:$0x3FFD];
	_ =	sdelay $0x3  }
0x97: {  	_ =	strace s4  }
0x98: {  	_ =	strace $0x8FFFFFFF  }
0x99: {  	s19 =	sld [smem:$0x3FDB];
	_ =	sdelay $0x1  }
0x9a: {  	s5 =	simm.s32 $_scs_section_size  }
0x9b: {  	s6 =	simm.s32 $_size__tile_overlayer_lowered;
	s7 =	simm.s32 $_tile_overlayer_lowered  }
0x9c: {  	s22 =	simm.s32 $0x1BFF;
	s21 =	sshll.u32 s7, $0x1;
	s4 =	sadd.s32 s5, s19  }
0x9d: {  	s8 =	simm.s32 $0x0;
	s20 =	sshll.u32 s6, $0x1;
	s6 =	sadd.s32 s21, s4  }
0x9e: {  	[timem:s8], [sflag:s22] =	dma.local [hbm:s6], s20  }
0x9f: {  	_ =	swait.ge [sflag:s22], s20  }
0xa0: {  	s5 =	ssub.s32 $0x0, s20;
	[sflag:s22] =	ssyncset.done $0x0  }
0xa1: {  	[sflag:s22] =	ssyncadd.s32 s5;
	_ =	sdelay $0x1  }
0xa2: {  	s23 =	simm.s32 $0x1B8B  }
0xa3: {  	_ =	swait.ge [sflag:s23], $0x1  }
0xa4: {  	[sflag:s23] =	ssyncset.done $0x0  }
0xa5: {  	s25 =	simm.s32 $0x1B8E;
	s24 =	sld [smem:$0x3FFE];
	[sflag:s23] =	ssyncadd.s32 $0xFFFFFFFF  }
0xa6: {  	s26 =	simm.s32 $execute0_lowered;
	[smem:$0x3FD2] =	sst s25  }
0xa7: {  	s6 =	sshll.u32 s26, $0x1;
	_ =	strace $0x80000046;
	[dreg:$0x1] =	wrdreg $0xFFFFFFFF  }
0xa8: {  	s28 =	simm.s32 $_size_execute0_lowered;
	s4 =	sadd.s32 s4, s6;
	[dreg:$0x0] =	wrdreg $0x0  }
0xa9: {  	s6 =	sshll.u32 s28, $0x1;
	[dreg:$0x2] =	wrdreg s4  }
0xaa: {  	[dreg:$0x3] =	wrdreg s6  }
0xab: {  	[dreg:$0x4] =	wrdreg $0xC0  }
0xac: {  	_ =	task [dreg:s8], $0x5FFFF  }
0xad: {  	[dreg:$0x1] =	wrdreg $0xFFFFFFFF  }
0xae: {  	[dreg:$0x0] =	wrdreg $0x60  }
0xaf: {  	[dreg:$0x2] =	wrdreg s2  }
0xb0: {  	[dreg:$0x3] =	wrdreg s18  }
0xb1: {  	[dreg:$0x4] =	wrdreg s24  }
0xb2: {  	[dreg:$0x5] =	wrdreg $0x9  }
0xb3: {  	_ =	task.clear_ibuf [dreg:s8], $0x6FFFF;
	_ =	strace $0x90000046  }
0xb4: {  	s29 =	simm.s32 $0x9;
	_ =	strace $0x80000048  }
0xb5: {  	_ =	swait.ge [sflag:s29], $0x1  }
0xb6: {  	[sflag:s29] =	ssyncadd.s32 $0xFFFFFFFF  }
0xb7: {  	_ =	strace $0x90000048  }
0xb8: {  	_ =	sfence  }
0xb9: {  	s30 =	sld [smem:$0x0];
	_ =	sdelay $0x2  }
0xba: {  	s31 =	sshll.u32 s1, $0xD;
	s1 =	sshrl.u32 s1, $0x2  }
0xbb: {  	s3 =	sand.u32 $0x4000, s31;
	s1 =	sadd.s32 s1, s30  }
0xbc: {  	s0 =	sor.u32 s3, s0;
	s1 =	sshll.u32 s1, $0x11  }
0xbd: {  	s0 =	sor.u32 s1, s0  }
0xbe: {  	s0 =	sadd.s32 $0x8F2B, s0  }
0xbf: {  	[sflag:s0] =	ssyncadd.remote.s32 $0x1  }
0xc0: {  	_ =	sfence.sel $0xFFFF  }
0xc1: {  	[dreg:$0x0] =	wrdreg $0xFFFFFFFF;
	(pc) =	sbr.abs _section_cstart, $3  }
0xc2: {  	[dreg:$0x1] =	wrdreg $0xFFFFFFFF  }
0xc3: {  	_ =	task.clear_ibuf [dreg:s8], $0x2FFFF;
	_ =	strace $0x9FFFFFFF  }
0xc4: {  	(tm) =	ssettm $0x7FFFFFFF  }
0xc5: {  	_ =	shalt  }
tec
execute0_lowered:
.L_overlay_start_1:
0x0: {  	(tag) =	ssettag $0x1  }
0x1: {  	s7 =	rddreg [dreg:$0x0]  }
0x2: {  	s5 =	rddreg [dreg:$0x1]  }
0x3: {  	s0 =	srdreg.scid;
	s8 =	rddreg [dreg:$0x2];
	s14 =	simm.s32 $0x3  }
0x4: {  	s17 =	simm.s32 $0x0;
	s4 =	sand.u32 $0x1, s0;
	s0 =	stileid.u32  }
0x5: {  	s1 =	sshll.u32 s4, $0x4;
	s22 =	sand.u32 $0x1, s0;
	s12 =	sshll.u32 s0, $0x4  }
0x6: {  	s4 =	ssub.s32 $0x2, s4;
	s13 =	sshll.u32 s0, $0x1;
	s6 =	sor.u32 s0, s1  }
0x7: {  	p1 =	seq.s32 s22, $0x1;
	s1 =	simm.s32 $0x1;
	s24 =	sand.u32 $0x70, s12  }
0x8: {  	s26 =	sshrl.u32 s4, $0x1;
	s15 =	sand.u32 $0x2, s13;
	p0 =	seq.s32 s6, $0x0  }
0x9: {  	s2 =	sshrl.u32 s6, $0x1;
	s13 =	sshll.u32 s15, $0x14;
	p0 =	por !p0, !p1  }
0xa: {  	s16 =	sor.u32 $0x1, s15;
	s6 =	sshll.u32 s6, $0x4;
	p0 =	por !p0, !p0  }
0xb: {  	s30 =	sshll.u32 s16, $0x14;
	s31 =	sand.u32 $0x180, s6;
	s1 =	simm.s32 @!p0 $0x0  }
0xc: {  	v1 =	vmov s16;
	s16 =	simm.s32 $0xC080;
	s9 =	ssub.s32 s2, s1;
	s1 =	rddreg [dreg:$0x3]  }
0xd: {  	s2 =	simm.s32 $0x0;
	s3 =	sand.u32 $0x7, s9;
	s10 =	sshrl.u32 s9, $0xC  }
0xe: {  	p5 =	slt.s32 s9, $0x1;
	[smem:$0x7FF] =	sst s2;
	p6 =	sne.s32 s3, $0x0  }
0xf: {  	s23 =	sand.u32 $0x7, s10;
	s10 =	simm.s32 $0x1;
	p0 =	por !p5, !p6  }
0x10: {  	_ =	strace $0x80000047;
	s3 =	sadd.s32 s23, s9;
	p0 =	por !p0, !p0  }
0x11: {  	s9 =	sshll.u32 s9, $0xE;
	s11 =	sshra.s32 s3, $0x3;
	s10 =	simm.s32 @!p0 $0x0  }
0x12: {  	s3 =	sadd.s32 $0x400, s8;
	s8 =	sadd.s32 s24, s8;
	s10 =	ssub.s32 s11, s10  }
0x13: {  	s8 =	sadd.s32 s31, s8;
	p0 =	seq.s32 s15, $0x0;
	s25 =	sshll.u32 s10, $0x11  }
0x14: {  	v0 =	vmov s15;
	s15 =	simm.s32 $0x2;
	s11 =	ssub.s32 s4, s26;
	s9 =	ssub.s32 s9, s25  }
0x15: {  	s4 =	simm.s32 $0x1;
	s28 =	sshll.u32 s10, $0x14;
	s9 =	sadd.s32 $0xE0000, s9  }
0x16: {  	s8 =	sadd.s32 $0x600, s8;
	s10 =	sshll.u32 s10, $0x16;
	s12 =	sadd.s32 s28, s9  }
0x17: {  	s29 =	sor.u32 s13, s10;
	s10 =	sor.u32 s30, s10;
	s12 =	sshrl.u32 s12, $0x3  }
0x18: {  	s5 =	sadd.s32 s5, s12;
	s12 =	sadd.s32 s9, s29;
	s9 =	sadd.s32 s9, s10  }
0x19: {  	s13 =	simm.s32 $0x4000;
	s12 =	sshrl.u32 s12, $0x3;
	s9 =	sshrl.u32 s9, $0x3  }
0x1a: {  	s10 =	simm.s32 $0xC000;
	s6 =	sadd.s32 s7, s12;
	s7 =	sadd.s32 s7, s9  }
0x1b: {  	[tilespmem:$0x1FFF0] =	vst v1;
	s9 =	smax.u32 s11, $0x1;
	s11 =	simm.s32 $0x4;
	s12 =	simm.s32 $0x8000  }
.LBB2_1:
0x1c: {  	[tilespmem:s10], [sflag:$0x4] =	stream.linear.gather [hbm4b:s3+s2], $0x80, $0x38;
	[tilespmem:$0xC100] =	vst v63  }
0x1d: {  	_ =	swait.ge [sflag:s11], $0x80  }
0x1e: {  	[sflag:s11] =	ssyncset.done $0x0  }
0x1f: {  	[sflag:s11] =	ssyncadd.s32 $0xFFFFFF80  }
0x20: {  	v1 =	vld [tilespmem:$0xC000];
	[tilespmem:s12], [sflag:$0x3] =	stream.linear.gather [hbm4b:s5+s2], $0x4000, $0x38  }
0x21: {  	_ = 	snop  }
0x22: {  	[tilespmem:s2], [sflag:$0x1] =	stream.linear.gather [hbm4b:s6+s2], $0x4000, $0x38;
	[tilespmem:$0xC100] =	vst v63  }
0x23: {  	_ = 	snop  }
0x24: {  	[tilespmem:s13], [sflag:$0x2] =	stream.linear.gather [hbm4b:s7+s2], $0x4000, $0x38;
	[tilespmem:$0xC100] =	vst v63  }
0x25: {  	_ =	swait.ge [sflag:s4], $0x4000  }
0x26: {  	[sflag:s4] =	ssyncset.done $0x0  }
0x27: {  	[sflag:s4] =	ssyncadd.s32 $0xFFFFC000  }
0x28: {  	_ =	swait.ge [sflag:s14], $0x4000  }
0x29: {  	[sflag:s14] =	ssyncset.done $0x0  }
0x2a: {  	s18 =	simm.s32 $0x80;
	[sflag:s14] =	ssyncadd.s32 $0xFFFFC000  }
0x2b: {  	v2 =	vld [tilespmem:s18+$0x70]  }
0x2c: {  	v44 =	vld [tilespmem:s18+$0x60]  }
0x2d: {  	v46 =	vld [tilespmem:s18+$0x50]  }
0x2e: {  	v10 =	vld [tilespmem:s18+$0x40]  }
0x2f: {  	v9 =	vld [tilespmem:s18+$0x30]  }
0x30: {  	v3 =	vld [tilespmem:s18+$0x20]  }
0x31: {  	v6 =	vld [tilespmem:s18+$0x10]  }
0x32: {  	v7 =	vld [tilespmem:s18+$0x0]  }
0x33: {  	v15 =	vld [tilespmem:s18+$0xFFFFFFF0]  }
0x34: {  	v16 =	vld [tilespmem:s18+$0xFFFFFFE0]  }
0x35: {  	v11 =	vld [tilespmem:s18+$0xFFFFFFD0]  }
0x36: {  	v13 =	vld [tilespmem:s18+$0xFFFFFFC0]  }
0x37: {  	v62 =	vimm.f32 $0.0e+00;
	(v2sf) =	vpush v1, $0x2;
	v17 =	vld [tilespmem:s18+$0xFFFFFFA0];
	v12 =	vand.u32 $0x7FFFFFFF, v44  }
0x38: {  	v14 =	vld [tilespmem:s18+$0xFFFFFFB0];
	v18 =	vand.u32 $0x7FFFFFFF, v2;
	v19 =	vand.u32 $0x7FFFFFFF, v10;
	v20 =	vand.u32 $0x7FFFFFFF, v46  }
0x39: {  	v21 =	vand.u32 $0x7FFFFFFF, v6;
	v22 =	vand.u32 $0x7FFFFFFF, v3;
	v23 =	vand.u32 $0x7FFFFFFF, v9  }
0x3a: {  	v24 =	vand.u32 $0x7FFFFFFF, v16;
	v25 =	vand.u32 $0x7FFFFFFF, v15;
	v26 =	vand.u32 $0x7FFFFFFF, v7  }
0x3b: {  	v27 =	vand.u32 $0x7FFFFFFF, v13;
	v28 =	vand.u32 $0x7FFFFFFF, v11;
	v18 =	vsub.f32 $0.0e+00, v18  }
0x3c: {  	v29 =	vand.u32 $0x7FFFFFFF, v17;
	v12 =	vsub.f32 $0.0e+00, v12;
	v20 =	vsub.f32 $0.0e+00, v20  }
0x3d: {  	v30 =	vand.u32 $0x7FFFFFFF, v14;
	v19 =	vsub.f32 $0.0e+00, v19;
	v18 =	vmul.f32 $1.442695020e+00, v18  }
0x3e: {  	v23 =	vsub.f32 $0.0e+00, v23;
	v12 =	vmul.f32 $1.442695020e+00, v12;
	v20 =	vmul.f32 $1.442695020e+00, v20  }
0x3f: {  	v19 =	vmul.f32 $1.442695020e+00, v19;
	(erf) = vpow2.f32 v18;
	v18 =	vsub.f32 $0.0e+00, v22  }
0x40: {  	(erf) = vpow2.f32 v12;
	v12 =	vsub.f32 $0.0e+00, v21;
	v21 =	vmul.f32 $1.442695020e+00, v23  }
0x41: {  	(erf) = vpow2.f32 v20;
	v20 =	vsub.f32 $0.0e+00, v26;
	v22 =	vmul.f32 $1.442695020e+00, v18  }
0x42: {  	v18 =	vld [tilespmem:s18+$0xFFFFFF90];
	(erf) = vpow2.f32 v19;
	v19 =	vsub.f32 $0.0e+00, v25;
	v12 =	vmul.f32 $1.442695020e+00, v12  }
0x43: {  	(erf) = vpow2.f32 v21;
	v21 =	vsub.f32 $0.0e+00, v24;
	v20 =	vmul.f32 $1.442695020e+00, v20  }
0x44: {  	(erf) = vpow2.f32 v22;
	v22 =	vsub.f32 $0.0e+00, v28;
	v23 =	vmul.f32 $1.442695020e+00, v19  }
0x45: {  	v19 =	vld [tilespmem:s18+$0xFFFFFF80];
	(erf) = vpow2.f32 v12;
	v12 =	vsub.f32 $0.0e+00, v27;
	v21 =	vmul.f32 $1.442695020e+00, v21  }
0x46: {  	(erf) = vpow2.f32 v20;
	v20 =	vsub.f32 $0.0e+00, v30;
	v22 =	vmul.f32 $1.442695020e+00, v22  }
0x47: {  	v24 =	vand.u32 $0x7FFFFFFF, v18;
	(erf) = vpow2.f32 v23;
	v23 =	vsub.f32 $0.0e+00, v29  }
0x48: {  	v12 =	vmul.f32 $1.442695020e+00, v12;
	v24 =	vsub.f32 $0.0e+00, v24;
	(erf) = vpow2.f32 v21  }
0x49: {  	(v2sf) =	vpush v1, $0x0;
	v20 =	vmul.f32 $1.442695020e+00, v20;
	v21 =	vpop (erf);
	(erf) = vpow2.f32 v22  }
0x4a: {  	v23 =	vmul.f32 $1.442695020e+00, v23;
	v25 =	vand.u32 $0x7FFFFFFF, v19;
	v24 =	vmul.f32 $1.442695020e+00, v24  }
0x4b: {  	v22 =	vpop (erf);
	(erf) = vpow2.f32 v12;
	v25 =	vsub.f32 $0.0e+00, v25;
	v28 =	vmul.f32 $3.010224740e-02, v21  }
0x4c: {  	v56 =	vmax.f32 v14, $0.0e+00;
	v12 =	vpop (erf);
	v26 =	vmul.f32 $3.010224740e-02, v22;
	(erf) = vpow2.f32 v20  }
0x4d: {  	v27 =	vpop (erf);
	v25 =	vmul.f32 $1.442695020e+00, v25;
	v29 =	vmul.f32 $3.010224740e-02, v12;
	v28 =	vadd.f32 $-1.301179230e-01, v28  }
0x4e: {  	(erf) = vpow2.f32 v23;
	v20 =	vmul.f32 $3.010224740e-02, v27;
	v26 =	vadd.f32 $-1.301179230e-01, v26;
	v30 =	vpop (erf)  }
0x4f: {  	(erf) = vpow2.f32 v24;
	v24 =	vadd.f32 $-1.301179230e-01, v29;
	v32 =	vmul.f32 $3.010224740e-02, v30  }
0x50: {  	v20 =	vadd.f32 $-1.301179230e-01, v20;
	v23 =	vmul.f32 v26, v22;
	v26 =	vmul.f32 v28, v21  }
0x51: {  	v60 =	vmax.f32 v17, $0.0e+00;
	v28 =	vpop (erf);
	(erf) = vpow2.f32 v25;
	v24 =	vmul.f32 v24, v12  }
0x52: {  	v32 =	vadd.f32 $-1.301179230e-01, v32;
	v20 =	vmul.f32 v20, v27;
	v23 =	vadd.f32 $2.833023970e-01, v23;
	v29 =	vpop (erf)  }
0x53: {  	v25 =	vmul.f32 $3.010224740e-02, v28;
	v26 =	vadd.f32 $2.833023970e-01, v26;
	v35 =	vmul.f32 $3.010224740e-02, v29  }
0x54: {  	v31 =	vpop (erf);
	v24 =	vadd.f32 $2.833023970e-01, v24;
	v32 =	vmul.f32 v32, v30;
	v23 =	vmul.f32 v23, v22  }
0x55: {  	v20 =	vadd.f32 $2.833023970e-01, v20;
	v33 =	vmul.f32 $3.010224740e-02, v31;
	v26 =	vmul.f32 v26, v21;
	v34 =	vpop (erf)  }
0x56: {  	v25 =	vadd.f32 $-1.301179230e-01, v25;
	v36 =	vmul.f32 $3.010224740e-02, v34;
	v24 =	vmul.f32 v24, v12  }
0x57: {  	v20 =	vmul.f32 v20, v27;
	v23 =	vadd.f32 $-4.891557690e-01, v23;
	v26 =	vadd.f32 $-4.891557690e-01, v26  }
0x58: {  	v35 =	vadd.f32 $-1.301179230e-01, v35;
	v33 =	vadd.f32 $-1.301179230e-01, v33;
	v25 =	vmul.f32 v25, v28  }
0x59: {  	v24 =	vadd.f32 $-4.891557690e-01, v24;
	v20 =	vadd.f32 $-4.891557690e-01, v20;
	v23 =	vmul.f32 v23, v22  }
0x5a: {  	v37 =	vpop (erf);
	v38 =	vmul.f32 v26, v21;
	v25 =	vadd.f32 $2.833023970e-01, v25;
	v33 =	vmul.f32 v33, v31  }
0x5b: {  	v24 =	vmul.f32 v24, v12;
	v26 =	vpop (erf);
	v20 =	vmul.f32 v20, v27;
	v23 =	vadd.f32 $9.990102050e-01, v23  }
0x5c: {  	v38 =	vadd.f32 $9.990102050e-01, v38;
	v25 =	vmul.f32 v25, v28;
	v33 =	vadd.f32 $2.833023970e-01, v33;
	v39 =	vpop (erf)  }
0x5d: {  	v47 =	vmul.f32 v35, v29;
	v24 =	vadd.f32 $9.990102050e-01, v24;
	v40 =	vpop (erf);
	v20 =	vadd.f32 $9.990102050e-01, v20  }
0x5e: {  	v22 =	vmul.f32 v23, v22;
	v23 =	vmul.f32 v38, v21;
	v25 =	vadd.f32 $-4.891557690e-01, v25;
	v41 =	vpop (erf)  }
0x5f: {  	v58 =	vmax.f32 v18, $0.0e+00;
	v33 =	vmul.f32 v33, v31;
	v45 =	vpop (erf);
	v21 =	vmul.f32 v20, v27  }
0x60: {  	v27 =	vadd.f32 $2.833023970e-01, v32;
	v20 =	vmul.f32 v24, v12;
	v25 =	vmul.f32 v25, v28;
	v42 =	vpop (erf)  }
0x61: {  	v24 =	vadd.f32 $-1.301179230e-01, v36;
	v32 =	vadd.f32 $2.833023970e-01, v47;
	v12 =	vmul.f32 $3.010224740e-02, v42  }
0x62: {  	v33 =	vadd.f32 $-4.891557690e-01, v33;
	v27 =	vmul.f32 v27, v30;
	v25 =	vadd.f32 $9.990102050e-01, v25  }
0x63: {  	v24 =	vmul.f32 v24, v34;
	v32 =	vmul.f32 v32, v29;
	v12 =	vadd.f32 $-1.301179230e-01, v12  }
0x64: {  	v33 =	vmul.f32 v33, v31;
	v27 =	vadd.f32 $-4.891557690e-01, v27;
	v25 =	vmul.f32 v25, v28  }
0x65: {  	v24 =	vadd.f32 $2.833023970e-01, v24;
	v28 =	vmul.f32 $3.010224740e-02, v37;
	v12 =	vmul.f32 v12, v42  }
0x66: {  	v38 =	vadd.f32 $2.213278460e-05, v20;
	v32 =	vadd.f32 $-4.891557690e-01, v32;
	v27 =	vmul.f32 v27, v30  }
0x67: {  	v24 =	vmul.f32 v24, v34;
	v28 =	vadd.f32 $-1.301179230e-01, v28;
	v12 =	vadd.f32 $2.833023970e-01, v12  }
0x68: {  	v33 =	vadd.f32 $9.990102050e-01, v33;
	v32 =	vmul.f32 v32, v29;
	v27 =	vadd.f32 $9.990102050e-01, v27  }
0x69: {  	v48 =	vadd.f32 $-4.891557690e-01, v24;
	v49 =	vmul.f32 v28, v37;
	v12 =	vmul.f32 v12, v42  }
0x6a: {  	v32 =	vadd.f32 $9.990102050e-01, v32;
	v24 =	vmul.f32 v27, v30;
	v30 =	vmul.f32 $3.010224740e-02, v45  }
0x6b: {  	v25 =	vadd.f32 $2.213278460e-05, v25;
	v35 =	vmul.f32 v48, v34;
	v27 =	vmul.f32 v33, v31  }
0x6c: {  	v31 =	vmul.f32 $3.010224740e-02, v41;
	v28 =	vmul.f32 v32, v29;
	v50 =	vadd.f32 $2.833023970e-01, v49  }
0x6d: {  	v29 =	vmul.f32 $3.010224740e-02, v40;
	v33 =	vadd.f32 $2.213278460e-05, v23;
	v12 =	vadd.f32 $-4.891557690e-01, v12  }
0x6e: {  	v55 =	vmax.f32 v19, $0.0e+00;
	v30 =	vadd.f32 $-1.301179230e-01, v30;
	v35 =	vadd.f32 $9.990102050e-01, v35  }
0x6f: {  	v52 =	vmul.f32 $3.010224740e-02, v39;
	v31 =	vadd.f32 $-1.301179230e-01, v31;
	v29 =	vadd.f32 $-1.301179230e-01, v29  }
0x70: {  	v32 =	vmul.f32 v50, v37;
	v24 =	vadd.f32 $2.213278460e-05, v24;
	v12 =	vmul.f32 v12, v42  }
0x71: {  	v30 =	vmul.f32 v30, v45;
	v51 =	vmul.f32 v35, v34;
	v34 =	vadd.f32 $-1.301179230e-01, v52  }
0x72: {  	v31 =	vmul.f32 v31, v41;
	v32 =	vadd.f32 $-4.891557690e-01, v32;
	v12 =	vadd.f32 $9.990102050e-01, v12  }
0x73: {  	v29 =	vmul.f32 v29, v40;
	v30 =	vadd.f32 $2.833023970e-01, v30;
	v34 =	vmul.f32 v34, v39  }
0x74: {  	v31 =	vadd.f32 $2.833023970e-01, v31;
	v32 =	vmul.f32 v32, v37;
	v53 =	vmul.f32 v12, v42  }
0x75: {  	v29 =	vadd.f32 $2.833023970e-01, v29;
	v12 =	vmul.f32 $3.010224740e-02, v26;
	v30 =	vmul.f32 v30, v45  }
0x76: {  	v31 =	vmul.f32 v31, v41;
	v34 =	vadd.f32 $2.833023970e-01, v34;
	v32 =	vadd.f32 $9.990102050e-01, v32  }
0x77: {  	v29 =	vmul.f32 v29, v40;
	v12 =	vadd.f32 $-1.301179230e-01, v12;
	v30 =	vadd.f32 $-4.891557690e-01, v30  }
0x78: {  	v31 =	vadd.f32 $-4.891557690e-01, v31;
	v34 =	vmul.f32 v34, v39;
	v35 =	vadd.f32 $2.213278460e-05, v53  }
0x79: {  	s18 =	spop (v2sf);
	v29 =	vadd.f32 $-4.891557690e-01, v29;
	v12 =	vmul.f32 v12, v26;
	v30 =	vmul.f32 v30, v45  }
0x7a: {  	s19 =	spop (v2sf);
	v31 =	vmul.f32 v31, v41;
	v34 =	vadd.f32 $-4.891557690e-01, v34;
	v35 =	vadd.f32 v35, v55  }
0x7b: {  	s18 =	smov.u32 @p0 s19;
	v29 =	vmul.f32 v29, v40;
	v54 =	vadd.f32 $2.833023970e-01, v12;
	v30 =	vadd.f32 $9.990102050e-01, v30  }
0x7c: {  	v12 =	vmov s18;
	v31 =	vadd.f32 $9.990102050e-01, v31;
	s18 =	simm.s32 $0x8080;
	v34 =	vmul.f32 v34, v39  }
0x7d: {  	v29 =	vadd.f32 $9.990102050e-01, v29;
	v19 =	vsub.f32 v35, v19;
	v57 =	vld [tilespmem:s18+$0xFFFFFF80];
	v30 =	vmul.f32 v30, v45  }
0x7e: {  	v59 =	vld [tilespmem:s18+$0xFFFFFF90];
	v36 =	vmul.f32 v54, v26;
	v31 =	vmul.f32 v31, v41;
	v34 =	vadd.f32 $9.990102050e-01, v34  }
0x7f: {  	v61 =	vld [tilespmem:s18+$0xFFFFFFA0];
	v29 =	vmul.f32 v29, v40;
	v40 =	vadd.f32 $2.213278460e-05, v21;
	v30 =	vadd.f32 $2.213278460e-05, v30  }
0x80: {  	v32 =	vmul.f32 v32, v37;
	v36 =	vadd.f32 $-4.891557690e-01, v36;
	v31 =	vadd.f32 $2.213278460e-05, v31  }
0x81: {  	v19 =	vmul.f32 v19, v12;
	v29 =	vadd.f32 $2.213278460e-05, v29;
	v30 =	vadd.f32 v30, v58  }
0x82: {  	v34 =	vmul.f32 v34, v39;
	v36 =	vmul.f32 v36, v26;
	v31 =	vadd.f32 v31, v60  }
0x83: {  	vm0 =	veq.s32 v57, v0;
	v29 =	vadd.f32 v29, v56;
	v18 =	vsub.f32 v30, v18  }
0x84: {  	vm8 =	veq.s32 v59, v0;
	vm9 =	veq.s32 v61, v0;
	v36 =	vadd.f32 $9.990102050e-01, v36  }
0x85: {  	v63 =	vld [tilespmem:s18+$0xFFFFFFB0];
	v19 =	vsel vm0, v19, v35;
	v17 =	vsub.f32 v31, v17;
	v18 =	vmul.f32 v18, v12  }
0x86: {  	v19 =	vadd.f32 v19, v62;
	v14 =	vsub.f32 v29, v14;
	v26 =	vmul.f32 v36, v26  }
0x87: {  	v17 =	vmul.f32 v17, v12;
	v18 =	vsel vm8, v18, v30;
	v30 =	vadd.f32 $2.213278460e-05, v34  }
0x88: {  	v14 =	vmul.f32 v14, v12;
	v18 =	vadd.f32 v18, v19;
	v19 =	vmax.f32 v13, $0.0e+00  }
0x89: {  	v17 =	vsel vm9, v17, v31;
	v34 =	vadd.f32 $2.213278460e-05, v22;
	v22 =	vld [tilespmem:s18+$0xFFFFFFF0];
	v19 =	vadd.f32 v30, v19  }
0x8a: {  	vm10 =	veq.s32 v63, v0;
	v30 =	vld [tilespmem:s18+$0xFFFFFFC0];
	v17 =	vadd.f32 v17, v18;
	v18 =	vadd.f32 $2.213278460e-05, v26  }
0x8b: {  	v14 =	vsel vm10, v14, v29;
	v26 =	vmax.f32 v11, $0.0e+00;
	v13 =	vsub.f32 v19, v13  }
0x8c: {  	v23 =	vmax.f32 v6, $0.0e+00;
	v18 =	vadd.f32 v18, v26;
	v14 =	vadd.f32 v14, v17;
	v17 =	vld [tilespmem:s18+$0xFFFFFFD0]  }
0x8d: {  	v29 =	vadd.f32 $2.213278460e-05, v51;
	v31 =	vadd.f32 $2.213278460e-05, v32;
	v26 =	vmax.f32 v16, $0.0e+00  }
0x8e: {  	vm14 =	veq.s32 v22, v0;
	v13 =	vmul.f32 v13, v12;
	v11 =	vsub.f32 v18, v11  }
0x8f: {  	v26 =	vadd.f32 v31, v26;
	vm11 =	veq.s32 v30, v0;
	v30 =	vmax.f32 v15, $0.0e+00  }
0x90: {  	v29 =	vadd.f32 v29, v30;
	v30 =	vld [tilespmem:s18+$0xFFFFFFE0];
	v19 =	vsel vm11, v13, v19;
	v31 =	vmul.f32 v11, v12  }
0x91: {  	v22 =	vmax.f32 v9, $0.0e+00;
	v19 =	vadd.f32 v19, v14;
	vm12 =	veq.s32 v17, v0  }
0x92: {  	v22 =	vadd.f32 v24, v22;
	v16 =	vsub.f32 v26, v16;
	v17 =	vsel vm12, v31, v18  }
0x93: {  	v13 =	vmax.f32 v2, $0.0e+00;
	v17 =	vadd.f32 v17, v19;
	v19 =	vadd.f32 $2.213278460e-05, v27  }
0x94: {  	v20 =	vld [tilespmem:s18+$0x40];
	v16 =	vmul.f32 v16, v12;
	v15 =	vsub.f32 v29, v15;
	v18 =	vmax.f32 v7, $0.0e+00  }
0x95: {  	v27 =	vadd.f32 $2.213278460e-05, v28;
	vm13 =	veq.s32 v30, v0;
	v30 =	vld [tilespmem:s18+$0x0];
	v28 =	vadd.f32 v19, v18  }
0x96: {  	v21 =	vld [tilespmem:s18+$0x50];
	v14 =	vmax.f32 v44, $0.0e+00;
	v11 =	vmax.f32 v10, $0.0e+00;
	v15 =	vmul.f32 v15, v12  }
0x97: {  	v24 =	vld [tilespmem:s18+$0x30];
	v19 =	vsel vm13, v16, v26;
	v16 =	vadd.f32 v27, v23;
	v7 =	vsub.f32 v28, v7  }
0x98: {  	v26 =	vmax.f32 v3, $0.0e+00;
	v18 =	vld [tilespmem:s18+$0x70];
	v15 =	vsel vm14, v15, v29;
	v23 =	vadd.f32 v19, v17  }
0x99: {  	v17 =	vadd.f32 v25, v26;
	v25 =	vld [tilespmem:s18+$0x10];
	v26 =	vsub.f32 v16, v6;
	v7 =	vmul.f32 v7, v12  }
0x9a: {  	v6 =	vadd.f32 v15, v23;
	v23 =	vld [tilespmem:s18+$0x20];
	v15 =	vmax.f32 v46, $0.0e+00;
	vm15 =	veq.s32 v30, v0  }
0x9b: {  	s20 =	simm.s32 $0x180;
	[tilespmem:$0x1FFE0] =	vst v1;
	s19 =	simm.s32 $0x0;
	v19 =	vld [tilespmem:s18+$0x60];
	v27 =	vsub.f32 v17, v3;
	v26 =	vmul.f32 v26, v12;
	v28 =	vsel vm15, v7, v28  }
.LBB2_2:
0x9c: {  	v15 =	vadd.f32 v38, v15  }
0x9d: {  	v11 =	vadd.f32 v40, v11;
	v4 =	vld [tilespmem:s20+$0x40];
	v3 =	vadd.f32 v28, v6  }
0x9e: {  	v7 =	vmul.f32 v27, v12;
	v9 =	vsub.f32 v22, v9;
	v8 =	vsub.f32 v15, v46  }
0x9f: {  	vm0 =	veq.s32 v25, v0;
	vm14 =	veq.s32 v23, v0;
	vm15 =	veq.s32 v24, v0  }
0xa0: {  	v29 =	vld [tilespmem:s20+$0x70];
	v23 =	vadd.f32 v34, v14;
	vm4 =	veq.s32 v20, v0;
	v5 =	vmul.f32 v8, v12  }
0xa1: {  	vm5 =	veq.s32 v21, v0;
	vm1 =	veq.s32 v18, v0;
	v18 =	vld [tilespmem:s20+$0xFFFFFFD0];
	vm6 =	veq.s32 v19, v0  }
0xa2: {  	v19 =	vld [tilespmem:s20+$0xFFFFFFC0];
	v6 =	vsel vm0, v26, v16;
	v16 =	vsub.f32 v11, v10;
	v28 =	vand.u32 $0x7FFFFFFF, v4  }
0xa3: {  	v25 =	vld [tilespmem:s20+$0x60];
	v3 =	vadd.f32 v6, v3;
	v6 =	vsel vm14, v7, v17;
	v7 =	vmul.f32 v9, v12  }
0xa4: {  	v26 =	vld [tilespmem:s20+$0x50];
	v15 =	vsel vm5, v5, v15;
	v28 =	vsub.f32 $0.0e+00, v28;
	v14 =	vmul.f32 v16, v12  }
0xa5: {  	v9 =	vld [tilespmem:s20+$0x30];
	v17 =	vadd.f32 v6, v3;
	v7 =	vsel vm15, v7, v22;
	v22 =	vadd.f32 v33, v13  }
0xa6: {  	v13 =	vmovc v29;
	v28 =	vmul.f32 $1.442695020e+00, v28;
	v11 =	vsel vm4, v14, v11;
	v14 =	vsub.f32 v23, v44  }
0xa7: {  	v16 =	vld [tilespmem:s20+$0xFFFFFFF0];
	v27 =	vand.u32 $0x7FFFFFFF, v13;
	v35 =	vand.u32 $0x7FFFFFFF, v19;
	v36 =	vand.u32 $0x7FFFFFFF, v18  }
0xa8: {  	v3 =	vld [tilespmem:s20+$0x20];
	v10 =	vmovc v25;
	v17 =	vadd.f32 v7, v17;
	v21 =	vsub.f32 v22, v2;
	v2 =	vmax.f32 v13, $0.0e+00  }
0xa9: {  	v1 =	vmovc v26;
	v26 =	vand.u32 $0x7FFFFFFF, v10;
	v27 =	vsub.f32 $0.0e+00, v27;
	v20 =	vmul.f32 v14, v12  }
0xaa: {  	v14 =	vmax.f32 v10, $0.0e+00;
	v29 =	vand.u32 $0x7FFFFFFF, v1;
	v31 =	vand.u32 $0x7FFFFFFF, v9  }
0xab: {  	v7 =	vld [tilespmem:s20+$0x0];
	v26 =	vsub.f32 $0.0e+00, v26;
	v11 =	vadd.f32 v11, v17;
	v25 =	vmul.f32 v21, v12  }
0xac: {  	v58 =	vand.u32 $0x7FFFFFFF, v16;
	v29 =	vsub.f32 $0.0e+00, v29;
	v27 =	vmul.f32 $1.442695020e+00, v27  }
0xad: {  	v17 =	vld [tilespmem:s20+$0xFFFFFFE0];
	v31 =	vsub.f32 $0.0e+00, v31;
	v23 =	vsel vm6, v20, v23;
	v30 =	vand.u32 $0x7FFFFFFF, v3  }
0xae: {  	v21 =	vld [tilespmem:s20+$0xFFFFFFA0];
	v26 =	vmul.f32 $1.442695020e+00, v26;
	v24 =	vadd.f32 v15, v11;
	v11 =	vmax.f32 v4, $0.0e+00  }
0xaf: {  	v6 =	vld [tilespmem:s20+$0x10];
	v15 =	vmax.f32 v1, $0.0e+00;
	v22 =	vsel vm1, v25, v22;
	v29 =	vmul.f32 $1.442695020e+00, v29  }
0xb0: {  	v20 =	vld [tilespmem:s20+$0xFFFFFFB0];
	(erf) = vpow2.f32 v27;
	v27 =	vsub.f32 $0.0e+00, v30;
	v59 =	vand.u32 $0x7FFFFFFF, v7  }
0xb1: {  	(erf) = vpow2.f32 v26;
	v26 =	vmul.f32 $1.442695020e+00, v31;
	v24 =	vadd.f32 v23, v24  }
0xb2: {  	v25 =	vld [tilespmem:s20+$0xFFFFFF80];
	(erf) = vpow2.f32 v29;
	v29 =	vsub.f32 $0.0e+00, v59;
	v27 =	vmul.f32 $1.442695020e+00, v27  }
0xb3: {  	v32 =	vand.u32 $0x7FFFFFFF, v17;
	v37 =	vand.u32 $0x7FFFFFFF, v21;
	(erf) = vpow2.f32 v28  }
0xb4: {  	v23 =	vld [tilespmem:s20+$0xFFFFFF90];
	v28 =	vsub.f32 $0.0e+00, v58;
	v22 =	vadd.f32 v22, v24;
	v24 =	vand.u32 $0x7FFFFFFF, v6  }
0xb5: {  	v60 =	vand.u32 $0x7FFFFFFF, v20;
	(erf) = vpow2.f32 v26;
	v26 =	vsub.f32 $0.0e+00, v32  }
0xb6: {  	v29 =	vmul.f32 $1.442695020e+00, v29;
	v32 =	vmax.f32 v19, $0.0e+00;
	v24 =	vsub.f32 $0.0e+00, v24  }
0xb7: {  	v61 =	vand.u32 $0x7FFFFFFF, v25;
	(erf) = vpow2.f32 v27;
	v27 =	vsub.f32 $0.0e+00, v36  }
0xb8: {  	v28 =	vmul.f32 $1.442695020e+00, v28;
	v42 =	vmax.f32 v25, $0.0e+00;
	v24 =	vmul.f32 $1.442695020e+00, v24  }
0xb9: {  	v26 =	vmul.f32 $1.442695020e+00, v26;
	v39 =	vand.u32 $0x7FFFFFFF, v23;
	v27 =	vmul.f32 $1.442695020e+00, v27  }
0xba: {  	v36 =	vmax.f32 v23, $0.0e+00;
	(erf) = vpow2.f32 v24;
	v24 =	vsub.f32 $0.0e+00, v35;
	v33 =	vpop (erf)  }
0xbb: {  	v35 =	vmax.f32 v20, $0.0e+00;
	(erf) = vpow2.f32 v29;
	v45 =	vmul.f32 $3.010224740e-02, v33  }
0xbc: {  	v29 =	vsub.f32 $0.0e+00, v60;
	v38 =	vpop (erf);
	(erf) = vpow2.f32 v28;
	v24 =	vmul.f32 $1.442695020e+00, v24  }
0xbd: {  	v28 =	vsub.f32 $0.0e+00, v37;
	v34 =	vpop (erf);
	v49 =	vmul.f32 $3.010224740e-02, v38;
	(erf) = vpow2.f32 v26  }
0xbe: {  	v26 =	vsub.f32 $0.0e+00, v39;
	v29 =	vmul.f32 $1.442695020e+00, v29;
	v51 =	vmul.f32 $3.010224740e-02, v34  }
0xbf: {  	v41 =	vpop (erf);
	v60 =	vadd.f32 $-1.301179230e-01, v45;
	(erf) = vpow2.f32 v27;
	v27 =	vsub.f32 $0.0e+00, v61  }
0xc0: {  	v28 =	vmul.f32 $1.442695020e+00, v28;
	v50 =	vmul.f32 $3.010224740e-02, v41;
	v63 =	vadd.f32 $-1.301179230e-01, v49  }
0xc1: {  	v40 =	vpop (erf);
	(erf) = vpow2.f32 v24;
	v30 =	vmul.f32 $1.442695020e+00, v26;
	v26 =	vmax.f32 v3, $0.0e+00  }
0xc2: {  	v53 =	vmul.f32 $3.010224740e-02, v40;
	v62 =	vadd.f32 $-1.301179230e-01, v51;
	v60 =	vmul.f32 v60, v33  }
0xc3: {  	v44 =	vpop (erf);
	(erf) = vpow2.f32 v29;
	v31 =	vmul.f32 $1.442695020e+00, v27;
	v27 =	vmax.f32 v6, $0.0e+00  }
0xc4: {  	[tilespmem:$0x1FFD0] =	vst v4;
	v29 =	vmax.f32 v16, $0.0e+00;
	v52 =	vmul.f32 $3.010224740e-02, v44;
	v4 =	vadd.f32 $-1.301179230e-01, v50  }
0xc5: {  	v63 =	vmul.f32 v63, v38;
	(erf) = vpow2.f32 v28;
	v28 =	vmax.f32 v7, $0.0e+00  }
0xc6: {  	v53 =	vadd.f32 $-1.301179230e-01, v53;
	v62 =	vmul.f32 v62, v34;
	v60 =	vadd.f32 $2.833023970e-01, v60  }
0xc7: {  	(erf) = vpow2.f32 v30;
	v30 =	vmax.f32 v17, $0.0e+00;
	v52 =	vadd.f32 $-1.301179230e-01, v52  }
0xc8: {  	v4 =	vmul.f32 v4, v41;
	v63 =	vadd.f32 $2.833023970e-01, v63;
	(erf) = vpow2.f32 v31  }
0xc9: {  	v43 =	vpop (erf);
	v31 =	vmax.f32 v18, $0.0e+00;
	v53 =	vmul.f32 v53, v40;
	v60 =	vmul.f32 v60, v33  }
0xca: {  	v62 =	vadd.f32 $2.833023970e-01, v62;
	v47 =	vpop (erf);
	v55 =	vmul.f32 $3.010224740e-02, v43;
	v52 =	vmul.f32 v52, v44  }
0xcb: {  	v4 =	vadd.f32 $2.833023970e-01, v4;
	v63 =	vmul.f32 v63, v38;
	v54 =	vmul.f32 $3.010224740e-02, v47  }
0xcc: {  	v48 =	vpop (erf);
	v53 =	vadd.f32 $2.833023970e-01, v53;
	v62 =	vmul.f32 v62, v34;
	v60 =	vadd.f32 $-4.891557690e-01, v60  }
0xcd: {  	v46 =	vpop (erf);
	v57 =	vmul.f32 $3.010224740e-02, v48;
	v55 =	vadd.f32 $-1.301179230e-01, v55;
	v52 =	vadd.f32 $2.833023970e-01, v52  }
0xce: {  	v4 =	vmul.f32 v4, v41;
	v63 =	vadd.f32 $-4.891557690e-01, v63;
	v56 =	vmul.f32 $3.010224740e-02, v46  }
0xcf: {  	v39 =	vpop (erf);
	v54 =	vadd.f32 $-1.301179230e-01, v54;
	v53 =	vmul.f32 v53, v40;
	v62 =	vadd.f32 $-4.891557690e-01, v62  }
0xd0: {  	v60 =	vmul.f32 v60, v33;
	v59 =	vmul.f32 $3.010224740e-02, v39;
	v57 =	vadd.f32 $-1.301179230e-01, v57  }
0xd1: {  	v37 =	vpop (erf);
	v55 =	vmul.f32 v55, v43;
	v52 =	vmul.f32 v52, v44;
	v4 =	vadd.f32 $-4.891557690e-01, v4  }
0xd2: {  	v63 =	vmul.f32 v63, v38;
	v58 =	vmul.f32 $3.010224740e-02, v37;
	v56 =	vadd.f32 $-1.301179230e-01, v56  }
0xd3: {  	v45 =	vpop (erf);
	v54 =	vmul.f32 v54, v47;
	v53 =	vadd.f32 $-4.891557690e-01, v53;
	v62 =	vmul.f32 v62, v34  }
0xd4: {  	v60 =	vadd.f32 $9.990102050e-01, v60;
	v61 =	vmul.f32 $3.010224740e-02, v45;
	v59 =	vadd.f32 $-1.301179230e-01, v59  }
0xd5: {  	v49 =	vpop (erf);
	v57 =	vmul.f32 v57, v48;
	v55 =	vadd.f32 $2.833023970e-01, v55;
	v52 =	vadd.f32 $-4.891557690e-01, v52  }
0xd6: {  	[tilespmem:$0x1FFC0] =	vst v2;
	v4 =	vmul.f32 v4, v41;
	v63 =	vadd.f32 $9.990102050e-01, v63;
	v2 =	vmul.f32 $3.010224740e-02, v49  }
0xd7: {  	v58 =	vadd.f32 $-1.301179230e-01, v58;
	v56 =	vmul.f32 v56, v46;
	v54 =	vadd.f32 $2.833023970e-01, v54  }
0xd8: {  	v50 =	vpop (erf);
	v53 =	vmul.f32 v53, v40;
	v62 =	vadd.f32 $9.990102050e-01, v62;
	v33 =	vmul.f32 v60, v33  }
0xd9: {  	v5 =	vmul.f32 $3.010224740e-02, v50;
	v61 =	vadd.f32 $-1.301179230e-01, v61;
	v59 =	vmul.f32 v59, v39  }
0xda: {  	v51 =	vpop (erf);
	v57 =	vadd.f32 $2.833023970e-01, v57;
	v55 =	vmul.f32 v55, v43;
	v52 =	vmul.f32 v52, v44  }
0xdb: {  	v4 =	vadd.f32 $9.990102050e-01, v4;
	v38 =	vmul.f32 v63, v38;
	v8 =	vmul.f32 $3.010224740e-02, v51  }
0xdc: {  	v2 =	vadd.f32 $-1.301179230e-01, v2;
	v58 =	vmul.f32 v58, v37;
	v56 =	vadd.f32 $2.833023970e-01, v56  }
0xdd: {  	v54 =	vmul.f32 v54, v47;
	v53 =	vadd.f32 $9.990102050e-01, v53;
	v62 =	vmul.f32 v62, v34  }
0xde: {  	v33 =	vadd.f32 $2.213278460e-05, v33;
	v5 =	vadd.f32 $-1.301179230e-01, v5;
	v61 =	vmul.f32 v61, v45  }
0xdf: {  	s18 =	sadd.s32 $0x100, s18;
	v59 =	vadd.f32 $2.833023970e-01, v59;
	v57 =	vmul.f32 v57, v48;
	v55 =	vadd.f32 $-4.891557690e-01, v55  }
0xe0: {  	v60 =	vld [tilespmem:s18+$0xFFFFFF90];
	v52 =	vadd.f32 $9.990102050e-01, v52;
	v4 =	vmul.f32 v4, v41;
	v34 =	vadd.f32 $2.213278460e-05, v38  }
0xe1: {  	v8 =	vadd.f32 $-1.301179230e-01, v8;
	v2 =	vmul.f32 v2, v49;
	v58 =	vadd.f32 $2.833023970e-01, v58  }
0xe2: {  	v56 =	vmul.f32 v56, v46;
	v54 =	vadd.f32 $-4.891557690e-01, v54;
	v63 =	vmul.f32 v53, v40  }
0xe3: {  	v38 =	vadd.f32 $2.213278460e-05, v62;
	v5 =	vmul.f32 v5, v50;
	v61 =	vadd.f32 $2.833023970e-01, v61  }
0xe4: {  	v59 =	vmul.f32 v59, v39;
	v57 =	vadd.f32 $-4.891557690e-01, v57;
	v55 =	vmul.f32 v55, v43  }
0xe5: {  	v44 =	vmul.f32 v52, v44;
	v40 =	vadd.f32 $2.213278460e-05, v4;
	vm8 =	veq.s32 v60, v0  }
0xe6: {  	v8 =	vmul.f32 v8, v51;
	v2 =	vadd.f32 $2.833023970e-01, v2;
	v58 =	vmul.f32 v58, v37  }
0xe7: {  	v56 =	vadd.f32 $-4.891557690e-01, v56;
	v54 =	vmul.f32 v54, v47;
	v5 =	vadd.f32 $2.833023970e-01, v5  }
0xe8: {  	v61 =	vmul.f32 v61, v45;
	v59 =	vadd.f32 $-4.891557690e-01, v59;
	v8 =	vadd.f32 $2.833023970e-01, v8  }
0xe9: {  	v57 =	vmul.f32 v57, v48;
	v55 =	vadd.f32 $9.990102050e-01, v55;
	v2 =	vmul.f32 v2, v49  }
0xea: {  	v58 =	vadd.f32 $-4.891557690e-01, v58;
	v56 =	vmul.f32 v56, v46;
	v8 =	vmul.f32 v8, v51  }
0xeb: {  	v54 =	vadd.f32 $9.990102050e-01, v54;
	v5 =	vmul.f32 v5, v50;
	v61 =	vadd.f32 $-4.891557690e-01, v61  }
0xec: {  	v59 =	vmul.f32 v59, v39;
	v57 =	vadd.f32 $9.990102050e-01, v57;
	v8 =	vadd.f32 $-4.891557690e-01, v8  }
0xed: {  	v43 =	vmul.f32 v55, v43;
	v55 =	vadd.f32 $2.213278460e-05, v63;
	v2 =	vadd.f32 $-4.891557690e-01, v2  }
0xee: {  	v58 =	vmul.f32 v58, v37;
	v5 =	vadd.f32 $-4.891557690e-01, v5;
	v8 =	vmul.f32 v8, v51  }
0xef: {  	v56 =	vadd.f32 $9.990102050e-01, v56;
	v47 =	vmul.f32 v54, v47;
	v54 =	vadd.f32 $2.213278460e-05, v44  }
0xf0: {  	v61 =	vmul.f32 v61, v45;
	v5 =	vmul.f32 v5, v50;
	v8 =	vadd.f32 $9.990102050e-01, v8  }
0xf1: {  	v62 =	vld [tilespmem:s18+$0xFFFFFFA0];
	v59 =	vadd.f32 $9.990102050e-01, v59;
	v48 =	vmul.f32 v57, v48;
	v2 =	vmul.f32 v2, v49  }
0xf2: {  	v43 =	vadd.f32 $2.213278460e-05, v43;
	v5 =	vadd.f32 $9.990102050e-01, v5;
	v8 =	vmul.f32 v8, v51  }
0xf3: {  	v58 =	vadd.f32 $9.990102050e-01, v58;
	v4 =	vmul.f32 v56, v46;
	v2 =	vadd.f32 $9.990102050e-01, v2  }
0xf4: {  	v47 =	vadd.f32 $2.213278460e-05, v47;
	v5 =	vmul.f32 v5, v50;
	v8 =	vadd.f32 $2.213278460e-05, v8  }
0xf5: {  	v61 =	vadd.f32 $9.990102050e-01, v61;
	v56 =	vadd.f32 $2.213278460e-05, v48;
	v2 =	vmul.f32 v2, v49  }
0xf6: {  	vm9 =	veq.s32 v62, v0;
	v57 =	vld [tilespmem:s18+$0xFFFFFF80];
	v5 =	vadd.f32 $2.213278460e-05, v5;
	v8 =	vadd.f32 v8, v42  }
0xf7: {  	v39 =	vmul.f32 v59, v39;
	v59 =	vmul.f32 v61, v45;
	v2 =	vadd.f32 $2.213278460e-05, v2  }
0xf8: {  	v61 =	vmax.f32 v21, $0.0e+00;
	v5 =	vadd.f32 v5, v36;
	v25 =	vsub.f32 v8, v25  }
0xf9: {  	v4 =	vadd.f32 $2.213278460e-05, v4;
	v37 =	vmul.f32 v58, v37;
	v2 =	vadd.f32 v2, v61  }
0xfa: {  	v42 =	vadd.f32 $2.213278460e-05, v59;
	v23 =	vsub.f32 v5, v23;
	v25 =	vmul.f32 v25, v12  }
0xfb: {  	vm7 =	veq.s32 v57, v0;
	v63 =	vadd.f32 $2.213278460e-05, v37;
	v21 =	vsub.f32 v2, v21  }
0xfc: {  	v35 =	vadd.f32 v42, v35;
	v23 =	vmul.f32 v23, v12;
	v8 =	vsel vm7, v25, v8;
	v25 =	vld [tilespmem:s18+$0xFFFFFFB0]  }
0xfd: {  	v39 =	vadd.f32 $2.213278460e-05, v39;
	v21 =	vmul.f32 v21, v12;
	v8 =	vadd.f32 v8, v22  }
0xfe: {  	v20 =	vsub.f32 v35, v20;
	v5 =	vsel vm8, v23, v5;
	v23 =	vld [tilespmem:s18+$0xFFFFFFC0];
	v22 =	vadd.f32 v63, v32  }
0xff: {  	v28 =	vadd.f32 v47, v28;
	v2 =	vsel vm9, v21, v2;
	v5 =	vadd.f32 v5, v8  }
0x100: {  	v21 =	vld [tilespmem:s18+$0xFFFFFFD0];
	v20 =	vmul.f32 v20, v12;
	v8 =	vadd.f32 v39, v31;
	v19 =	vsub.f32 v22, v19  }
0x101: {  	v44 =	vmovc v10;
	v10 =	vld [tilespmem:$0x1FFD0];
	v4 =	vadd.f32 v4, v30;
	v2 =	vadd.f32 v2, v5;
	vm10 =	veq.s32 v25, v0  }
0x102: {  	v19 =	vmul.f32 v19, v12;
	v18 =	vsub.f32 v8, v18;
	v5 =	vsel vm10, v20, v35;
	v20 =	vld [tilespmem:s18+$0xFFFFFFE0]  }
0x103: {  	v17 =	vsub.f32 v4, v17;
	vm11 =	veq.s32 v23, v0;
	v23 =	vld [tilespmem:s18+$0xFFFFFFF0];
	v2 =	vadd.f32 v5, v2  }
0x104: {  	v25 =	vld [tilespmem:s18+$0x10];
	v5 =	vadd.f32 v56, v29;
	v19 =	vsel vm11, v19, v22;
	v22 =	vmul.f32 v18, v12  }
0x105: {  	v7 =	vsub.f32 v28, v7;
	vm12 =	veq.s32 v21, v0;
	v18 =	vld [tilespmem:s18+$0x70];
	v2 =	vadd.f32 v19, v2  }
0x106: {  	s19 =	sadd.s32 $0x10, s19;
	v17 =	vmul.f32 v17, v12;
	v8 =	vsel vm12, v22, v8;
	v21 =	vsub.f32 v5, v16;
	v22 =	vld [tilespmem:s18+$0x0]  }
0x107: {  	p1 =	slt.u32 s19, $0x3F0;
	v16 =	vadd.f32 v43, v27;
	v19 =	vld [tilespmem:s18+$0x60];
	v2 =	vadd.f32 v8, v2;
	vm13 =	veq.s32 v20, v0  }
.Ltmp0:
0x108: {  	vm14 =	veq.s32 v23, v0;
	v23 =	vld [tilespmem:s18+$0x20];
	v8 =	vmul.f32 v21, v12;
	v4 =	vsel vm13, v17, v4;
	(pc) =	sbr.rel @p1 .LBB2_2-.Ltmp0, $4  }
0x109: {  	v24 =	vmax.f32 v9, $0.0e+00;
	v46 =	vmovc v1;
	v21 =	vld [tilespmem:s18+$0x50];
	v17 =	vadd.f32 v54, v26;
	v1 =	vadd.f32 v4, v2  }
0x10a: {  	v20 =	vld [tilespmem:s18+$0x40];
	v4 =	vsel vm14, v8, v5;
	v5 =	vmul.f32 v7, v12;
	v7 =	vsub.f32 v16, v6  }
0x10b: {  	vm15 =	veq.s32 v22, v0;
	v22 =	vadd.f32 v55, v24;
	v27 =	vsub.f32 v17, v3;
	v24 =	vld [tilespmem:s18+$0x30]  }
0x10c: {  	s20 =	sadd.s32 $0x100, s20;
	v6 =	vadd.f32 v4, v1;
	v2 =	vmovc v13;
	v13 =	vld [tilespmem:$0x1FFC0];
	v28 =	vsel vm15, v5, v28;
	v26 =	vmul.f32 v7, v12  }
0x10d: {  	v1 =	vld [tilespmem:$0x1FFE0];
	_ =	sdelay $0x4  }
0x10e: {  	(v2sf) =	vpush v1, $0x3  }
0x10f: {  	(v2sf) =	vpush v1, $0x1;
	_ =	sdelay $0xd  }
0x110: {  	s19 =	spop (v2sf)  }
0x111: {  	s20 =	spop (v2sf)  }
0x112: {  	_ =	swait.ge [sflag:s15], $0x4000  }
0x113: {  	[sflag:s15] =	ssyncset.done $0x0  }
0x114: {  	s18 =	simm.s32 $0x0;
	[sflag:s15] =	ssyncadd.s32 $0xFFFFC000  }
0x115: {  	vm0 =	veq.s32 v25, v0;
	v8 =	vmul.f32 v27, v12;
	v42 =	vld [tilespmem:s18+$0x40F0]  }
0x116: {  	v4 =	vadd.f32 v28, v6;
	v5 =	vsel vm0, v26, v16;
	v16 =	vsub.f32 v22, v9;
	v43 =	vld [tilespmem:s18+$0x40E0]  }
0x117: {  	v25 =	vadd.f32 v40, v11;
	vm0 =	veq.s32 v23, v0;
	v45 =	vld [tilespmem:s18+$0x40D0]  }
0x118: {  	v4 =	vadd.f32 v5, v4;
	v5 =	vsel vm0, v8, v17;
	v8 =	vmul.f32 v16, v12;
	v7 =	vld [tilespmem:s18+$0x40C0]  }
0x119: {  	v23 =	vadd.f32 v38, v15;
	v26 =	vsub.f32 v25, v10;
	vm0 =	veq.s32 v24, v0;
	v9 =	vld [tilespmem:s18+$0x40B0]  }
0x11a: {  	v4 =	vadd.f32 v5, v4;
	v5 =	vsel vm0, v8, v22;
	v22 =	vadd.f32 v34, v14;
	v11 =	vld [tilespmem:s18+$0x40A0]  }
0x11b: {  	v14 =	vmul.f32 v26, v12;
	vm0 =	veq.s32 v20, v0;
	v20 =	vadd.f32 v33, v13;
	v15 =	vld [tilespmem:s18+$0x4090]  }
0x11c: {  	v8 =	vsub.f32 v23, v46;
	v4 =	vadd.f32 v5, v4;
	v16 =	vld [tilespmem:s18+$0x4080]  }
0x11d: {  	v14 =	vsel vm0, v14, v25;
	v24 =	vsub.f32 v22, v44;
	v25 =	vsub.f32 v20, v2;
	v17 =	vld [tilespmem:s18+$0x4070]  }
0x11e: {  	vm1 =	veq.s32 v21, v0;
	v13 =	vmul.f32 v8, v12;
	v10 =	vld [tilespmem:s18+$0x4060]  }
0x11f: {  	v21 =	vadd.f32 v14, v4;
	v24 =	vmul.f32 v24, v12;
	v12 =	vmul.f32 v25, v12;
	v8 =	vld [tilespmem:s18+$0x4050]  }
0x120: {  	vm0 =	veq.s32 v18, v0;
	v23 =	vsel vm1, v13, v23;
	vm1 =	veq.s32 v19, v0;
	v5 =	vld [tilespmem:s18+$0x4040]  }
0x121: {  	v21 =	vadd.f32 v23, v21;
	v22 =	vsel vm1, v24, v22;
	v12 =	vsel vm0, v12, v20;
	v14 =	vld [tilespmem:s18+$0x4020]  }
0x122: {  	v13 =	vld [tilespmem:s18+$0x4030];
	v26 =	vand.u32 $0x7FFFFFFF, v43;
	v27 =	vand.u32 $0x7FFFFFFF, v42;
	v28 =	vand.u32 $0x7FFFFFFF, v7  }
0x123: {  	v29 =	vand.u32 $0x7FFFFFFF, v45;
	v30 =	vand.u32 $0x7FFFFFFF, v15;
	v31 =	vand.u32 $0x7FFFFFFF, v11  }
0x124: {  	v32 =	vand.u32 $0x7FFFFFFF, v9;
	v59 =	vand.u32 $0x7FFFFFFF, v10;
	v60 =	vand.u32 $0x7FFFFFFF, v17  }
0x125: {  	v18 =	vld [tilespmem:s18+$0x4010];
	v35 =	vand.u32 $0x7FFFFFFF, v16;
	v36 =	vand.u32 $0x7FFFFFFF, v5;
	v37 =	vand.u32 $0x7FFFFFFF, v8  }
0x126: {  	v61 =	vand.u32 $0x7FFFFFFF, v14;
	v27 =	vsub.f32 $0.0e+00, v27;
	v26 =	vsub.f32 $0.0e+00, v26  }
0x127: {  	v4 =	vld [tilespmem:s18+$0x4000];
	v39 =	vand.u32 $0x7FFFFFFF, v13;
	v29 =	vsub.f32 $0.0e+00, v29;
	v28 =	vsub.f32 $0.0e+00, v28  }
0x128: {  	v32 =	vsub.f32 $0.0e+00, v32;
	v27 =	vmul.f32 $1.442695020e+00, v27;
	v26 =	vmul.f32 $1.442695020e+00, v26  }
0x129: {  	v31 =	vsub.f32 $0.0e+00, v31;
	v29 =	vmul.f32 $1.442695020e+00, v29;
	v28 =	vmul.f32 $1.442695020e+00, v28  }
0x12a: {  	v62 =	vand.u32 $0x7FFFFFFF, v18;
	v63 =	vmul.f32 $1.442695020e+00, v32;
	(erf) = vpow2.f32 v27  }
0x12b: {  	v41 =	vsub.f32 $0.0e+00, v59;
	v31 =	vmul.f32 $1.442695020e+00, v31;
	(erf) = vpow2.f32 v26  }
0x12c: {  	v27 =	vand.u32 $0x7FFFFFFF, v4;
	v26 =	vsub.f32 $0.0e+00, v30;
	(erf) = vpow2.f32 v29  }
0x12d: {  	v30 =	vmul.f32 $1.442695020e+00, v41;
	v29 =	vsub.f32 $0.0e+00, v35;
	(erf) = vpow2.f32 v28  }
0x12e: {  	v28 =	vsub.f32 $0.0e+00, v60;
	v26 =	vmul.f32 $1.442695020e+00, v26;
	(erf) = vpow2.f32 v63  }
0x12f: {  	v27 =	vsub.f32 $0.0e+00, v27;
	v29 =	vmul.f32 $1.442695020e+00, v29;
	(erf) = vpow2.f32 v31  }
0x130: {  	v44 =	vsub.f32 $0.0e+00, v37;
	v28 =	vmul.f32 $1.442695020e+00, v28;
	(erf) = vpow2.f32 v26  }
0x131: {  	v27 =	vmul.f32 $1.442695020e+00, v27;
	v26 =	vsub.f32 $0.0e+00, v36;
	(erf) = vpow2.f32 v29  }
0x132: {  	v31 =	vmul.f32 $1.442695020e+00, v44;
	v29 =	vsub.f32 $0.0e+00, v39;
	(erf) = vpow2.f32 v28  }
0x133: {  	v28 =	vsub.f32 $0.0e+00, v61;
	v26 =	vmul.f32 $1.442695020e+00, v26;
	(erf) = vpow2.f32 v30  }
0x134: {  	v47 =	vsub.f32 $0.0e+00, v62;
	v46 =	vpop (erf);
	v29 =	vmul.f32 $1.442695020e+00, v29;
	(erf) = vpow2.f32 v31  }
0x135: {  	v21 =	vadd.f32 v22, v21;
	v28 =	vmul.f32 $1.442695020e+00, v28;
	v20 =	vmul.f32 $3.010224740e-02, v46  }
0x136: {  	v48 =	vpop (erf);
	(erf) = vpow2.f32 v26;
	v26 =	vmul.f32 $1.442695020e+00, v47  }
0x137: {  	v12 =	vadd.f32 v12, v21;
	v23 =	vpop (erf);
	v22 =	vmul.f32 $3.010224740e-02, v48;
	(erf) = vpow2.f32 v29  }
0x138: {  	v19 =	vpop (erf);
	v21 =	vmul.f32 $3.010224740e-02, v23;
	v20 =	vadd.f32 $-1.301179230e-01, v20;
	(erf) = vpow2.f32 v28  }
0x139: {  	v25 =	vmul.f32 $3.010224740e-02, v19;
	v22 =	vadd.f32 $-1.301179230e-01, v22;
	v28 =	vpop (erf);
	(erf) = vpow2.f32 v26  }
0x13a: {  	v21 =	vadd.f32 $-1.301179230e-01, v21;
	v20 =	vmul.f32 v20, v46;
	(erf) = vpow2.f32 v27  }
0x13b: {  	v24 =	vpop (erf);
	v49 =	vmul.f32 $3.010224740e-02, v28;
	v25 =	vadd.f32 $-1.301179230e-01, v25;
	v22 =	vmul.f32 v22, v48  }
0x13c: {  	v26 =	vpop (erf);
	v29 =	vmul.f32 $3.010224740e-02, v24;
	v21 =	vmul.f32 v21, v23;
	v20 =	vadd.f32 $2.833023970e-01, v20  }
0x13d: {  	v27 =	vpop (erf);
	v52 =	vmul.f32 $3.010224740e-02, v26;
	v32 =	vadd.f32 $-1.301179230e-01, v49;
	v25 =	vmul.f32 v25, v19  }
0x13e: {  	v22 =	vadd.f32 $2.833023970e-01, v22;
	v49 =	vmax.f32 v4, $0.0e+00;
	v50 =	vmul.f32 $3.010224740e-02, v27  }
0x13f: {  	v51 =	vpop (erf);
	v29 =	vadd.f32 $-1.301179230e-01, v29;
	v21 =	vadd.f32 $2.833023970e-01, v21;
	v20 =	vmul.f32 v20, v46  }
0x140: {  	v53 =	vmul.f32 $3.010224740e-02, v51;
	v35 =	vadd.f32 $-1.301179230e-01, v52;
	v32 =	vmul.f32 v32, v28  }
0x141: {  	v25 =	vadd.f32 $2.833023970e-01, v25;
	v22 =	vmul.f32 v22, v48;
	v33 =	vadd.f32 $-1.301179230e-01, v50  }
0x142: {  	v29 =	vmul.f32 v29, v24;
	v21 =	vmul.f32 v21, v23;
	v20 =	vadd.f32 $-4.891557690e-01, v20  }
0x143: {  	v36 =	vadd.f32 $-1.301179230e-01, v53;
	v35 =	vmul.f32 v35, v26;
	v32 =	vadd.f32 $2.833023970e-01, v32  }
0x144: {  	v1 =	vld [tilespmem:$0x1FFF0];
	v25 =	vmul.f32 v25, v19;
	v22 =	vadd.f32 $-4.891557690e-01, v22;
	v33 =	vmul.f32 v33, v27  }
0x145: {  	v50 =	vld [tilespmem:s18+$0x8000];
	v29 =	vadd.f32 $2.833023970e-01, v29;
	v21 =	vadd.f32 $-4.891557690e-01, v21;
	v20 =	vmul.f32 v20, v46  }
0x146: {  	v36 =	vmul.f32 v36, v51;
	v35 =	vadd.f32 $2.833023970e-01, v35;
	v32 =	vmul.f32 v32, v28  }
0x147: {  	v54 =	vadd.f32 $-4.891557690e-01, v25;
	v22 =	vmul.f32 v22, v48;
	v33 =	vadd.f32 $2.833023970e-01, v33  }
0x148: {  	v29 =	vmul.f32 v29, v24;
	v57 =	vmul.f32 v21, v23;
	v20 =	vadd.f32 $9.990102050e-01, v20  }
0x149: {  	v37 =	vmul.f32 v54, v19;
	v22 =	vadd.f32 $9.990102050e-01, v22;
	v32 =	vadd.f32 $-4.891557690e-01, v32  }
0x14a: {  	v35 =	vmul.f32 v35, v26;
	v36 =	vadd.f32 $2.833023970e-01, v36;
	vm0 =	veq.s32 v50, v1  }
0x14b: {  	v54 =	vmax.f32 v14, $0.0e+00;
	v33 =	vmul.f32 v33, v27;
	v29 =	vadd.f32 $-4.891557690e-01, v29  }
0x14c: {  	v25 =	vpop (erf);
	v40 =	vadd.f32 $9.990102050e-01, v57;
	v21 =	vmul.f32 v22, v48;
	v22 =	vmul.f32 v20, v46  }
0x14d: {  	v55 =	vpop (erf);
	v37 =	vadd.f32 $9.990102050e-01, v37;
	v32 =	vmul.f32 v32, v28;
	v36 =	vmul.f32 v36, v51  }
0x14e: {  	v56 =	vpop (erf);
	v35 =	vadd.f32 $-4.891557690e-01, v35;
	v63 =	vmul.f32 $3.010224740e-02, v55;
	v46 =	vmul.f32 $3.010224740e-02, v25  }
0x14f: {  	v41 =	vpop (erf);
	v29 =	vmul.f32 v29, v24;
	v33 =	vadd.f32 $-4.891557690e-01, v33;
	v20 =	vmul.f32 v40, v23  }
0x150: {  	v44 =	vmul.f32 $3.010224740e-02, v56;
	v58 =	vpop (erf);
	v19 =	vmul.f32 v37, v19;
	v32 =	vadd.f32 $9.990102050e-01, v32  }
0x151: {  	v35 =	vmul.f32 v35, v26;
	v36 =	vadd.f32 $-4.891557690e-01, v36;
	v40 =	vmul.f32 $3.010224740e-02, v41;
	v59 =	vpop (erf)  }
0x152: {  	v48 =	vadd.f32 $-1.301179230e-01, v46;
	v29 =	vadd.f32 $9.990102050e-01, v29;
	v33 =	vmul.f32 v33, v27;
	v60 =	vpop (erf)  }
0x153: {  	v35 =	vadd.f32 $9.990102050e-01, v35;
	v36 =	vmul.f32 v36, v51;
	v23 =	vmul.f32 $3.010224740e-02, v60  }
0x154: {  	v37 =	vadd.f32 $2.213278460e-05, v20;
	v24 =	vmul.f32 v29, v24;
	v29 =	vmul.f32 $3.010224740e-02, v59  }
0x155: {  	v33 =	vadd.f32 $9.990102050e-01, v33;
	v26 =	vmul.f32 v35, v26;
	v36 =	vadd.f32 $9.990102050e-01, v36  }
0x156: {  	v35 =	vadd.f32 $-1.301179230e-01, v40;
	v61 =	vadd.f32 $-1.301179230e-01, v23;
	v23 =	vmul.f32 v32, v28  }
0x157: {  	v28 =	vmul.f32 $3.010224740e-02, v58;
	v29 =	vadd.f32 $-1.301179230e-01, v29;
	v27 =	vmul.f32 v33, v27  }
0x158: {  	v33 =	vadd.f32 $-1.301179230e-01, v63;
	v24 =	vadd.f32 $2.213278460e-05, v24;
	v34 =	vmul.f32 v36, v51  }
0x159: {  	v35 =	vmul.f32 v35, v41;
	v36 =	vadd.f32 $-1.301179230e-01, v44;
	v62 =	vmul.f32 v61, v60  }
0x15a: {  	v26 =	vadd.f32 $2.213278460e-05, v26;
	v28 =	vadd.f32 $-1.301179230e-01, v28;
	v29 =	vmul.f32 v29, v59  }
0x15b: {  	v51 =	vmax.f32 v18, $0.0e+00;
	v27 =	vadd.f32 $2.213278460e-05, v27;
	v32 =	vadd.f32 $2.833023970e-01, v62  }
0x15c: {  	v33 =	vmul.f32 v33, v55;
	v23 =	vadd.f32 $2.213278460e-05, v23;
	v29 =	vadd.f32 $2.833023970e-01, v29  }
0x15d: {  	v35 =	vadd.f32 $2.833023970e-01, v35;
	v28 =	vmul.f32 v28, v58;
	v32 =	vmul.f32 v32, v60  }
0x15e: {  	v36 =	vmul.f32 v36, v56;
	v33 =	vadd.f32 $2.833023970e-01, v33;
	v29 =	vmul.f32 v29, v59  }
0x15f: {  	v35 =	vmul.f32 v35, v41;
	v28 =	vadd.f32 $2.833023970e-01, v28;
	v32 =	vadd.f32 $-4.891557690e-01, v32  }
0x160: {  	v36 =	vadd.f32 $2.833023970e-01, v36;
	v33 =	vmul.f32 v33, v55;
	v29 =	vadd.f32 $-4.891557690e-01, v29  }
0x161: {  	v35 =	vadd.f32 $-4.891557690e-01, v35;
	v28 =	vmul.f32 v28, v58;
	v32 =	vmul.f32 v32, v60  }
0x162: {  	v36 =	vmul.f32 v36, v56;
	v33 =	vadd.f32 $-4.891557690e-01, v33;
	v29 =	vmul.f32 v29, v59  }
0x163: {  	v35 =	vmul.f32 v35, v41;
	v28 =	vadd.f32 $-4.891557690e-01, v28;
	v32 =	vadd.f32 $9.990102050e-01, v32  }
0x164: {  	v47 =	vmul.f32 v33, v55;
	v33 =	vmul.f32 v48, v25;
	v29 =	vadd.f32 $9.990102050e-01, v29  }
0x165: {  	v36 =	vadd.f32 $-4.891557690e-01, v36;
	v28 =	vmul.f32 v28, v58;
	v32 =	vmul.f32 v32, v60  }
0x166: {  	v35 =	vadd.f32 $9.990102050e-01, v35;
	v30 =	vadd.f32 $9.990102050e-01, v47;
	v29 =	vmul.f32 v29, v59  }
0x167: {  	v61 =	vmax.f32 v16, $0.0e+00;
	v28 =	vadd.f32 $9.990102050e-01, v28;
	v32 =	vadd.f32 $2.213278460e-05, v32  }
0x168: {  	v36 =	vmul.f32 v36, v56;
	v33 =	vadd.f32 $2.833023970e-01, v33;
	v29 =	vadd.f32 $2.213278460e-05, v29  }
0x169: {  	v35 =	vmul.f32 v35, v41;
	v28 =	vmul.f32 v28, v58;
	v31 =	vadd.f32 v32, v49  }
0x16a: {  	v53 =	vld [tilespmem:s18+$0x8010];
	v36 =	vadd.f32 $9.990102050e-01, v36;
	v30 =	vmul.f32 v30, v55;
	v29 =	vadd.f32 v29, v51  }
0x16b: {  	s19 =	smov.u32 @p0 s20;
	v33 =	vmul.f32 v33, v25;
	v28 =	vadd.f32 $2.213278460e-05, v28;
	v52 =	vsub.f32 v31, v4  }
0x16c: {  	v36 =	vmul.f32 v36, v56;
	v4 =	vmov s19;
	v18 =	vsub.f32 v29, v18  }
0x16d: {  	v55 =	vld [tilespmem:s18+$0x8020];
	v57 =	vadd.f32 $2.213278460e-05, v35;
	v28 =	vadd.f32 v28, v54;
	v38 =	vmul.f32 v52, v4  }
0x16e: {  	v56 =	vadd.f32 $-4.891557690e-01, v33;
	v58 =	vmax.f32 v13, $0.0e+00;
	v18 =	vmul.f32 v18, v4  }
0x16f: {  	v14 =	vsub.f32 v28, v14;
	v31 =	vsel vm0, v38, v31;
	vm0 =	veq.s32 v53, v1  }
0x170: {  	v12 =	vadd.f32 v31, v12;
	v31 =	vmul.f32 v56, v25;
	v18 =	vsel vm0, v18, v29;
	v29 =	vld [tilespmem:s18+$0x8030]  }
0x171: {  	v33 =	vadd.f32 v57, v58;
	v59 =	vadd.f32 $2.213278460e-05, v36;
	v14 =	vmul.f32 v14, v4  }
0x172: {  	vm0 =	veq.s32 v55, v1;
	v12 =	vadd.f32 v18, v12;
	v18 =	vadd.f32 $9.990102050e-01, v31  }
0x173: {  	v13 =	vsub.f32 v33, v13;
	v14 =	vsel vm0, v14, v28;
	v28 =	vmax.f32 v5, $0.0e+00  }
0x174: {  	v18 =	vmul.f32 v18, v25;
	v25 =	vadd.f32 v59, v28;
	v12 =	vadd.f32 v14, v12;
	v14 =	vld [tilespmem:s18+$0x8040]  }
0x175: {  	v13 =	vmul.f32 v13, v4;
	v28 =	vadd.f32 $2.213278460e-05, v30;
	vm0 =	veq.s32 v29, v1  }
0x176: {  	v29 =	vmax.f32 v8, $0.0e+00;
	v18 =	vadd.f32 $2.213278460e-05, v18;
	v5 =	vsub.f32 v25, v5  }
0x177: {  	v60 =	vld [tilespmem:s18+$0x8050];
	v28 =	vadd.f32 v28, v29;
	v29 =	vmax.f32 v10, $0.0e+00;
	v13 =	vsel vm0, v13, v33  }
0x178: {  	v12 =	vadd.f32 v13, v12;
	v18 =	vadd.f32 v18, v29;
	v13 =	vmul.f32 v5, v4  }
0x179: {  	v29 =	vadd.f32 $2.213278460e-05, v34;
	v8 =	vsub.f32 v28, v8;
	vm0 =	veq.s32 v14, v1  }
0x17a: {  	v27 =	vadd.f32 v27, v61;
	v14 =	vmax.f32 v17, $0.0e+00;
	v13 =	vsel vm0, v13, v25;
	v25 =	vld [tilespmem:s18+$0x8060]  }
0x17b: {  	v36 =	vadd.f32 $2.213278460e-05, v21;
	v14 =	vadd.f32 v29, v14;
	v29 =	vmul.f32 v8, v4  }
0x17c: {  	v38 =	vadd.f32 $2.213278460e-05, v19;
	vm0 =	veq.s32 v60, v1;
	v62 =	vsub.f32 v18, v10  }
0x17d: {  	v33 =	vadd.f32 $2.213278460e-05, v22;
	v5 =	vmax.f32 v42, $0.0e+00;
	v10 =	vsel vm0, v29, v28;
	v28 =	vld [tilespmem:s18+$0x8070]  }
0x17e: {  	v8 =	vmax.f32 v43, $0.0e+00;
	v13 =	vadd.f32 v13, v12;
	v29 =	vmul.f32 v62, v4  }
0x17f: {  	v19 =	vld [tilespmem:s18+$0x80A0];
	v12 =	vmax.f32 v7, $0.0e+00;
	v63 =	vsub.f32 v14, v17;
	vm0 =	veq.s32 v25, v1  }
0x180: {  	v13 =	vadd.f32 v10, v13;
	v25 =	vmax.f32 v15, $0.0e+00;
	v17 =	vsel vm0, v29, v18;
	v29 =	vld [tilespmem:s18+$0x8080]  }
0x181: {  	v22 =	vld [tilespmem:s18+$0x8090];
	v10 =	vmax.f32 v45, $0.0e+00;
	v30 =	vmul.f32 v63, v4;
	v26 =	vadd.f32 v26, v25  }
0x182: {  	v25 =	vmax.f32 v11, $0.0e+00;
	v18 =	vld [tilespmem:s18+$0x80E0];
	v13 =	vadd.f32 v17, v13;
	vm0 =	veq.s32 v28, v1  }
0x183: {  	v17 =	vld [tilespmem:s18+$0x80F0];
	v21 =	vadd.f32 v24, v25;
	v28 =	vsub.f32 v27, v16;
	v14 =	vsel vm0, v30, v14  }
0x184: {  	v25 =	vmax.f32 v9, $0.0e+00;
	v16 =	vld [tilespmem:s18+$0x80D0];
	v15 =	vsub.f32 v26, v15;
	v24 =	vadd.f32 v14, v13  }
0x185: {  	s20 =	simm.s32 $0x400;
	s19 =	simm.s32 $0x0;
	v20 =	vmul.f32 v28, v4;
	v13 =	vadd.f32 v23, v25;
	v14 =	vld [tilespmem:s18+$0x80C0];
	vm0 =	veq.s32 v29, v1  }
.LBB2_4:
0x186: {  	v23 =	vld [tilespmem:s18+$0x80B0];
	s18 =	sshra.s32 s20, $0x2;
	v12 =	vadd.f32 v38, v12  }
0x187: {  	v10 =	vadd.f32 v37, v10;
	v20 =	vsel vm0, v20, v27;
	v11 =	vsub.f32 v21, v11;
	v3 =	vld [tilespmem:s18+$0x40C0]  }
0x188: {  	v15 =	vmul.f32 v15, v4;
	v9 =	vsub.f32 v13, v9;
	v2 =	vld [tilespmem:s18+$0x40B0];
	v20 =	vadd.f32 v20, v24  }
0x189: {  	v24 =	vld [tilespmem:s18+$0x40D0];
	v11 =	vmul.f32 v11, v4;
	vm0 =	veq.s32 v22, v1;
	vm1 =	veq.s32 v17, v1  }
0x18a: {  	v15 =	vsel vm0, v15, v26;
	vm0 =	veq.s32 v19, v1;
	v19 =	vmul.f32 v9, v4  }
0x18b: {  	v17 =	vld [tilespmem:s18+$0x4050];
	v15 =	vadd.f32 v15, v20;
	v11 =	vsel vm0, v11, v21;
	v20 =	vsub.f32 v12, v7  }
0x18c: {  	v22 =	vld [tilespmem:s18+$0x40E0];
	vm0 =	veq.s32 v23, v1;
	v21 =	vadd.f32 v36, v8;
	v7 =	vsub.f32 v10, v45  }
0x18d: {  	v25 =	vld [tilespmem:s18+$0x40F0];
	v23 =	vadd.f32 v33, v5;
	v27 =	vand.u32 $0x7FFFFFFF, v3;
	v30 =	vand.u32 $0x7FFFFFFF, v2  }
0x18e: {  	v8 =	vsel vm0, v19, v13;
	vm0 =	veq.s32 v14, v1;
	v5 =	vmovc v24;
	v27 =	vsub.f32 $0.0e+00, v27  }
0x18f: {  	v15 =	vadd.f32 v11, v15;
	v19 =	vmul.f32 v20, v4;
	v28 =	vand.u32 $0x7FFFFFFF, v5  }
0x190: {  	v14 =	vld [tilespmem:s18+$0x4080];
	v30 =	vsub.f32 $0.0e+00, v30;
	v35 =	vand.u32 $0x7FFFFFFF, v17;
	v28 =	vsub.f32 $0.0e+00, v28  }
0x191: {  	v24 =	vld [tilespmem:s18+$0x4000];
	v9 =	vmovc v22;
	v27 =	vmul.f32 $1.442695020e+00, v27;
	v8 =	vadd.f32 v8, v15;
	v6 =	vsel vm0, v19, v12  }
0x192: {  	v11 =	vld [tilespmem:s18+$0x40A0];
	v12 =	vmul.f32 v7, v4;
	v19 =	vsub.f32 v21, v43;
	v7 =	vmovc v25;
	v25 =	vand.u32 $0x7FFFFFFF, v9  }
0x193: {  	vm0 =	veq.s32 v16, v1;
	v26 =	vand.u32 $0x7FFFFFFF, v7;
	v25 =	vsub.f32 $0.0e+00, v25  }
0x194: {  	v28 =	vmul.f32 $1.442695020e+00, v28;
	v8 =	vadd.f32 v6, v8;
	v10 =	vsel vm0, v12, v10  }
0x195: {  	v16 =	vld [tilespmem:s18+$0x4060];
	v12 =	vmul.f32 v19, v4;
	v19 =	vsub.f32 v23, v42;
	v6 =	vmax.f32 v7, $0.0e+00  }
0x196: {  	v15 =	vld [tilespmem:s18+$0x4070];
	vm0 =	veq.s32 v18, v1;
	v57 =	vand.u32 $0x7FFFFFFF, v14;
	v26 =	vsub.f32 $0.0e+00, v26  }
0x197: {  	v18 =	vld [tilespmem:s18+$0x4040];
	v39 =	vand.u32 $0x7FFFFFFF, v24;
	v41 =	vmax.f32 v24, $0.0e+00;
	v29 =	vand.u32 $0x7FFFFFFF, v11  }
0x198: {  	v25 =	vmul.f32 $1.442695020e+00, v25;
	v20 =	vadd.f32 v10, v8;
	v21 =	vsel vm0, v12, v21  }
0x199: {  	v13 =	vld [tilespmem:s18+$0x4090];
	v22 =	vmul.f32 v19, v4;
	v12 =	vmax.f32 v3, $0.0e+00;
	v10 =	vmax.f32 v5, $0.0e+00  }
0x19a: {  	[tilespmem:$0x1FFA0] =	vst v3;
	v19 =	vld [tilespmem:s18+$0x4030];
	v26 =	vmul.f32 $1.442695020e+00, v26;
	v3 =	vmax.f32 v2, $0.0e+00;
	v31 =	vand.u32 $0x7FFFFFFF, v16  }
0x19b: {  	v32 =	vand.u32 $0x7FFFFFFF, v15;
	v21 =	vadd.f32 v21, v20;
	v23 =	vsel vm1, v22, v23  }
0x19c: {  	(erf) = vpow2.f32 v26;
	v26 =	vsub.f32 $0.0e+00, v29;
	v34 =	vand.u32 $0x7FFFFFFF, v18  }
0x19d: {  	v20 =	vld [tilespmem:s18+$0x4020];
	(erf) = vpow2.f32 v25;
	v25 =	vmul.f32 $1.442695020e+00, v30;
	v30 =	vmax.f32 v17, $0.0e+00  }
0x19e: {  	v22 =	vld [tilespmem:s18+$0x4010];
	v21 =	vadd.f32 v23, v21;
	v23 =	vand.u32 $0x7FFFFFFF, v13;
	(erf) = vpow2.f32 v28  }
0x19f: {  	v28 =	vsub.f32 $0.0e+00, v57;
	v26 =	vmul.f32 $1.442695020e+00, v26;
	v59 =	vand.u32 $0x7FFFFFFF, v19  }
0x1a0: {  	v23 =	vsub.f32 $0.0e+00, v23;
	(erf) = vpow2.f32 v27;
	v27 =	vsub.f32 $0.0e+00, v32  }
0x1a1: {  	v32 =	vmax.f32 v19, $0.0e+00;
	(erf) = vpow2.f32 v25;
	v25 =	vsub.f32 $0.0e+00, v31  }
0x1a2: {  	v28 =	vmul.f32 $1.442695020e+00, v28;
	v31 =	vmax.f32 v18, $0.0e+00;
	v23 =	vmul.f32 $1.442695020e+00, v23  }
0x1a3: {  	v58 =	vand.u32 $0x7FFFFFFF, v20;
	v60 =	vand.u32 $0x7FFFFFFF, v22;
	(erf) = vpow2.f32 v26  }
0x1a4: {  	v26 =	vsub.f32 $0.0e+00, v35;
	v27 =	vmul.f32 $1.442695020e+00, v27;
	(erf) = vpow2.f32 v23  }
0x1a5: {  	v25 =	vmul.f32 $1.442695020e+00, v25;
	v23 =	vsub.f32 $0.0e+00, v34;
	(erf) = vpow2.f32 v28  }
0x1a6: {  	v26 =	vmul.f32 $1.442695020e+00, v26;
	v28 =	vsub.f32 $0.0e+00, v59;
	(erf) = vpow2.f32 v27  }
0x1a7: {  	[tilespmem:$0x1FF90] =	vst v6;
	v27 =	vsub.f32 $0.0e+00, v58;
	v6 =	vmul.f32 $1.442695020e+00, v23;
	v33 =	vpop (erf);
	(erf) = vpow2.f32 v25  }
0x1a8: {  	v34 =	vmax.f32 v22, $0.0e+00;
	v28 =	vmul.f32 $1.442695020e+00, v28;
	v44 =	vmul.f32 $3.010224740e-02, v33  }
0x1a9: {  	v25 =	vsub.f32 $0.0e+00, v60;
	v37 =	vpop (erf);
	(erf) = vpow2.f32 v26;
	v27 =	vmul.f32 $1.442695020e+00, v27  }
0x1aa: {  	v26 =	vsub.f32 $0.0e+00, v39;
	v36 =	vpop (erf);
	v48 =	vmul.f32 $3.010224740e-02, v37;
	(erf) = vpow2.f32 v6  }
0x1ab: {  	v29 =	vmul.f32 $1.442695020e+00, v25;
	v50 =	vmul.f32 $3.010224740e-02, v36;
	v59 =	vadd.f32 $-1.301179230e-01, v44  }
0x1ac: {  	v39 =	vpop (erf);
	(erf) = vpow2.f32 v28;
	v61 =	vmul.f32 $1.442695020e+00, v26;
	v26 =	vmax.f32 v13, $0.0e+00  }
0x1ad: {  	v38 =	vpop (erf);
	v28 =	vmax.f32 v15, $0.0e+00;
	v49 =	vmul.f32 $3.010224740e-02, v39;
	v62 =	vadd.f32 $-1.301179230e-01, v48  }
0x1ae: {  	(erf) = vpow2.f32 v27;
	v27 =	vmax.f32 v14, $0.0e+00;
	v52 =	vmul.f32 $3.010224740e-02, v38  }
0x1af: {  	v43 =	vpop (erf);
	v59 =	vmul.f32 v59, v33;
	(erf) = vpow2.f32 v29;
	v29 =	vmax.f32 v16, $0.0e+00  }
0x1b0: {  	v23 =	vmovc v2;
	v51 =	vmul.f32 $3.010224740e-02, v43;
	v2 =	vadd.f32 $-1.301179230e-01, v49;
	v62 =	vmul.f32 v62, v37  }
0x1b1: {  	(erf) = vpow2.f32 v61;
	v42 =	vpop (erf);
	v61 =	vadd.f32 $-1.301179230e-01, v50;
	v52 =	vadd.f32 $-1.301179230e-01, v52  }
0x1b2: {  	v59 =	vadd.f32 $2.833023970e-01, v59;
	v46 =	vpop (erf);
	v54 =	vmul.f32 $3.010224740e-02, v42;
	v2 =	vmul.f32 v2, v39  }
0x1b3: {  	v51 =	vadd.f32 $-1.301179230e-01, v51;
	v53 =	vmul.f32 $3.010224740e-02, v46;
	v61 =	vmul.f32 v61, v36  }
0x1b4: {  	v62 =	vadd.f32 $2.833023970e-01, v62;
	v47 =	vpop (erf);
	v52 =	vmul.f32 v52, v38;
	v59 =	vmul.f32 v59, v33  }
0x1b5: {  	v56 =	vmul.f32 $3.010224740e-02, v47;
	v54 =	vadd.f32 $-1.301179230e-01, v54;
	v51 =	vmul.f32 v51, v43  }
0x1b6: {  	v45 =	vpop (erf);
	v2 =	vadd.f32 $2.833023970e-01, v2;
	v62 =	vmul.f32 v62, v37;
	v53 =	vadd.f32 $-1.301179230e-01, v53  }
0x1b7: {  	v40 =	vpop (erf);
	v55 =	vmul.f32 $3.010224740e-02, v45;
	v61 =	vadd.f32 $2.833023970e-01, v61;
	v52 =	vadd.f32 $2.833023970e-01, v52  }
0x1b8: {  	v59 =	vadd.f32 $-4.891557690e-01, v59;
	v58 =	vmul.f32 $3.010224740e-02, v40;
	v56 =	vadd.f32 $-1.301179230e-01, v56  }
0x1b9: {  	v35 =	vpop (erf);
	v54 =	vmul.f32 v54, v42;
	v51 =	vadd.f32 $2.833023970e-01, v51;
	v2 =	vmul.f32 v2, v39  }
0x1ba: {  	v62 =	vadd.f32 $-4.891557690e-01, v62;
	v57 =	vmul.f32 $3.010224740e-02, v35;
	v53 =	vmul.f32 v53, v46  }
0x1bb: {  	v44 =	vpop (erf);
	v55 =	vadd.f32 $-1.301179230e-01, v55;
	v61 =	vmul.f32 v61, v36;
	v52 =	vmul.f32 v52, v38  }
0x1bc: {  	v59 =	vmul.f32 v59, v33;
	v60 =	vmul.f32 $3.010224740e-02, v44;
	v58 =	vadd.f32 $-1.301179230e-01, v58  }
0x1bd: {  	v56 =	vmul.f32 v56, v47;
	v54 =	vadd.f32 $2.833023970e-01, v54;
	v51 =	vmul.f32 v51, v43  }
0x1be: {  	v48 =	vpop (erf);
	v2 =	vadd.f32 $-4.891557690e-01, v2;
	v62 =	vmul.f32 v62, v37;
	v57 =	vadd.f32 $-1.301179230e-01, v57  }
0x1bf: {  	v63 =	vmul.f32 $3.010224740e-02, v48;
	v53 =	vadd.f32 $2.833023970e-01, v53;
	v61 =	vadd.f32 $-4.891557690e-01, v61  }
0x1c0: {  	v49 =	vpop (erf);
	v55 =	vmul.f32 v55, v45;
	v52 =	vadd.f32 $-4.891557690e-01, v52;
	v59 =	vadd.f32 $9.990102050e-01, v59  }
0x1c1: {  	[tilespmem:$0x1FFB0] =	vst v3;
	v3 =	vmul.f32 $3.010224740e-02, v49;
	v60 =	vadd.f32 $-1.301179230e-01, v60;
	v58 =	vmul.f32 v58, v40  }
0x1c2: {  	v50 =	vpop (erf);
	v56 =	vadd.f32 $2.833023970e-01, v56;
	v54 =	vmul.f32 v54, v42;
	v51 =	vadd.f32 $-4.891557690e-01, v51  }
0x1c3: {  	v2 =	vmul.f32 v2, v39;
	v62 =	vadd.f32 $9.990102050e-01, v62;
	v6 =	vmul.f32 $3.010224740e-02, v50  }
0x1c4: {  	v63 =	vadd.f32 $-1.301179230e-01, v63;
	v57 =	vmul.f32 v57, v35;
	v53 =	vmul.f32 v53, v46  }
0x1c5: {  	v55 =	vadd.f32 $2.833023970e-01, v55;
	v61 =	vmul.f32 v61, v36;
	v52 =	vmul.f32 v52, v38  }
0x1c6: {  	v33 =	vmul.f32 v59, v33;
	v3 =	vadd.f32 $-1.301179230e-01, v3;
	v60 =	vmul.f32 v60, v44  }
0x1c7: {  	v58 =	vadd.f32 $2.833023970e-01, v58;
	v56 =	vmul.f32 v56, v47;
	v54 =	vadd.f32 $-4.891557690e-01, v54  }
0x1c8: {  	v2 =	vadd.f32 $9.990102050e-01, v2;
	v37 =	vmul.f32 v62, v37;
	v6 =	vadd.f32 $-1.301179230e-01, v6  }
0x1c9: {  	v63 =	vmul.f32 v63, v48;
	v57 =	vadd.f32 $2.833023970e-01, v57;
	v53 =	vadd.f32 $-4.891557690e-01, v53  }
0x1ca: {  	v55 =	vmul.f32 v55, v45;
	v61 =	vadd.f32 $9.990102050e-01, v61;
	v52 =	vadd.f32 $9.990102050e-01, v52  }
0x1cb: {  	v3 =	vmul.f32 v3, v49;
	v60 =	vadd.f32 $2.833023970e-01, v60;
	v58 =	vmul.f32 v58, v40  }
0x1cc: {  	v56 =	vadd.f32 $-4.891557690e-01, v56;
	v54 =	vmul.f32 v54, v42;
	v2 =	vmul.f32 v2, v39  }
0x1cd: {  	v6 =	vmul.f32 v6, v50;
	v63 =	vadd.f32 $2.833023970e-01, v63;
	v57 =	vmul.f32 v57, v35  }
0x1ce: {  	v55 =	vadd.f32 $-4.891557690e-01, v55;
	v53 =	vmul.f32 v53, v46;
	v62 =	vmul.f32 v61, v36  }
0x1cf: {  	v36 =	vadd.f32 $2.213278460e-05, v37;
	v3 =	vadd.f32 $2.833023970e-01, v3;
	v60 =	vmul.f32 v60, v44  }
0x1d0: {  	v58 =	vadd.f32 $-4.891557690e-01, v58;
	v56 =	vmul.f32 v56, v47;
	v6 =	vadd.f32 $2.833023970e-01, v6  }
0x1d1: {  	v54 =	vadd.f32 $9.990102050e-01, v54;
	v63 =	vmul.f32 v63, v48;
	v57 =	vadd.f32 $-4.891557690e-01, v57  }
0x1d2: {  	v55 =	vmul.f32 v55, v45;
	v53 =	vadd.f32 $9.990102050e-01, v53;
	v6 =	vmul.f32 v6, v50  }
0x1d3: {  	v37 =	vadd.f32 $2.213278460e-05, v62;
	v3 =	vmul.f32 v3, v49;
	v60 =	vadd.f32 $-4.891557690e-01, v60  }
0x1d4: {  	v58 =	vmul.f32 v58, v40;
	v56 =	vadd.f32 $9.990102050e-01, v56;
	v6 =	vadd.f32 $-4.891557690e-01, v6  }
0x1d5: {  	v42 =	vmul.f32 v54, v42;
	v63 =	vadd.f32 $-4.891557690e-01, v63;
	v57 =	vmul.f32 v57, v35  }
0x1d6: {  	v55 =	vadd.f32 $9.990102050e-01, v55;
	v3 =	vadd.f32 $-4.891557690e-01, v3;
	v6 =	vmul.f32 v6, v50  }
0x1d7: {  	v60 =	vmul.f32 v60, v44;
	v58 =	vadd.f32 $9.990102050e-01, v58;
	v47 =	vmul.f32 v56, v47  }
0x1d8: {  	v42 =	vadd.f32 $2.213278460e-05, v42;
	v3 =	vmul.f32 v3, v49;
	v6 =	vadd.f32 $9.990102050e-01, v6  }
0x1d9: {  	v63 =	vmul.f32 v63, v48;
	v57 =	vadd.f32 $9.990102050e-01, v57;
	v60 =	vadd.f32 $9.990102050e-01, v60  }
0x1da: {  	v47 =	vadd.f32 $2.213278460e-05, v47;
	v3 =	vadd.f32 $9.990102050e-01, v3;
	v6 =	vmul.f32 v6, v50  }
0x1db: {  	v40 =	vmul.f32 v58, v40;
	v59 =	vadd.f32 $9.990102050e-01, v63;
	v63 =	vmul.f32 v52, v38  }
0x1dc: {  	v38 =	vadd.f32 $2.213278460e-05, v2;
	v3 =	vmul.f32 v3, v49;
	v6 =	vadd.f32 $2.213278460e-05, v6  }
0x1dd: {  	v2 =	vmul.f32 v55, v45;
	v40 =	vadd.f32 $2.213278460e-05, v40;
	v55 =	vmul.f32 v59, v48  }
0x1de: {  	v51 =	vmul.f32 v51, v43;
	v56 =	vld [tilespmem:s18+$0x8000];
	v3 =	vadd.f32 $2.213278460e-05, v3;
	v6 =	vadd.f32 v6, v41  }
0x1df: {  	v44 =	vmul.f32 v60, v44;
	v54 =	vadd.f32 $2.213278460e-05, v63;
	v59 =	vadd.f32 $2.213278460e-05, v55  }
0x1e0: {  	v61 =	vmax.f32 v20, $0.0e+00;
	v60 =	vld [tilespmem:s18+$0x8010];
	v3 =	vadd.f32 v3, v34;
	v24 =	vsub.f32 v6, v24  }
0x1e1: {  	v35 =	vmul.f32 v57, v35;
	v2 =	vadd.f32 $2.213278460e-05, v2;
	v44 =	vadd.f32 $2.213278460e-05, v44  }
0x1e2: {  	v62 =	vld [tilespmem:s18+$0x8020];
	v34 =	vadd.f32 v59, v61;
	v22 =	vsub.f32 v3, v22;
	v24 =	vmul.f32 v24, v4  }
0x1e3: {  	vm0 =	veq.s32 v56, v1;
	v35 =	vadd.f32 $2.213278460e-05, v35;
	v32 =	vadd.f32 v44, v32  }
0x1e4: {  	v20 =	vsub.f32 v34, v20;
	v22 =	vmul.f32 v22, v4;
	v6 =	vsel vm0, v24, v6;
	v24 =	vld [tilespmem:s18+$0x8030]  }
0x1e5: {  	v19 =	vsub.f32 v32, v19;
	vm0 =	veq.s32 v60, v1;
	v6 =	vadd.f32 v6, v21  }
0x1e6: {  	v20 =	vmul.f32 v20, v4;
	v21 =	vadd.f32 v35, v31;
	v3 =	vsel vm0, v22, v3;
	v22 =	vld [tilespmem:s18+$0x8040]  }
0x1e7: {  	v19 =	vmul.f32 v19, v4;
	vm0 =	veq.s32 v62, v1;
	v3 =	vadd.f32 v3, v6  }
0x1e8: {  	v63 =	vld [tilespmem:s18+$0x8050];
	v20 =	vsel vm0, v20, v34;
	v6 =	vadd.f32 v40, v30;
	v18 =	vsub.f32 v21, v18  }
0x1e9: {  	v2 =	vadd.f32 v2, v29;
	v3 =	vadd.f32 v20, v3;
	vm0 =	veq.s32 v24, v1  }
0x1ea: {  	v18 =	vmul.f32 v18, v4;
	v17 =	vsub.f32 v6, v17;
	v20 =	vld [tilespmem:s18+$0x8060];
	v19 =	vsel vm0, v19, v32  }
0x1eb: {  	v16 =	vsub.f32 v2, v16;
	vm0 =	veq.s32 v22, v1;
	v3 =	vadd.f32 v19, v3  }
0x1ec: {  	v24 =	vld [tilespmem:s18+$0x8070];
	v19 =	vadd.f32 v47, v28;
	v18 =	vsel vm0, v18, v21;
	v21 =	vmul.f32 v17, v4  }
0x1ed: {  	v46 =	vmul.f32 v53, v46;
	vm0 =	veq.s32 v63, v1;
	v3 =	vadd.f32 v18, v3  }
0x1ee: {  	v16 =	vmul.f32 v16, v4;
	v6 =	vsel vm0, v21, v6;
	v15 =	vsub.f32 v19, v15  }
0x1ef: {  	v46 =	vadd.f32 $2.213278460e-05, v46;
	v45 =	vmovc v5;
	v5 =	vld [tilespmem:$0x1FF90];
	vm0 =	veq.s32 v20, v1;
	v3 =	vadd.f32 v6, v3  }
0x1f0: {  	v26 =	vadd.f32 v42, v26;
	v42 =	vmovc v7;
	v7 =	vld [tilespmem:$0x1FFA0];
	v2 =	vsel vm0, v16, v2;
	v6 =	vmul.f32 v15, v4  }
0x1f1: {  	v51 =	vadd.f32 $9.990102050e-01, v51;
	v22 =	vld [tilespmem:s18+$0x8090];
	vm0 =	veq.s32 v24, v1;
	v2 =	vadd.f32 v2, v3  }
0x1f2: {  	s19 =	sadd.s32 $0x10, s19;
	v27 =	vadd.f32 v46, v27;
	v28 =	vld [tilespmem:s18+$0x8080];
	v3 =	vsel vm0, v6, v19  }
0x1f3: {  	p1 =	slt.u32 s19, $0x3F0;
	v43 =	vmul.f32 v51, v43;
	v24 =	vadd.f32 v3, v2;
	v2 =	vld [tilespmem:$0x1FFB0]  }
.Ltmp1:
0x1f4: {  	v14 =	vsub.f32 v27, v14;
	v17 =	vld [tilespmem:s18+$0x80F0];
	(pc) =	sbr.rel @p1 .LBB2_4-.Ltmp1, $4  }
0x1f5: {  	v53 =	vadd.f32 $2.213278460e-05, v43;
	v18 =	vld [tilespmem:s18+$0x80E0]  }
0x1f6: {  	v25 =	vmax.f32 v11, $0.0e+00;
	v20 =	vmul.f32 v14, v4;
	v14 =	vld [tilespmem:s18+$0x80C0]  }
0x1f7: {  	v8 =	vmax.f32 v9, $0.0e+00;
	v33 =	vadd.f32 $2.213278460e-05, v33;
	v43 =	vmovc v9;
	v21 =	vadd.f32 v53, v25;
	v16 =	vld [tilespmem:s18+$0x80D0]  }
0x1f8: {  	s20 =	sadd.s32 $0x400, s20;
	v9 =	vmovc v23;
	v15 =	vsub.f32 v26, v13;
	v19 =	vld [tilespmem:s18+$0x80A0];
	vm0 =	veq.s32 v28, v1;
	v13 =	vadd.f32 v54, v2  }
0x1f9: {  	_ = 	snop  }
0x1fa: {  	v2 =	vsel vm0, v20, v27;
	v6 =	vsub.f32 v21, v11;
	v53 =	vld [tilespmem:s18+$0x80B0];
	v3 =	vmul.f32 v15, v4  }
0x1fb: {  	vm9 =	veq.s32 v22, v1;
	v12 =	vadd.f32 v38, v12;
	v2 =	vadd.f32 v2, v24  }
0x1fc: {  	v9 =	vsub.f32 v13, v9;
	v6 =	vmul.f32 v6, v4;
	v3 =	vsel vm9, v3, v26  }
0x1fd: {  	v54 =	vsub.f32 v12, v7;
	v2 =	vadd.f32 v3, v2;
	vm10 =	veq.s32 v19, v1  }
0x1fe: {  	v9 =	vmul.f32 v9, v4;
	v3 =	vadd.f32 v37, v10;
	v6 =	vsel vm10, v6, v21  }
0x1ff: {  	v55 =	vadd.f32 v36, v8;
	vm11 =	veq.s32 v53, v1;
	v2 =	vadd.f32 v6, v2  }
0x200: {  	v57 =	vmul.f32 v54, v4;
	v56 =	vsel vm11, v9, v13;
	v58 =	vsub.f32 v3, v45  }
0x201: {  	v5 =	vadd.f32 v33, v5;
	vm12 =	veq.s32 v14, v1;
	v2 =	vadd.f32 v56, v2  }
0x202: {  	v60 =	vsub.f32 v55, v43;
	v59 =	vsel vm12, v57, v12;
	v7 =	vmul.f32 v58, v4  }
0x203: {  	vm13 =	veq.s32 v16, v1;
	v2 =	vadd.f32 v59, v2  }
0x204: {  	v62 =	vsub.f32 v5, v42;
	v61 =	vmul.f32 v60, v4;
	v3 =	vsel vm13, v7, v3  }
0x205: {  	vm14 =	veq.s32 v18, v1;
	v2 =	vadd.f32 v3, v2  }
0x206: {  	v63 =	vmul.f32 v62, v4;
	v3 =	vsel vm14, v61, v55  }
0x207: {  	vm15 =	veq.s32 v17, v1;
	v2 =	vadd.f32 v3, v2  }
0x208: {  	v3 =	vsel vm15, v63, v5  }
0x209: {  	v2 =	vadd.f32 v3, v2;
	_ =	sdelay $0x1  }
0x20a: {  	s17 =	sadd.s32 $0x1, s17;
	v2 =	vmul.f32 $1.192092900e-07, v2  }
0x20b: {  	p1 =	sne.s32 s17, s9  }
.Ltmp2:
0x20c: {  	[tilespmem:$0xC080] =	vst v2;
	(pc) =	sbr.rel @p1 .LBB2_1-.Ltmp2, $4  }
0x20d: {  	[hbm4b:s8+s2] =	stream.linear.scatter [tilespmem:s16], [sflag:$0x4], $0x80, $0x38;
	[tilespmem:$0xC100] =	vst v63  }
0x20e: {  	_ =	swait.ge [sflag:s11], $0x80  }
0x20f: {  	[sflag:s11] =	ssyncset.done $0x0  }
0x210: {  	[sflag:s11] =	ssyncadd.s32 $0xFFFFFF80  }
0x211: {  	_ =	sfence.sel $0x180000  }
0x212: {  	[bflag:$0x0] =	sbarrier.arrive $0xFFFF  }
0x213: {  	p0 =	sne.s32 s0, $0x0;
	_ =	strace $0x90000047  }
0x214: {  	s0 =	sadd.s32 @!p0 $0x100000, s1;
	[bflag:$0x2] =	sbarrier.arrive $0xFFFF  }
0x215: {  	[sflag:s0] =	ssyncadd.tile.s32 @!p0 $0x1;
	_ =	shalt  }
.Lfunc_end2:
_tile_overlayer_lowered:
.L_overlay_start_2:
0x216: {  	(tag) =	ssettag $0x2  }
0x217: {  	s0 =	rddreg [dreg:$0x0];
	s2 =	stileid.u32  }
0x218: {  	s1 =	rddreg [dreg:$0x1];
	p0 =	sne.s32 s2, $0x0  }
0x219: {  	s3 =	rddreg [dreg:$0x2];
	[bflag:$0x3] =	sbarrier.arrive $0xFFFF;
	s2 =	simm.s32 @!p0 $0x1C04  }
0x21a: {  	[timem:s3], [sflag:s2] =	dma.local @!p0 [hbm:s0], s1  }
0x21b: {  	s0 =	simm.s32 @!p0 $0x4  }
0x21c: {  	_ =	swait.ge @!p0 [sflag:s0], s1  }
0x21d: {  	s1 =	ssub.s32 @!p0 $0x0, s1;
	[sflag:s0] =	ssyncset.done @!p0 $0x0  }
0x21e: {  	[sflag:s0] =	ssyncadd.s32 @!p0 s1  }
0x21f: {  	[bflag:$0x3] =	sbarrier.arrive $0xFFFF  }
0x220: {  	_ =	shalt  }

</sc_bundles>
